<compile_context>
chip_gen: v7x
topology: tpu7x:2x2x1
jax: 0.10.2.dev20260603
libtpu: 0.0.44.dev20260713+nightly
codegen_flags: <defaults>
</compile_context>

<pallas_src>
import jax
import jax.numpy as jnp
from jax import lax
from jax.experimental import pallas as pl
from jax.experimental.pallas import tpu as pltpu
from jax.experimental.pallas import tpu_sc as plsc

N = 10000
E = 320000
D = 128
DE = 16
K = 8
G = 128
T = 10

NC = 2
NS = 16
CHUNK = 80
EPT = E // (NC * NS)
NCHUNK = EPT // CHUNK
NPAD = 10240
RPT = NPAD // NS
XZ = 64
SZ = 160


def _isnan0(v):
    return jnp.where(jnp.isnan(v), jnp.float32(0.0), v)


def _sqrt_sc(z):
    i = plsc.bitcast(z, jnp.int32)
    i = jnp.int32(0x5F3759DF) - (i >> 1)
    y = plsc.bitcast(i, jnp.float32)
    for _ in range(3):
        y = y * (jnp.float32(1.5) - jnp.float32(0.5) * z * y * y)
    return z * y


def _sc_body(x_hbm, u_hbm, src_hbm, dst_hbm, ea_hbm,
             out_x, out_ea, out_pe,
             acc_x, acc_ea,
             src_idx, dst_idx, x_rows, ea_buf, us, ud, pe_acc, zbt,
             zb_x, zb_s, sem, sem_s, sem_d, sem_l1, sem_l2, sem_l3,
             sem_ea):
    cid = lax.axis_index("c")
    sid = lax.axis_index("s")
    wid = cid * NS + sid

    zero16 = jnp.zeros((16,), jnp.float32)

    def zrow_x(r, carry):
        for cc in range(D // 16):
            zb_x[r, pl.ds(cc * 16, 16)] = zero16
        return carry
    lax.fori_loop(0, XZ, zrow_x, None)

    def zrow_s(r, carry):
        zb_s[r, :] = zero16
        return carry
    lax.fori_loop(0, SZ, zrow_s, None)

    def zrow_pe(r, carry):
        pe_acc[pl.ds(r * 16, 16)] = zero16
        return carry
    lax.fori_loop(0, N // 16, zrow_pe, None)

    for r in range((NPAD - N) // 16):
        zbt[pl.ds(r * 16, 16)] = zero16

    for j in range(RPT // XZ):
        pltpu.sync_copy(zb_x, acc_x.at[pl.ds(sid * RPT + j * XZ, XZ)])
    for j in range(RPT // SZ):
        pltpu.sync_copy(zb_s, acc_ea.at[pl.ds(sid * RPT + j * SZ, SZ)])
    plsc.subcore_barrier()

    lanes = lax.iota(jnp.int32, 16)

    def chunk_body(c, carry):
        e0 = wid * EPT + c * CHUNK
        l1 = pltpu.async_copy(src_hbm.at[pl.ds(e0, CHUNK)], src_idx, sem_l1)
        l2 = pltpu.async_copy(dst_hbm.at[pl.ds(e0, CHUNK)], dst_idx, sem_l2)
        l3 = pltpu.async_copy(ea_hbm.at[pl.ds(e0, CHUNK)], ea_buf, sem_l3)
        l1.wait()
        cx = pltpu.async_copy(x_hbm.at[src_idx], x_rows, sem)
        cs = pltpu.async_copy(u_hbm.at[src_idx], us, sem_s)
        l2.wait()
        cd = pltpu.async_copy(u_hbm.at[dst_idx], ud, sem_d)
        l3.wait()
        cea = pltpu.async_copy(ea_buf, acc_ea.at[dst_idx], sem_ea, add=True)
        cx.wait()
        csx = pltpu.async_copy(x_rows, acc_x.at[dst_idx], sem, add=True)
        cs.wait()
        cd.wait()

        for g in range(CHUNK // 16):
            rows = lanes + g * 16
            acc = jnp.zeros((16,), jnp.float32)
            for k in range(K):
                kk = jnp.full((16,), k, jnp.int32)
                a = _isnan0(plsc.load_gather(us, [rows, kk]))
                b = _isnan0(plsc.load_gather(ud, [rows, kk]))
                d = a - b
                acc = acc + d * d
            pe = _sqrt_sc(acc + jnp.float32(1e-12))
            dv = dst_idx[pl.ds(g * 16, 16)]
            plsc.addupdate_scatter(pe_acc, [dv], pe)

        csx.wait()
        cea.wait()
        return carry

    lax.fori_loop(0, NCHUNK, chunk_body, None)
    plsc.subcore_barrier()

    base = cid * NPAD + sid * RPT
    for j in range(RPT // XZ):
        pltpu.sync_copy(acc_x.at[pl.ds(sid * RPT + j * XZ, XZ)], zb_x)
        pltpu.sync_copy(zb_x, out_x.at[pl.ds(base + j * XZ, XZ)])
    for j in range(RPT // SZ):
        pltpu.sync_copy(acc_ea.at[pl.ds(sid * RPT + j * SZ, SZ)], zb_s)
        pltpu.sync_copy(zb_s, out_ea.at[pl.ds(base + j * SZ, SZ)])
    pltpu.sync_copy(pe_acc, out_pe.at[wid, pl.ds(0, N)])
    pltpu.sync_copy(zbt, out_pe.at[wid, pl.ds(N, NPAD - N)])


_sc_edges = pl.kernel(
    _sc_body,
    out_type=(
        jax.ShapeDtypeStruct((NC * NPAD, D), jnp.float32),
        jax.ShapeDtypeStruct((NC * NPAD, DE), jnp.float32),
        jax.ShapeDtypeStruct((NC * NS, NPAD), jnp.float32),
    ),
    mesh=plsc.VectorSubcoreMesh(core_axis_name="c", subcore_axis_name="s"),
    compiler_params=pltpu.CompilerParams(
        needs_layout_passes=False, use_tc_tiling_on_sc=False),
    scratch_types=(
        pltpu.VMEM_SHARED((NPAD, D), jnp.float32),
        pltpu.VMEM_SHARED((NPAD, DE), jnp.float32),
        pltpu.VMEM((CHUNK,), jnp.int32),
        pltpu.VMEM((CHUNK,), jnp.int32),
        pltpu.VMEM((CHUNK, D), jnp.float32),
        pltpu.VMEM((CHUNK, DE), jnp.float32),
        pltpu.VMEM((CHUNK, K), jnp.float32),
        pltpu.VMEM((CHUNK, K), jnp.float32),
        pltpu.VMEM((N,), jnp.float32),
        pltpu.VMEM((NPAD - N,), jnp.float32),
        pltpu.VMEM((XZ, D), jnp.float32),
        pltpu.VMEM((SZ, DE), jnp.float32),
        pltpu.SemaphoreType.DMA,
        pltpu.SemaphoreType.DMA,
        pltpu.SemaphoreType.DMA,
        pltpu.SemaphoreType.DMA,
        pltpu.SemaphoreType.DMA,
        pltpu.SemaphoreType.DMA,
        pltpu.SemaphoreType.DMA,
    ),
)


ROWS = 1024
NB = NPAD // ROWS


def _tc_body(x_ref, px0, px1, pea0, pea1, ppe_ref, s_ref, batch_ref,
             we_ref, bpe_ref, ws_ref, wn_ref, wo_ref, bo_ref,
             out_ref, gsum, gcnt):
    i = pl.program_id(0)

    @pl.when(i == 0)
    def _init():
        gsum[...] = jnp.zeros((G, D), jnp.float32)
        gcnt[...] = jnp.zeros((G, 1), jnp.float32)

    agg = (px0[...] + px1[...]
           + jnp.dot(pea0[...] + pea1[...], we_ref[...],
                     preferred_element_type=jnp.float32,
                     precision=lax.Precision.HIGHEST)
           + lax.dot_general(ppe_ref[...], jnp.ones((NC * NS, 1), jnp.float32),
                             (((0,), (0,)), ((), ())),
                             preferred_element_type=jnp.float32) * bpe_ref[...])
    pre = (jnp.dot(x_ref[...], ws_ref[...], preferred_element_type=jnp.float32,
                     precision=lax.Precision.HIGHEST)
           + jnp.dot(agg, wn_ref[...], preferred_element_type=jnp.float32,
                     precision=lax.Precision.HIGHEST))
    enc = jnp.maximum(pre * s_ref[...], 0.0)

    b2 = jnp.reshape(batch_ref[...], (1, ROWS))
    oht = (lax.broadcasted_iota(jnp.int32, (G, ROWS), 0) == b2
           ).astype(jnp.float32)
    gsum[...] += jnp.dot(oht, enc, preferred_element_type=jnp.float32,
                     precision=lax.Precision.HIGHEST)
    gcnt[...] += jnp.sum(oht, axis=1, keepdims=True)

    @pl.when(i == NB - 1)
    def _fin():
        rep = gsum[...] / jnp.maximum(gcnt[...], 1.0)
        out_ref[...] = (jnp.dot(rep, wo_ref[...],
                                preferred_element_type=jnp.float32,
                     precision=lax.Precision.HIGHEST)
                        + bo_ref[...])


def _row_spec(cols):
    return pl.BlockSpec((ROWS, cols), lambda i: (i, 0))


def _row_spec2(cols):
    return pl.BlockSpec((ROWS, cols), lambda i: (i + NB, 0))


def _full_spec(r, c):
    return pl.BlockSpec((r, c), lambda i: (0, 0))


_tc_dense = pl.pallas_call(
    _tc_body,
    grid=(NB,),
    in_specs=[
        _row_spec(D), _row_spec(D), _row_spec2(D),
        _row_spec(DE), _row_spec2(DE),
        pl.BlockSpec((NC * NS, ROWS), lambda i: (0, i)),
        _row_spec(1),
        pl.BlockSpec((1, 1, ROWS), lambda i: (i, 0, 0)),
        _full_spec(DE, D), _full_spec(1, D), _full_spec(D, D),
        _full_spec(D, D), _full_spec(D, T), _full_spec(1, T),
    ],
    out_specs=pl.BlockSpec((G, T), lambda i: (0, 0)),
    out_shape=jax.ShapeDtypeStruct((G, T), jnp.float32),
    scratch_shapes=[
        pltpu.VMEM((G, D), jnp.float32),
        pltpu.VMEM((G, 1), jnp.float32),
    ],
)


@jax.jit
def kernel(x, edge_index, edge_attr, snorm_n, EigVals, EigVecs, batch,
           W_edge, b_pe, W_self, W_nbr, W_out, b_out):
    src = edge_index[0]
    dst = edge_index[1]
    part_x, part_ea, part_pe = _sc_edges(x, EigVecs, src, dst, edge_attr)
    pad_n = NPAD - N
    x_p = jnp.pad(x, ((0, pad_n), (0, 0)))
    s_p = jnp.pad(snorm_n, ((0, pad_n), (0, 0)))
    batch3 = jnp.reshape(
        jnp.pad(batch, (0, pad_n), constant_values=G), (NB, 1, ROWS))
    return _tc_dense(
        x_p, part_x, part_x,
        part_ea, part_ea, part_pe,
        s_p, batch3,
        W_edge, jnp.reshape(b_pe, (1, D)), W_self, W_nbr,
        W_out, jnp.reshape(b_out, (1, T)),
    )

# --- scband reference (transcript-rebuilt; emitter-appended) ---
"""Pipeline reference for scband-model-23965917511879 (READ-ONLY COPY).

The authoritative reference and input builder live on the scoring server;
editing this copy changes nothing except your own understanding.
"""

import jax, jax.numpy as jnp
import numpy as np

N = 10000
E = 320000
D = 128
DE = 16
K = 8
G = 128
T = 10


def setup_inputs(seed: int = 0) -> dict:
    key = jax.random.key(seed)
    ks = jax.random.split(key, 14)
    x = jax.random.normal(ks[0], (N, D), dtype=jnp.float32)
    edge_index = jax.random.randint(ks[1], (2, E), 0, N, dtype=jnp.int32)
    edge_attr = jax.random.normal(ks[2], (E, DE), dtype=jnp.float32)
    snorm_n = jax.random.uniform(ks[3], (N, 1), dtype=jnp.float32)
    EigVals = jax.random.normal(ks[4], (N, K), dtype=jnp.float32)
    EigVecs = jax.random.normal(ks[5], (N, K), dtype=jnp.float32)
    batch = jnp.sort(jax.random.randint(ks[6], (N,), 0, G, dtype=jnp.int32))
    # learned parameters (encoder modeled as one message-passing layer + output head)
    W_edge = jax.random.normal(ks[7], (DE, D), dtype=jnp.float32) * 0.05
    b_pe = jax.random.normal(ks[8], (D,), dtype=jnp.float32) * 0.05
    W_self = jax.random.normal(ks[9], (D, D), dtype=jnp.float32) * 0.05
    W_nbr = jax.random.normal(ks[10], (D, D), dtype=jnp.float32) * 0.05
    W_out = jax.random.normal(ks[11], (D, T), dtype=jnp.float32) * 0.05
    b_out = jnp.zeros((T,), dtype=jnp.float32)
    return {
        'x': x, 'edge_index': edge_index, 'edge_attr': edge_attr,
        'snorm_n': snorm_n, 'EigVals': EigVals, 'EigVecs': EigVecs,
        'batch': batch, 'W_edge': W_edge, 'b_pe': b_pe, 'W_self': W_self,
        'W_nbr': W_nbr, 'W_out': W_out, 'b_out': b_out,
    }


def reference(x, edge_index, edge_attr, snorm_n, EigVals, EigVecs, batch,
              W_edge, b_pe, W_self, W_nbr, W_out, b_out):
    # NaN masking of Laplacian PE, as in the original forward
    u = jnp.where(jnp.isnan(EigVecs), 0.0, EigVecs)
    e = jnp.where(jnp.isnan(EigVals), 0.0, EigVals)
    src = edge_index[0]
    dst = edge_index[1]
    # PE = ||u[src] - u[dst]|| per edge (eps for grad safety)
    diff = u[src] - u[dst]
    PE = jnp.sqrt(jnp.sum(diff * diff, axis=-1) + 1e-12)
    # encoder.embed modeled as one message-passing layer using edge_attr + PE
    h_e = edge_attr @ W_edge + PE[:, None] * b_pe[None, :]
    msg = x[src] + h_e                                   # gather
    agg = jax.ops.segment_sum(msg, dst, num_segments=N)  # scatter-add
    enc_rep = jax.nn.relu((x @ W_self + agg @ W_nbr) * snorm_n)
    # global_mean_pool over graph ids (segment reduce)
    counts = jax.ops.segment_sum(jnp.ones((N,), jnp.float32), batch, num_segments=G)
    graph_sum = jax.ops.segment_sum(enc_rep, batch, num_segments=G)
    graph_rep = graph_sum / jnp.maximum(counts, 1.0)[:, None]
    return graph_rep @ W_out + b_out

if __name__ == "__main__":
    import jax
    _d = setup_inputs()
    print(jax.jit(kernel)(*tuple(_d.values())))

</pallas_src>

<mosaic_0001>
#map = affine_map<(d0, d1) -> (0, 0)>
#map1 = affine_map<(d0, d1) -> (0)>
module attributes {stable_mosaic.version = 14 : i64} {
  func.func @_sc_body(%arg0: i32, %arg1: i32, %arg2: memref<10000x128xf32, #tpu.memory_space<hbm>>, %arg3: memref<10000x8xf32, #tpu.memory_space<hbm>>, %arg4: memref<320000xi32, #tpu.memory_space<hbm>>, %arg5: memref<320000xi32, #tpu.memory_space<hbm>>, %arg6: memref<320000x16xf32, #tpu.memory_space<hbm>>, %arg7: memref<20480x128xf32, #tpu.memory_space<hbm>>, %arg8: memref<20480x16xf32, #tpu.memory_space<hbm>>, %arg9: memref<32x10240xf32, #tpu.memory_space<hbm>>, %arg10: memref<10240x128xf32, #tpu.memory_space<vmem_shared>>, %arg11: memref<10240x16xf32, #tpu.memory_space<vmem_shared>>, %arg12: memref<80xi32, #tpu.memory_space<vmem>>, %arg13: memref<80xi32, #tpu.memory_space<vmem>>, %arg14: memref<80x128xf32, #tpu.memory_space<vmem>>, %arg15: memref<80x16xf32, #tpu.memory_space<vmem>>, %arg16: memref<80x8xf32, #tpu.memory_space<vmem>>, %arg17: memref<80x8xf32, #tpu.memory_space<vmem>>, %arg18: memref<10000xf32, #tpu.memory_space<vmem>>, %arg19: memref<240xf32, #tpu.memory_space<vmem>>, %arg20: memref<64x128xf32, #tpu.memory_space<vmem>>, %arg21: memref<160x16xf32, #tpu.memory_space<vmem>>, %arg22: memref<!tpu.dma_semaphore, #tpu.memory_space<semaphore_mem>>, %arg23: memref<!tpu.dma_semaphore, #tpu.memory_space<semaphore_mem>>, %arg24: memref<!tpu.dma_semaphore, #tpu.memory_space<semaphore_mem>>, %arg25: memref<!tpu.dma_semaphore, #tpu.memory_space<semaphore_mem>>, %arg26: memref<!tpu.dma_semaphore, #tpu.memory_space<semaphore_mem>>, %arg27: memref<!tpu.dma_semaphore, #tpu.memory_space<semaphore_mem>>, %arg28: memref<!tpu.dma_semaphore, #tpu.memory_space<semaphore_mem>>) attributes {dimension_semantics = [#tpu.dimension_semantics<core_parallel>, #tpu.dimension_semantics<subcore_parallel>], iteration_bounds = array<i64: 2, 16>, scalar_prefetch = 0 : i64, scratch_operands = 19 : i64, tpu.core_type = #tpu.core_type<sc_vector_subcore>, window_params = [{transform_indices = #map}, {transform_indices = #map}, {transform_indices = #map1}, {transform_indices = #map1}, {transform_indices = #map}, {transform_indices = #map}, {transform_indices = #map}, {transform_indices = #map}]} {
    %mul3A = arith.constant 16 : i32
    %mul3A_0 = arith.muli %arg0, %mul3A : i32
    %add3A = arith.addi %mul3A_0, %arg1 : i32
    %broadcast_in_dim3A = arith.constant 0.000000e+00 : f32
    %broadcast_in_dim3A_1 = vector.broadcast %broadcast_in_dim3A : f32 to vector<16xf32>
    %scan3A = arith.constant 0 : i32
    %scan3A_2 = arith.constant 64 : i32
    %scan3A_3 = arith.addi %scan3A, %scan3A_2 : i32
    %scan3A_4 = arith.constant 1 : i32
    scf.for %scan3A_196 = %scan3A to %scan3A_3 step %scan3A_4  : i32 {
      %swap3A_197 = arith.index_cast %scan3A_196 : i32 to index
      %swap3A_198 = arith.constant 0 : index
      %swap3A_199 = tpu.vector_load %arg20[%swap3A_197, %swap3A_198] {strides = array<i32>} : memref<64x128xf32, #tpu.memory_space<vmem>>, vector<16xf32>,
      tpu.vector_store %arg20[%swap3A_197, %swap3A_198], %broadcast_in_dim3A_1 {strides = array<i32>} : memref<64x128xf32, #tpu.memory_space<vmem>>, vector<16xf32>,
      %swap3A_200 = arith.index_cast %scan3A_196 : i32 to index
      %swap3A_201 = arith.constant 16 : index
      %swap3A_202 = tpu.vector_load %arg20[%swap3A_200, %swap3A_201] {strides = array<i32>} : memref<64x128xf32, #tpu.memory_space<vmem>>, vector<16xf32>,
      tpu.vector_store %arg20[%swap3A_200, %swap3A_201], %broadcast_in_dim3A_1 {strides = array<i32>} : memref<64x128xf32, #tpu.memory_space<vmem>>, vector<16xf32>,
      %swap3A_203 = arith.index_cast %scan3A_196 : i32 to index
      %swap3A_204 = arith.constant 32 : index
      %swap3A_205 = tpu.vector_load %arg20[%swap3A_203, %swap3A_204] {strides = array<i32>} : memref<64x128xf32, #tpu.memory_space<vmem>>, vector<16xf32>,
      tpu.vector_store %arg20[%swap3A_203, %swap3A_204], %broadcast_in_dim3A_1 {strides = array<i32>} : memref<64x128xf32, #tpu.memory_space<vmem>>, vector<16xf32>,
      %swap3A_206 = arith.index_cast %scan3A_196 : i32 to index
      %swap3A_207 = arith.constant 48 : index
      %swap3A_208 = tpu.vector_load %arg20[%swap3A_206, %swap3A_207] {strides = array<i32>} : memref<64x128xf32, #tpu.memory_space<vmem>>, vector<16xf32>,
      tpu.vector_store %arg20[%swap3A_206, %swap3A_207], %broadcast_in_dim3A_1 {strides = array<i32>} : memref<64x128xf32, #tpu.memory_space<vmem>>, vector<16xf32>,
      %swap3A_209 = arith.index_cast %scan3A_196 : i32 to index
      %swap3A_210 = arith.constant 64 : index
      %swap3A_211 = tpu.vector_load %arg20[%swap3A_209, %swap3A_210] {strides = array<i32>} : memref<64x128xf32, #tpu.memory_space<vmem>>, vector<16xf32>,
      tpu.vector_store %arg20[%swap3A_209, %swap3A_210], %broadcast_in_dim3A_1 {strides = array<i32>} : memref<64x128xf32, #tpu.memory_space<vmem>>, vector<16xf32>,
      %swap3A_212 = arith.index_cast %scan3A_196 : i32 to index
      %swap3A_213 = arith.constant 80 : index
      %swap3A_214 = tpu.vector_load %arg20[%swap3A_212, %swap3A_213] {strides = array<i32>} : memref<64x128xf32, #tpu.memory_space<vmem>>, vector<16xf32>,
      tpu.vector_store %arg20[%swap3A_212, %swap3A_213], %broadcast_in_dim3A_1 {strides = array<i32>} : memref<64x128xf32, #tpu.memory_space<vmem>>, vector<16xf32>,
      %swap3A_215 = arith.index_cast %scan3A_196 : i32 to index
      %swap3A_216 = arith.constant 96 : index
      %swap3A_217 = tpu.vector_load %arg20[%swap3A_215, %swap3A_216] {strides = array<i32>} : memref<64x128xf32, #tpu.memory_space<vmem>>, vector<16xf32>,
      tpu.vector_store %arg20[%swap3A_215, %swap3A_216], %broadcast_in_dim3A_1 {strides = array<i32>} : memref<64x128xf32, #tpu.memory_space<vmem>>, vector<16xf32>,
      %swap3A_218 = arith.index_cast %scan3A_196 : i32 to index
      %swap3A_219 = arith.constant 112 : index
      %swap3A_220 = tpu.vector_load %arg20[%swap3A_218, %swap3A_219] {strides = array<i32>} : memref<64x128xf32, #tpu.memory_space<vmem>>, vector<16xf32>,
      tpu.vector_store %arg20[%swap3A_218, %swap3A_219], %broadcast_in_dim3A_1 {strides = array<i32>} : memref<64x128xf32, #tpu.memory_space<vmem>>, vector<16xf32>,
    }
    %scan3A_5 = arith.constant 64 : i32
    %scan3A_6 = arith.constant 0 : i32
    %scan3A_7 = arith.constant 160 : i32
    %scan3A_8 = arith.addi %scan3A_6, %scan3A_7 : i32
    %scan3A_9 = arith.constant 1 : i32
    scf.for %scan3A_196 = %scan3A_6 to %scan3A_8 step %scan3A_9  : i32 {
      %swap3A_197 = arith.index_cast %scan3A_196 : i32 to index
      %swap3A_198 = arith.constant 0 : index
      %swap3A_199 = tpu.vector_load %arg21[%swap3A_197, %swap3A_198] {strides = array<i32>} : memref<160x16xf32, #tpu.memory_space<vmem>>, vector<16xf32>,
      tpu.vector_store %arg21[%swap3A_197, %swap3A_198], %broadcast_in_dim3A_1 {strides = array<i32>} : memref<160x16xf32, #tpu.memory_space<vmem>>, vector<16xf32>,
    }
    %scan3A_10 = arith.constant 160 : i32
    %scan3A_11 = arith.constant 0 : i32
    %scan3A_12 = arith.constant 625 : i32
    %scan3A_13 = arith.addi %scan3A_11, %scan3A_12 : i32
    %scan3A_14 = arith.constant 1 : i32
    scf.for %scan3A_196 = %scan3A_11 to %scan3A_13 step %scan3A_14  : i32 {
      %mul3A_197 = arith.constant 16 : i32
      %mul3A_198 = arith.muli %scan3A_196, %mul3A_197 : i32
      %swap3A_199 = arith.index_cast %mul3A_198 : i32 to index
      %swap3A_200 = tpu.vector_load %arg18[%swap3A_199] {strides = array<i32>} : memref<10000xf32, #tpu.memory_space<vmem>>, vector<16xf32>,
      tpu.vector_store %arg18[%swap3A_199], %broadcast_in_dim3A_1 {strides = array<i32>} : memref<10000xf32, #tpu.memory_space<vmem>>, vector<16xf32>,
    }
    %scan3A_15 = arith.constant 625 : i32
    %swap3A = arith.constant 0 : index
    %swap3A_16 = tpu.vector_load %arg19[%swap3A] {strides = array<i32>} : memref<240xf32, #tpu.memory_space<vmem>>, vector<16xf32>,
    tpu.vector_store %arg19[%swap3A], %broadcast_in_dim3A_1 {strides = array<i32>} : memref<240xf32, #tpu.memory_space<vmem>>, vector<16xf32>,
    %swap3A_17 = arith.constant 16 : index
    %swap3A_18 = tpu.vector_load %arg19[%swap3A_17] {strides = array<i32>} : memref<240xf32, #tpu.memory_space<vmem>>, vector<16xf32>,
    tpu.vector_store %arg19[%swap3A_17], %broadcast_in_dim3A_1 {strides = array<i32>} : memref<240xf32, #tpu.memory_space<vmem>>, vector<16xf32>,
    %swap3A_19 = arith.constant 32 : index
    %swap3A_20 = tpu.vector_load %arg19[%swap3A_19] {strides = array<i32>} : memref<240xf32, #tpu.memory_space<vmem>>, vector<16xf32>,
    tpu.vector_store %arg19[%swap3A_19], %broadcast_in_dim3A_1 {strides = array<i32>} : memref<240xf32, #tpu.memory_space<vmem>>, vector<16xf32>,
    %swap3A_21 = arith.constant 48 : index
    %swap3A_22 = tpu.vector_load %arg19[%swap3A_21] {strides = array<i32>} : memref<240xf32, #tpu.memory_space<vmem>>, vector<16xf32>,
    tpu.vector_store %arg19[%swap3A_21], %broadcast_in_dim3A_1 {strides = array<i32>} : memref<240xf32, #tpu.memory_space<vmem>>, vector<16xf32>,
    %swap3A_23 = arith.constant 64 : index
    %swap3A_24 = tpu.vector_load %arg19[%swap3A_23] {strides = array<i32>} : memref<240xf32, #tpu.memory_space<vmem>>, vector<16xf32>,
    tpu.vector_store %arg19[%swap3A_23], %broadcast_in_dim3A_1 {strides = array<i32>} : memref<240xf32, #tpu.memory_space<vmem>>, vector<16xf32>,
    %swap3A_25 = arith.constant 80 : index
    %swap3A_26 = tpu.vector_load %arg19[%swap3A_25] {strides = array<i32>} : memref<240xf32, #tpu.memory_space<vmem>>, vector<16xf32>,
    tpu.vector_store %arg19[%swap3A_25], %broadcast_in_dim3A_1 {strides = array<i32>} : memref<240xf32, #tpu.memory_space<vmem>>, vector<16xf32>,
    %swap3A_27 = arith.constant 96 : index
    %swap3A_28 = tpu.vector_load %arg19[%swap3A_27] {strides = array<i32>} : memref<240xf32, #tpu.memory_space<vmem>>, vector<16xf32>,
    tpu.vector_store %arg19[%swap3A_27], %broadcast_in_dim3A_1 {strides = array<i32>} : memref<240xf32, #tpu.memory_space<vmem>>, vector<16xf32>,
    %swap3A_29 = arith.constant 112 : index
    %swap3A_30 = tpu.vector_load %arg19[%swap3A_29] {strides = array<i32>} : memref<240xf32, #tpu.memory_space<vmem>>, vector<16xf32>,
    tpu.vector_store %arg19[%swap3A_29], %broadcast_in_dim3A_1 {strides = array<i32>} : memref<240xf32, #tpu.memory_space<vmem>>, vector<16xf32>,
    %swap3A_31 = arith.constant 128 : index
    %swap3A_32 = tpu.vector_load %arg19[%swap3A_31] {strides = array<i32>} : memref<240xf32, #tpu.memory_space<vmem>>, vector<16xf32>,
    tpu.vector_store %arg19[%swap3A_31], %broadcast_in_dim3A_1 {strides = array<i32>} : memref<240xf32, #tpu.memory_space<vmem>>, vector<16xf32>,
    %swap3A_33 = arith.constant 144 : index
    %swap3A_34 = tpu.vector_load %arg19[%swap3A_33] {strides = array<i32>} : memref<240xf32, #tpu.memory_space<vmem>>, vector<16xf32>,
    tpu.vector_store %arg19[%swap3A_33], %broadcast_in_dim3A_1 {strides = array<i32>} : memref<240xf32, #tpu.memory_space<vmem>>, vector<16xf32>,
    %swap3A_35 = arith.constant 160 : index
    %swap3A_36 = tpu.vector_load %arg19[%swap3A_35] {strides = array<i32>} : memref<240xf32, #tpu.memory_space<vmem>>, vector<16xf32>,
    tpu.vector_store %arg19[%swap3A_35], %broadcast_in_dim3A_1 {strides = array<i32>} : memref<240xf32, #tpu.memory_space<vmem>>, vector<16xf32>,
    %swap3A_37 = arith.constant 176 : index
    %swap3A_38 = tpu.vector_load %arg19[%swap3A_37] {strides = array<i32>} : memref<240xf32, #tpu.memory_space<vmem>>, vector<16xf32>,
    tpu.vector_store %arg19[%swap3A_37], %broadcast_in_dim3A_1 {strides = array<i32>} : memref<240xf32, #tpu.memory_space<vmem>>, vector<16xf32>,
    %swap3A_39 = arith.constant 192 : index
    %swap3A_40 = tpu.vector_load %arg19[%swap3A_39] {strides = array<i32>} : memref<240xf32, #tpu.memory_space<vmem>>, vector<16xf32>,
    tpu.vector_store %arg19[%swap3A_39], %broadcast_in_dim3A_1 {strides = array<i32>} : memref<240xf32, #tpu.memory_space<vmem>>, vector<16xf32>,
    %swap3A_41 = arith.constant 208 : index
    %swap3A_42 = tpu.vector_load %arg19[%swap3A_41] {strides = array<i32>} : memref<240xf32, #tpu.memory_space<vmem>>, vector<16xf32>,
    tpu.vector_store %arg19[%swap3A_41], %broadcast_in_dim3A_1 {strides = array<i32>} : memref<240xf32, #tpu.memory_space<vmem>>, vector<16xf32>,
    %swap3A_43 = arith.constant 224 : index
    %swap3A_44 = tpu.vector_load %arg19[%swap3A_43] {strides = array<i32>} : memref<240xf32, #tpu.memory_space<vmem>>, vector<16xf32>,
    tpu.vector_store %arg19[%swap3A_43], %broadcast_in_dim3A_1 {strides = array<i32>} : memref<240xf32, #tpu.memory_space<vmem>>, vector<16xf32>,
    %mul3A_45 = arith.constant 640 : i32
    %mul3A_46 = arith.muli %arg1, %mul3A_45 : i32
    %add3A_47 = arith.constant 0 : i32
    %add3A_48 = arith.addi %mul3A_46, %add3A_47 : i32
    "tpu.region"() ({
      %run_scoped3A = tpu.sem_alloc : memref<!tpu.dma_semaphore, #tpu.memory_space<semaphore_mem>>
      %dma_start3A = arith.constant 0 : i32
      %dma_start3A_196 = tpu.memref_slice %arg10[%add3A_48, %dma_start3A] : memref<10240x128xf32, #tpu.memory_space<vmem_shared>> -> memref<64x128xf32, #tpu.memory_space<vmem_shared>>
      %dma_start3A_197 = arith.constant 0 : i32
      %dma_start3A_198 = tpu.memref_slice %arg10[%add3A_48, %dma_start3A_197] : memref<10240x128xf32, #tpu.memory_space<vmem_shared>> -> memref<64x128xf32, #tpu.memory_space<vmem_shared>>
      tpu.enqueue_dma source(%arg20 : memref<64x128xf32, #tpu.memory_space<vmem>>) target(%dma_start3A_198 : memref<64x128xf32, #tpu.memory_space<vmem_shared>>) target_semaphore(%run_scoped3A : memref<!tpu.dma_semaphore, #tpu.memory_space<semaphore_mem>>)
      %dma_wait3A = arith.constant 0 : i32
      %dma_wait3A_199 = tpu.memref_slice %arg10[%add3A_48, %dma_wait3A] : memref<10240x128xf32, #tpu.memory_space<vmem_shared>> -> memref<64x128xf32, #tpu.memory_space<vmem_shared>>
      %dma_wait3A_200 = arith.constant 0 : i32
      %dma_wait3A_201 = tpu.memref_slice %arg10[%add3A_48, %dma_wait3A_200] : memref<10240x128xf32, #tpu.memory_space<vmem_shared>> -> memref<64x128xf32, #tpu.memory_space<vmem_shared>>
      tpu.wait_dma2 semaphore(%run_scoped3A : memref<!tpu.dma_semaphore, #tpu.memory_space<semaphore_mem>>) src(%arg20 : memref<64x128xf32, #tpu.memory_space<vmem>>) dst(%dma_wait3A_201 : memref<64x128xf32, #tpu.memory_space<vmem_shared>>)
      tpu.yield
    }) : () -> ()
    %mul3A_49 = arith.constant 640 : i32
    %mul3A_50 = arith.muli %arg1, %mul3A_49 : i32
    %add3A_51 = arith.constant 64 : i32
    %add3A_52 = arith.addi %mul3A_50, %add3A_51 : i32
    "tpu.region"() ({
      %run_scoped3A = tpu.sem_alloc : memref<!tpu.dma_semaphore, #tpu.memory_space<semaphore_mem>>
      %dma_start3A = arith.constant 0 : i32
      %dma_start3A_196 = tpu.memref_slice %arg10[%add3A_52, %dma_start3A] : memref<10240x128xf32, #tpu.memory_space<vmem_shared>> -> memref<64x128xf32, #tpu.memory_space<vmem_shared>>
      %dma_start3A_197 = arith.constant 0 : i32
      %dma_start3A_198 = tpu.memref_slice %arg10[%add3A_52, %dma_start3A_197] : memref<10240x128xf32, #tpu.memory_space<vmem_shared>> -> memref<64x128xf32, #tpu.memory_space<vmem_shared>>
      tpu.enqueue_dma source(%arg20 : memref<64x128xf32, #tpu.memory_space<vmem>>) target(%dma_start3A_198 : memref<64x128xf32, #tpu.memory_space<vmem_shared>>) target_semaphore(%run_scoped3A : memref<!tpu.dma_semaphore, #tpu.memory_space<semaphore_mem>>)
      %dma_wait3A = arith.constant 0 : i32
      %dma_wait3A_199 = tpu.memref_slice %arg10[%add3A_52, %dma_wait3A] : memref<10240x128xf32, #tpu.memory_space<vmem_shared>> -> memref<64x128xf32, #tpu.memory_space<vmem_shared>>
      %dma_wait3A_200 = arith.constant 0 : i32
      %dma_wait3A_201 = tpu.memref_slice %arg10[%add3A_52, %dma_wait3A_200] : memref<10240x128xf32, #tpu.memory_space<vmem_shared>> -> memref<64x128xf32, #tpu.memory_space<vmem_shared>>
      tpu.wait_dma2 semaphore(%run_scoped3A : memref<!tpu.dma_semaphore, #tpu.memory_space<semaphore_mem>>) src(%arg20 : memref<64x128xf32, #tpu.memory_space<vmem>>) dst(%dma_wait3A_201 : memref<64x128xf32, #tpu.memory_space<vmem_shared>>)
      tpu.yield
    }) : () -> ()
    %mul3A_53 = arith.constant 640 : i32
    %mul3A_54 = arith.muli %arg1, %mul3A_53 : i32
    %add3A_55 = arith.constant 128 : i32
    %add3A_56 = arith.addi %mul3A_54, %add3A_55 : i32
    "tpu.region"() ({
      %run_scoped3A = tpu.sem_alloc : memref<!tpu.dma_semaphore, #tpu.memory_space<semaphore_mem>>
      %dma_start3A = arith.constant 0 : i32
      %dma_start3A_196 = tpu.memref_slice %arg10[%add3A_56, %dma_start3A] : memref<10240x128xf32, #tpu.memory_space<vmem_shared>> -> memref<64x128xf32, #tpu.memory_space<vmem_shared>>
      %dma_start3A_197 = arith.constant 0 : i32
      %dma_start3A_198 = tpu.memref_slice %arg10[%add3A_56, %dma_start3A_197] : memref<10240x128xf32, #tpu.memory_space<vmem_shared>> -> memref<64x128xf32, #tpu.memory_space<vmem_shared>>
      tpu.enqueue_dma source(%arg20 : memref<64x128xf32, #tpu.memory_space<vmem>>) target(%dma_start3A_198 : memref<64x128xf32, #tpu.memory_space<vmem_shared>>) target_semaphore(%run_scoped3A : memref<!tpu.dma_semaphore, #tpu.memory_space<semaphore_mem>>)
      %dma_wait3A = arith.constant 0 : i32
      %dma_wait3A_199 = tpu.memref_slice %arg10[%add3A_56, %dma_wait3A] : memref<10240x128xf32, #tpu.memory_space<vmem_shared>> -> memref<64x128xf32, #tpu.memory_space<vmem_shared>>
      %dma_wait3A_200 = arith.constant 0 : i32
      %dma_wait3A_201 = tpu.memref_slice %arg10[%add3A_56, %dma_wait3A_200] : memref<10240x128xf32, #tpu.memory_space<vmem_shared>> -> memref<64x128xf32, #tpu.memory_space<vmem_shared>>
      tpu.wait_dma2 semaphore(%run_scoped3A : memref<!tpu.dma_semaphore, #tpu.memory_space<semaphore_mem>>) src(%arg20 : memref<64x128xf32, #tpu.memory_space<vmem>>) dst(%dma_wait3A_201 : memref<64x128xf32, #tpu.memory_space<vmem_shared>>)
      tpu.yield
    }) : () -> ()
    %mul3A_57 = arith.constant 640 : i32
    %mul3A_58 = arith.muli %arg1, %mul3A_57 : i32
    %add3A_59 = arith.constant 192 : i32
    %add3A_60 = arith.addi %mul3A_58, %add3A_59 : i32
    "tpu.region"() ({
      %run_scoped3A = tpu.sem_alloc : memref<!tpu.dma_semaphore, #tpu.memory_space<semaphore_mem>>
      %dma_start3A = arith.constant 0 : i32
      %dma_start3A_196 = tpu.memref_slice %arg10[%add3A_60, %dma_start3A] : memref<10240x128xf32, #tpu.memory_space<vmem_shared>> -> memref<64x128xf32, #tpu.memory_space<vmem_shared>>
      %dma_start3A_197 = arith.constant 0 : i32
      %dma_start3A_198 = tpu.memref_slice %arg10[%add3A_60, %dma_start3A_197] : memref<10240x128xf32, #tpu.memory_space<vmem_shared>> -> memref<64x128xf32, #tpu.memory_space<vmem_shared>>
      tpu.enqueue_dma source(%arg20 : memref<64x128xf32, #tpu.memory_space<vmem>>) target(%dma_start3A_198 : memref<64x128xf32, #tpu.memory_space<vmem_shared>>) target_semaphore(%run_scoped3A : memref<!tpu.dma_semaphore, #tpu.memory_space<semaphore_mem>>)
      %dma_wait3A = arith.constant 0 : i32
      %dma_wait3A_199 = tpu.memref_slice %arg10[%add3A_60, %dma_wait3A] : memref<10240x128xf32, #tpu.memory_space<vmem_shared>> -> memref<64x128xf32, #tpu.memory_space<vmem_shared>>
      %dma_wait3A_200 = arith.constant 0 : i32
      %dma_wait3A_201 = tpu.memref_slice %arg10[%add3A_60, %dma_wait3A_200] : memref<10240x128xf32, #tpu.memory_space<vmem_shared>> -> memref<64x128xf32, #tpu.memory_space<vmem_shared>>
      tpu.wait_dma2 semaphore(%run_scoped3A : memref<!tpu.dma_semaphore, #tpu.memory_space<semaphore_mem>>) src(%arg20 : memref<64x128xf32, #tpu.memory_space<vmem>>) dst(%dma_wait3A_201 : memref<64x128xf32, #tpu.memory_space<vmem_shared>>)
      tpu.yield
    }) : () -> ()
    %mul3A_61 = arith.constant 640 : i32
    %mul3A_62 = arith.muli %arg1, %mul3A_61 : i32
    %add3A_63 = arith.constant 256 : i32
    %add3A_64 = arith.addi %mul3A_62, %add3A_63 : i32
    "tpu.region"() ({
      %run_scoped3A = tpu.sem_alloc : memref<!tpu.dma_semaphore, #tpu.memory_space<semaphore_mem>>
      %dma_start3A = arith.constant 0 : i32
      %dma_start3A_196 = tpu.memref_slice %arg10[%add3A_64, %dma_start3A] : memref<10240x128xf32, #tpu.memory_space<vmem_shared>> -> memref<64x128xf32, #tpu.memory_space<vmem_shared>>
      %dma_start3A_197 = arith.constant 0 : i32
      %dma_start3A_198 = tpu.memref_slice %arg10[%add3A_64, %dma_start3A_197] : memref<10240x128xf32, #tpu.memory_space<vmem_shared>> -> memref<64x128xf32, #tpu.memory_space<vmem_shared>>
      tpu.enqueue_dma source(%arg20 : memref<64x128xf32, #tpu.memory_space<vmem>>) target(%dma_start3A_198 : memref<64x128xf32, #tpu.memory_space<vmem_shared>>) target_semaphore(%run_scoped3A : memref<!tpu.dma_semaphore, #tpu.memory_space<semaphore_mem>>)
      %dma_wait3A = arith.constant 0 : i32
      %dma_wait3A_199 = tpu.memref_slice %arg10[%add3A_64, %dma_wait3A] : memref<10240x128xf32, #tpu.memory_space<vmem_shared>> -> memref<64x128xf32, #tpu.memory_space<vmem_shared>>
      %dma_wait3A_200 = arith.constant 0 : i32
      %dma_wait3A_201 = tpu.memref_slice %arg10[%add3A_64, %dma_wait3A_200] : memref<10240x128xf32, #tpu.memory_space<vmem_shared>> -> memref<64x128xf32, #tpu.memory_space<vmem_shared>>
      tpu.wait_dma2 semaphore(%run_scoped3A : memref<!tpu.dma_semaphore, #tpu.memory_space<semaphore_mem>>) src(%arg20 : memref<64x128xf32, #tpu.memory_space<vmem>>) dst(%dma_wait3A_201 : memref<64x128xf32, #tpu.memory_space<vmem_shared>>)
      tpu.yield
    }) : () -> ()
    %mul3A_65 = arith.constant 640 : i32
    %mul3A_66 = arith.muli %arg1, %mul3A_65 : i32
    %add3A_67 = arith.constant 320 : i32
    %add3A_68 = arith.addi %mul3A_66, %add3A_67 : i32
    "tpu.region"() ({
      %run_scoped3A = tpu.sem_alloc : memref<!tpu.dma_semaphore, #tpu.memory_space<semaphore_mem>>
      %dma_start3A = arith.constant 0 : i32
      %dma_start3A_196 = tpu.memref_slice %arg10[%add3A_68, %dma_start3A] : memref<10240x128xf32, #tpu.memory_space<vmem_shared>> -> memref<64x128xf32, #tpu.memory_space<vmem_shared>>
      %dma_start3A_197 = arith.constant 0 : i32
      %dma_start3A_198 = tpu.memref_slice %arg10[%add3A_68, %dma_start3A_197] : memref<10240x128xf32, #tpu.memory_space<vmem_shared>> -> memref<64x128xf32, #tpu.memory_space<vmem_shared>>
      tpu.enqueue_dma source(%arg20 : memref<64x128xf32, #tpu.memory_space<vmem>>) target(%dma_start3A_198 : memref<64x128xf32, #tpu.memory_space<vmem_shared>>) target_semaphore(%run_scoped3A : memref<!tpu.dma_semaphore, #tpu.memory_space<semaphore_mem>>)
      %dma_wait3A = arith.constant 0 : i32
      %dma_wait3A_199 = tpu.memref_slice %arg10[%add3A_68, %dma_wait3A] : memref<10240x128xf32, #tpu.memory_space<vmem_shared>> -> memref<64x128xf32, #tpu.memory_space<vmem_shared>>
      %dma_wait3A_200 = arith.constant 0 : i32
      %dma_wait3A_201 = tpu.memref_slice %arg10[%add3A_68, %dma_wait3A_200] : memref<10240x128xf32, #tpu.memory_space<vmem_shared>> -> memref<64x128xf32, #tpu.memory_space<vmem_shared>>
      tpu.wait_dma2 semaphore(%run_scoped3A : memref<!tpu.dma_semaphore, #tpu.memory_space<semaphore_mem>>) src(%arg20 : memref<64x128xf32, #tpu.memory_space<vmem>>) dst(%dma_wait3A_201 : memref<64x128xf32, #tpu.memory_space<vmem_shared>>)
      tpu.yield
    }) : () -> ()
    %mul3A_69 = arith.constant 640 : i32
    %mul3A_70 = arith.muli %arg1, %mul3A_69 : i32
    %add3A_71 = arith.constant 384 : i32
    %add3A_72 = arith.addi %mul3A_70, %add3A_71 : i32
    "tpu.region"() ({
      %run_scoped3A = tpu.sem_alloc : memref<!tpu.dma_semaphore, #tpu.memory_space<semaphore_mem>>
      %dma_start3A = arith.constant 0 : i32
      %dma_start3A_196 = tpu.memref_slice %arg10[%add3A_72, %dma_start3A] : memref<10240x128xf32, #tpu.memory_space<vmem_shared>> -> memref<64x128xf32, #tpu.memory_space<vmem_shared>>
      %dma_start3A_197 = arith.constant 0 : i32
      %dma_start3A_198 = tpu.memref_slice %arg10[%add3A_72, %dma_start3A_197] : memref<10240x128xf32, #tpu.memory_space<vmem_shared>> -> memref<64x128xf32, #tpu.memory_space<vmem_shared>>
      tpu.enqueue_dma source(%arg20 : memref<64x128xf32, #tpu.memory_space<vmem>>) target(%dma_start3A_198 : memref<64x128xf32, #tpu.memory_space<vmem_shared>>) target_semaphore(%run_scoped3A : memref<!tpu.dma_semaphore, #tpu.memory_space<semaphore_mem>>)
      %dma_wait3A = arith.constant 0 : i32
      %dma_wait3A_199 = tpu.memref_slice %arg10[%add3A_72, %dma_wait3A] : memref<10240x128xf32, #tpu.memory_space<vmem_shared>> -> memref<64x128xf32, #tpu.memory_space<vmem_shared>>
      %dma_wait3A_200 = arith.constant 0 : i32
      %dma_wait3A_201 = tpu.memref_slice %arg10[%add3A_72, %dma_wait3A_200] : memref<10240x128xf32, #tpu.memory_space<vmem_shared>> -> memref<64x128xf32, #tpu.memory_space<vmem_shared>>
      tpu.wait_dma2 semaphore(%run_scoped3A : memref<!tpu.dma_semaphore, #tpu.memory_space<semaphore_mem>>) src(%arg20 : memref<64x128xf32, #tpu.memory_space<vmem>>) dst(%dma_wait3A_201 : memref<64x128xf32, #tpu.memory_space<vmem_shared>>)
      tpu.yield
    }) : () -> ()
    %mul3A_73 = arith.constant 640 : i32
    %mul3A_74 = arith.muli %arg1, %mul3A_73 : i32
    %add3A_75 = arith.constant 448 : i32
    %add3A_76 = arith.addi %mul3A_74, %add3A_75 : i32
    "tpu.region"() ({
      %run_scoped3A = tpu.sem_alloc : memref<!tpu.dma_semaphore, #tpu.memory_space<semaphore_mem>>
      %dma_start3A = arith.constant 0 : i32
      %dma_start3A_196 = tpu.memref_slice %arg10[%add3A_76, %dma_start3A] : memref<10240x128xf32, #tpu.memory_space<vmem_shared>> -> memref<64x128xf32, #tpu.memory_space<vmem_shared>>
      %dma_start3A_197 = arith.constant 0 : i32
      %dma_start3A_198 = tpu.memref_slice %arg10[%add3A_76, %dma_start3A_197] : memref<10240x128xf32, #tpu.memory_space<vmem_shared>> -> memref<64x128xf32, #tpu.memory_space<vmem_shared>>
      tpu.enqueue_dma source(%arg20 : memref<64x128xf32, #tpu.memory_space<vmem>>) target(%dma_start3A_198 : memref<64x128xf32, #tpu.memory_space<vmem_shared>>) target_semaphore(%run_scoped3A : memref<!tpu.dma_semaphore, #tpu.memory_space<semaphore_mem>>)
      %dma_wait3A = arith.constant 0 : i32
      %dma_wait3A_199 = tpu.memref_slice %arg10[%add3A_76, %dma_wait3A] : memref<10240x128xf32, #tpu.memory_space<vmem_shared>> -> memref<64x128xf32, #tpu.memory_space<vmem_shared>>
      %dma_wait3A_200 = arith.constant 0 : i32
      %dma_wait3A_201 = tpu.memref_slice %arg10[%add3A_76, %dma_wait3A_200] : memref<10240x128xf32, #tpu.memory_space<vmem_shared>> -> memref<64x128xf32, #tpu.memory_space<vmem_shared>>
      tpu.wait_dma2 semaphore(%run_scoped3A : memref<!tpu.dma_semaphore, #tpu.memory_space<semaphore_mem>>) src(%arg20 : memref<64x128xf32, #tpu.memory_space<vmem>>) dst(%dma_wait3A_201 : memref<64x128xf32, #tpu.memory_space<vmem_shared>>)
      tpu.yield
    }) : () -> ()
    %mul3A_77 = arith.constant 640 : i32
    %mul3A_78 = arith.muli %arg1, %mul3A_77 : i32
    %add3A_79 = arith.constant 512 : i32
    %add3A_80 = arith.addi %mul3A_78, %add3A_79 : i32
    "tpu.region"() ({
      %run_scoped3A = tpu.sem_alloc : memref<!tpu.dma_semaphore, #tpu.memory_space<semaphore_mem>>
      %dma_start3A = arith.constant 0 : i32
      %dma_start3A_196 = tpu.memref_slice %arg10[%add3A_80, %dma_start3A] : memref<10240x128xf32, #tpu.memory_space<vmem_shared>> -> memref<64x128xf32, #tpu.memory_space<vmem_shared>>
      %dma_start3A_197 = arith.constant 0 : i32
      %dma_start3A_198 = tpu.memref_slice %arg10[%add3A_80, %dma_start3A_197] : memref<10240x128xf32, #tpu.memory_space<vmem_shared>> -> memref<64x128xf32, #tpu.memory_space<vmem_shared>>
      tpu.enqueue_dma source(%arg20 : memref<64x128xf32, #tpu.memory_space<vmem>>) target(%dma_start3A_198 : memref<64x128xf32, #tpu.memory_space<vmem_shared>>) target_semaphore(%run_scoped3A : memref<!tpu.dma_semaphore, #tpu.memory_space<semaphore_mem>>)
      %dma_wait3A = arith.constant 0 : i32
      %dma_wait3A_199 = tpu.memref_slice %arg10[%add3A_80, %dma_wait3A] : memref<10240x128xf32, #tpu.memory_space<vmem_shared>> -> memref<64x128xf32, #tpu.memory_space<vmem_shared>>
      %dma_wait3A_200 = arith.constant 0 : i32
      %dma_wait3A_201 = tpu.memref_slice %arg10[%add3A_80, %dma_wait3A_200] : memref<10240x128xf32, #tpu.memory_space<vmem_shared>> -> memref<64x128xf32, #tpu.memory_space<vmem_shared>>
      tpu.wait_dma2 semaphore(%run_scoped3A : memref<!tpu.dma_semaphore, #tpu.memory_space<semaphore_mem>>) src(%arg20 : memref<64x128xf32, #tpu.memory_space<vmem>>) dst(%dma_wait3A_201 : memref<64x128xf32, #tpu.memory_space<vmem_shared>>)
      tpu.yield
    }) : () -> ()
    %mul3A_81 = arith.constant 640 : i32
    %mul3A_82 = arith.muli %arg1, %mul3A_81 : i32
    %add3A_83 = arith.constant 576 : i32
    %add3A_84 = arith.addi %mul3A_82, %add3A_83 : i32
    "tpu.region"() ({
      %run_scoped3A = tpu.sem_alloc : memref<!tpu.dma_semaphore, #tpu.memory_space<semaphore_mem>>
      %dma_start3A = arith.constant 0 : i32
      %dma_start3A_196 = tpu.memref_slice %arg10[%add3A_84, %dma_start3A] : memref<10240x128xf32, #tpu.memory_space<vmem_shared>> -> memref<64x128xf32, #tpu.memory_space<vmem_shared>>
      %dma_start3A_197 = arith.constant 0 : i32
      %dma_start3A_198 = tpu.memref_slice %arg10[%add3A_84, %dma_start3A_197] : memref<10240x128xf32, #tpu.memory_space<vmem_shared>> -> memref<64x128xf32, #tpu.memory_space<vmem_shared>>
      tpu.enqueue_dma source(%arg20 : memref<64x128xf32, #tpu.memory_space<vmem>>) target(%dma_start3A_198 : memref<64x128xf32, #tpu.memory_space<vmem_shared>>) target_semaphore(%run_scoped3A : memref<!tpu.dma_semaphore, #tpu.memory_space<semaphore_mem>>)
      %dma_wait3A = arith.constant 0 : i32
      %dma_wait3A_199 = tpu.memref_slice %arg10[%add3A_84, %dma_wait3A] : memref<10240x128xf32, #tpu.memory_space<vmem_shared>> -> memref<64x128xf32, #tpu.memory_space<vmem_shared>>
      %dma_wait3A_200 = arith.constant 0 : i32
      %dma_wait3A_201 = tpu.memref_slice %arg10[%add3A_84, %dma_wait3A_200] : memref<10240x128xf32, #tpu.memory_space<vmem_shared>> -> memref<64x128xf32, #tpu.memory_space<vmem_shared>>
      tpu.wait_dma2 semaphore(%run_scoped3A : memref<!tpu.dma_semaphore, #tpu.memory_space<semaphore_mem>>) src(%arg20 : memref<64x128xf32, #tpu.memory_space<vmem>>) dst(%dma_wait3A_201 : memref<64x128xf32, #tpu.memory_space<vmem_shared>>)
      tpu.yield
    }) : () -> ()
    %mul3A_85 = arith.constant 640 : i32
    %mul3A_86 = arith.muli %arg1, %mul3A_85 : i32
    %add3A_87 = arith.constant 0 : i32
    %add3A_88 = arith.addi %mul3A_86, %add3A_87 : i32
    "tpu.region"() ({
      %run_scoped3A = tpu.sem_alloc : memref<!tpu.dma_semaphore, #tpu.memory_space<semaphore_mem>>
      %dma_start3A = arith.constant 0 : i32
      %dma_start3A_196 = tpu.memref_slice %arg11[%add3A_88, %dma_start3A] : memref<10240x16xf32, #tpu.memory_space<vmem_shared>> -> memref<160x16xf32, #tpu.memory_space<vmem_shared>>
      %dma_start3A_197 = arith.constant 0 : i32
      %dma_start3A_198 = tpu.memref_slice %arg11[%add3A_88, %dma_start3A_197] : memref<10240x16xf32, #tpu.memory_space<vmem_shared>> -> memref<160x16xf32, #tpu.memory_space<vmem_shared>>
      tpu.enqueue_dma source(%arg21 : memref<160x16xf32, #tpu.memory_space<vmem>>) target(%dma_start3A_198 : memref<160x16xf32, #tpu.memory_space<vmem_shared>>) target_semaphore(%run_scoped3A : memref<!tpu.dma_semaphore, #tpu.memory_space<semaphore_mem>>)
      %dma_wait3A = arith.constant 0 : i32
      %dma_wait3A_199 = tpu.memref_slice %arg11[%add3A_88, %dma_wait3A] : memref<10240x16xf32, #tpu.memory_space<vmem_shared>> -> memref<160x16xf32, #tpu.memory_space<vmem_shared>>
      %dma_wait3A_200 = arith.constant 0 : i32
      %dma_wait3A_201 = tpu.memref_slice %arg11[%add3A_88, %dma_wait3A_200] : memref<10240x16xf32, #tpu.memory_space<vmem_shared>> -> memref<160x16xf32, #tpu.memory_space<vmem_shared>>
      tpu.wait_dma2 semaphore(%run_scoped3A : memref<!tpu.dma_semaphore, #tpu.memory_space<semaphore_mem>>) src(%arg21 : memref<160x16xf32, #tpu.memory_space<vmem>>) dst(%dma_wait3A_201 : memref<160x16xf32, #tpu.memory_space<vmem_shared>>)
      tpu.yield
    }) : () -> ()
    %mul3A_89 = arith.constant 640 : i32
    %mul3A_90 = arith.muli %arg1, %mul3A_89 : i32
    %add3A_91 = arith.constant 160 : i32
    %add3A_92 = arith.addi %mul3A_90, %add3A_91 : i32
    "tpu.region"() ({
      %run_scoped3A = tpu.sem_alloc : memref<!tpu.dma_semaphore, #tpu.memory_space<semaphore_mem>>
      %dma_start3A = arith.constant 0 : i32
      %dma_start3A_196 = tpu.memref_slice %arg11[%add3A_92, %dma_start3A] : memref<10240x16xf32, #tpu.memory_space<vmem_shared>> -> memref<160x16xf32, #tpu.memory_space<vmem_shared>>
      %dma_start3A_197 = arith.constant 0 : i32
      %dma_start3A_198 = tpu.memref_slice %arg11[%add3A_92, %dma_start3A_197] : memref<10240x16xf32, #tpu.memory_space<vmem_shared>> -> memref<160x16xf32, #tpu.memory_space<vmem_shared>>
      tpu.enqueue_dma source(%arg21 : memref<160x16xf32, #tpu.memory_space<vmem>>) target(%dma_start3A_198 : memref<160x16xf32, #tpu.memory_space<vmem_shared>>) target_semaphore(%run_scoped3A : memref<!tpu.dma_semaphore, #tpu.memory_space<semaphore_mem>>)
      %dma_wait3A = arith.constant 0 : i32
      %dma_wait3A_199 = tpu.memref_slice %arg11[%add3A_92, %dma_wait3A] : memref<10240x16xf32, #tpu.memory_space<vmem_shared>> -> memref<160x16xf32, #tpu.memory_space<vmem_shared>>
      %dma_wait3A_200 = arith.constant 0 : i32
      %dma_wait3A_201 = tpu.memref_slice %arg11[%add3A_92, %dma_wait3A_200] : memref<10240x16xf32, #tpu.memory_space<vmem_shared>> -> memref<160x16xf32, #tpu.memory_space<vmem_shared>>
      tpu.wait_dma2 semaphore(%run_scoped3A : memref<!tpu.dma_semaphore, #tpu.memory_space<semaphore_mem>>) src(%arg21 : memref<160x16xf32, #tpu.memory_space<vmem>>) dst(%dma_wait3A_201 : memref<160x16xf32, #tpu.memory_space<vmem_shared>>)
      tpu.yield
    }) : () -> ()
    %mul3A_93 = arith.constant 640 : i32
    %mul3A_94 = arith.muli %arg1, %mul3A_93 : i32
    %add3A_95 = arith.constant 320 : i32
    %add3A_96 = arith.addi %mul3A_94, %add3A_95 : i32
    "tpu.region"() ({
      %run_scoped3A = tpu.sem_alloc : memref<!tpu.dma_semaphore, #tpu.memory_space<semaphore_mem>>
      %dma_start3A = arith.constant 0 : i32
      %dma_start3A_196 = tpu.memref_slice %arg11[%add3A_96, %dma_start3A] : memref<10240x16xf32, #tpu.memory_space<vmem_shared>> -> memref<160x16xf32, #tpu.memory_space<vmem_shared>>
      %dma_start3A_197 = arith.constant 0 : i32
      %dma_start3A_198 = tpu.memref_slice %arg11[%add3A_96, %dma_start3A_197] : memref<10240x16xf32, #tpu.memory_space<vmem_shared>> -> memref<160x16xf32, #tpu.memory_space<vmem_shared>>
      tpu.enqueue_dma source(%arg21 : memref<160x16xf32, #tpu.memory_space<vmem>>) target(%dma_start3A_198 : memref<160x16xf32, #tpu.memory_space<vmem_shared>>) target_semaphore(%run_scoped3A : memref<!tpu.dma_semaphore, #tpu.memory_space<semaphore_mem>>)
      %dma_wait3A = arith.constant 0 : i32
      %dma_wait3A_199 = tpu.memref_slice %arg11[%add3A_96, %dma_wait3A] : memref<10240x16xf32, #tpu.memory_space<vmem_shared>> -> memref<160x16xf32, #tpu.memory_space<vmem_shared>>
      %dma_wait3A_200 = arith.constant 0 : i32
      %dma_wait3A_201 = tpu.memref_slice %arg11[%add3A_96, %dma_wait3A_200] : memref<10240x16xf32, #tpu.memory_space<vmem_shared>> -> memref<160x16xf32, #tpu.memory_space<vmem_shared>>
      tpu.wait_dma2 semaphore(%run_scoped3A : memref<!tpu.dma_semaphore, #tpu.memory_space<semaphore_mem>>) src(%arg21 : memref<160x16xf32, #tpu.memory_space<vmem>>) dst(%dma_wait3A_201 : memref<160x16xf32, #tpu.memory_space<vmem_shared>>)
      tpu.yield
    }) : () -> ()
    %mul3A_97 = arith.constant 640 : i32
    %mul3A_98 = arith.muli %arg1, %mul3A_97 : i32
    %add3A_99 = arith.constant 480 : i32
    %add3A_100 = arith.addi %mul3A_98, %add3A_99 : i32
    "tpu.region"() ({
      %run_scoped3A = tpu.sem_alloc : memref<!tpu.dma_semaphore, #tpu.memory_space<semaphore_mem>>
      %dma_start3A = arith.constant 0 : i32
      %dma_start3A_196 = tpu.memref_slice %arg11[%add3A_100, %dma_start3A] : memref<10240x16xf32, #tpu.memory_space<vmem_shared>> -> memref<160x16xf32, #tpu.memory_space<vmem_shared>>
      %dma_start3A_197 = arith.constant 0 : i32
      %dma_start3A_198 = tpu.memref_slice %arg11[%add3A_100, %dma_start3A_197] : memref<10240x16xf32, #tpu.memory_space<vmem_shared>> -> memref<160x16xf32, #tpu.memory_space<vmem_shared>>
      tpu.enqueue_dma source(%arg21 : memref<160x16xf32, #tpu.memory_space<vmem>>) target(%dma_start3A_198 : memref<160x16xf32, #tpu.memory_space<vmem_shared>>) target_semaphore(%run_scoped3A : memref<!tpu.dma_semaphore, #tpu.memory_space<semaphore_mem>>)
      %dma_wait3A = arith.constant 0 : i32
      %dma_wait3A_199 = tpu.memref_slice %arg11[%add3A_100, %dma_wait3A] : memref<10240x16xf32, #tpu.memory_space<vmem_shared>> -> memref<160x16xf32, #tpu.memory_space<vmem_shared>>
      %dma_wait3A_200 = arith.constant 0 : i32
      %dma_wait3A_201 = tpu.memref_slice %arg11[%add3A_100, %dma_wait3A_200] : memref<10240x16xf32, #tpu.memory_space<vmem_shared>> -> memref<160x16xf32, #tpu.memory_space<vmem_shared>>
      tpu.wait_dma2 semaphore(%run_scoped3A : memref<!tpu.dma_semaphore, #tpu.memory_space<semaphore_mem>>) src(%arg21 : memref<160x16xf32, #tpu.memory_space<vmem>>) dst(%dma_wait3A_201 : memref<160x16xf32, #tpu.memory_space<vmem_shared>>)
      tpu.yield
    }) : () -> ()
    %barrier3A = arith.constant 0 : index
    tpu.barrier barrier_id(%barrier3A)
    %iota3A = tpu.iota {dimensions = array<i32: 0>} : vector<16xi32>
    %scan3A_101 = arith.constant 0 : i32
    %scan3A_102 = arith.constant 125 : i32
    %scan3A_103 = arith.addi %scan3A_101, %scan3A_102 : i32
    %scan3A_104 = arith.constant 1 : i32
    scf.for %scan3A_196 = %scan3A_101 to %scan3A_103 step %scan3A_104  : i32 {
      %mul3A_197 = arith.constant 10000 : i32
      %mul3A_198 = arith.muli %add3A, %mul3A_197 : i32
      %mul3A_199 = arith.constant 80 : i32
      %mul3A_200 = arith.muli %scan3A_196, %mul3A_199 : i32
      %add3A_201 = arith.addi %mul3A_198, %mul3A_200 : i32
      %dma_start3A = tpu.memref_slice %arg4[%add3A_201] : memref<320000xi32, #tpu.memory_space<hbm>> -> memref<80xi32, #tpu.memory_space<hbm>>
      %dma_start3A_202 = tpu.memref_slice %arg4[%add3A_201] : memref<320000xi32, #tpu.memory_space<hbm>> -> memref<80xi32, #tpu.memory_space<hbm>>
      tpu.enqueue_dma source(%dma_start3A_202 : memref<80xi32, #tpu.memory_space<hbm>>) target(%arg12 : memref<80xi32, #tpu.memory_space<vmem>>) target_semaphore(%arg25 : memref<!tpu.dma_semaphore, #tpu.memory_space<semaphore_mem>>)
      %dma_start3A_203 = tpu.memref_slice %arg5[%add3A_201] : memref<320000xi32, #tpu.memory_space<hbm>> -> memref<80xi32, #tpu.memory_space<hbm>>
      %dma_start3A_204 = tpu.memref_slice %arg5[%add3A_201] : memref<320000xi32, #tpu.memory_space<hbm>> -> memref<80xi32, #tpu.memory_space<hbm>>
      tpu.enqueue_dma source(%dma_start3A_204 : memref<80xi32, #tpu.memory_space<hbm>>) target(%arg13 : memref<80xi32, #tpu.memory_space<vmem>>) target_semaphore(%arg26 : memref<!tpu.dma_semaphore, #tpu.memory_space<semaphore_mem>>)
      %dma_start3A_205 = arith.constant 0 : i32
      %dma_start3A_206 = tpu.memref_slice %arg6[%add3A_201, %dma_start3A_205] : memref<320000x16xf32, #tpu.memory_space<hbm>> -> memref<80x16xf32, #tpu.memory_space<hbm>>
      %dma_start3A_207 = arith.constant 0 : i32
      %dma_start3A_208 = tpu.memref_slice %arg6[%add3A_201, %dma_start3A_207] : memref<320000x16xf32, #tpu.memory_space<hbm>> -> memref<80x16xf32, #tpu.memory_space<hbm>>
      tpu.enqueue_dma source(%dma_start3A_208 : memref<80x16xf32, #tpu.memory_space<hbm>>) target(%arg15 : memref<80x16xf32, #tpu.memory_space<vmem>>) target_semaphore(%arg27 : memref<!tpu.dma_semaphore, #tpu.memory_space<semaphore_mem>>)
      %dma_wait3A = tpu.memref_slice %arg4[%add3A_201] : memref<320000xi32, #tpu.memory_space<hbm>> -> memref<80xi32, #tpu.memory_space<hbm>>
      %dma_wait3A_209 = tpu.memref_slice %arg4[%add3A_201] : memref<320000xi32, #tpu.memory_space<hbm>> -> memref<80xi32, #tpu.memory_space<hbm>>
      tpu.wait_dma2 semaphore(%arg25 : memref<!tpu.dma_semaphore, #tpu.memory_space<semaphore_mem>>) src(%dma_wait3A_209 : memref<80xi32, #tpu.memory_space<hbm>>) dst(%arg12 : memref<80xi32, #tpu.memory_space<vmem>>)
      %dma_start3A_210 = arith.constant 0 : i32
      %dma_start3A_211 = arith.constant 0 : i32
      %dma_start3A_212 = tpu.memref_slice %arg2[%dma_start3A_210, %dma_start3A_211] : memref<10000x128xf32, #tpu.memory_space<hbm>> -> memref<10000x128xf32, #tpu.memory_space<hbm>>
      tpu.enqueue_indirect_dma source(%dma_start3A_212 : memref<10000x128xf32, #tpu.memory_space<hbm>>) target(%arg14 : memref<80x128xf32, #tpu.memory_space<vmem>>) offsets(%arg12 : memref<80xi32, #tpu.memory_space<vmem>>) semaphore(%arg22 : memref<!tpu.dma_semaphore, #tpu.memory_space<semaphore_mem>>)
      %dma_start3A_213 = arith.constant 0 : i32
      %dma_start3A_214 = arith.constant 0 : i32
      %dma_start3A_215 = tpu.memref_slice %arg3[%dma_start3A_213, %dma_start3A_214] : memref<10000x8xf32, #tpu.memory_space<hbm>> -> memref<10000x8xf32, #tpu.memory_space<hbm>>
      tpu.enqueue_indirect_dma source(%dma_start3A_215 : memref<10000x8xf32, #tpu.memory_space<hbm>>) target(%arg16 : memref<80x8xf32, #tpu.memory_space<vmem>>) offsets(%arg12 : memref<80xi32, #tpu.memory_space<vmem>>) semaphore(%arg23 : memref<!tpu.dma_semaphore, #tpu.memory_space<semaphore_mem>>)
      %dma_wait3A_216 = tpu.memref_slice %arg5[%add3A_201] : memref<320000xi32, #tpu.memory_space<hbm>> -> memref<80xi32, #tpu.memory_space<hbm>>
      %dma_wait3A_217 = tpu.memref_slice %arg5[%add3A_201] : memref<320000xi32, #tpu.memory_space<hbm>> -> memref<80xi32, #tpu.memory_space<hbm>>
      tpu.wait_dma2 semaphore(%arg26 : memref<!tpu.dma_semaphore, #tpu.memory_space<semaphore_mem>>) src(%dma_wait3A_217 : memref<80xi32, #tpu.memory_space<hbm>>) dst(%arg13 : memref<80xi32, #tpu.memory_space<vmem>>)
      %dma_start3A_218 = arith.constant 0 : i32
      %dma_start3A_219 = arith.constant 0 : i32
      %dma_start3A_220 = tpu.memref_slice %arg3[%dma_start3A_218, %dma_start3A_219] : memref<10000x8xf32, #tpu.memory_space<hbm>> -> memref<10000x8xf32, #tpu.memory_space<hbm>>
      tpu.enqueue_indirect_dma source(%dma_start3A_220 : memref<10000x8xf32, #tpu.memory_space<hbm>>) target(%arg17 : memref<80x8xf32, #tpu.memory_space<vmem>>) offsets(%arg13 : memref<80xi32, #tpu.memory_space<vmem>>) semaphore(%arg24 : memref<!tpu.dma_semaphore, #tpu.memory_space<semaphore_mem>>)
      %dma_wait3A_221 = arith.constant 0 : i32
      %dma_wait3A_222 = tpu.memref_slice %arg6[%add3A_201, %dma_wait3A_221] : memref<320000x16xf32, #tpu.memory_space<hbm>> -> memref<80x16xf32, #tpu.memory_space<hbm>>
      %dma_wait3A_223 = arith.constant 0 : i32
      %dma_wait3A_224 = tpu.memref_slice %arg6[%add3A_201, %dma_wait3A_223] : memref<320000x16xf32, #tpu.memory_space<hbm>> -> memref<80x16xf32, #tpu.memory_space<hbm>>
      tpu.wait_dma2 semaphore(%arg27 : memref<!tpu.dma_semaphore, #tpu.memory_space<semaphore_mem>>) src(%dma_wait3A_224 : memref<80x16xf32, #tpu.memory_space<hbm>>) dst(%arg15 : memref<80x16xf32, #tpu.memory_space<vmem>>)
      %dma_start3A_225 = arith.constant 0 : i32
      %dma_start3A_226 = arith.constant 0 : i32
      %dma_start3A_227 = tpu.memref_slice %arg11[%dma_start3A_225, %dma_start3A_226] : memref<10240x16xf32, #tpu.memory_space<vmem_shared>> -> memref<10240x16xf32, #tpu.memory_space<vmem_shared>>
      tpu.enqueue_indirect_dma source(%arg15 : memref<80x16xf32, #tpu.memory_space<vmem>>) target(%dma_start3A_227 : memref<10240x16xf32, #tpu.memory_space<vmem_shared>>) offsets(%arg13 : memref<80xi32, #tpu.memory_space<vmem>>) semaphore(%arg28 : memref<!tpu.dma_semaphore, #tpu.memory_space<semaphore_mem>>) {add = true}
      %dma_wait3A_228 = arith.constant 0 : i32
      %dma_wait3A_229 = arith.constant 0 : i32
      %dma_wait3A_230 = tpu.memref_slice %arg2[%dma_wait3A_228, %dma_wait3A_229] : memref<10000x128xf32, #tpu.memory_space<hbm>> -> memref<10000x128xf32, #tpu.memory_space<hbm>>
      tpu.wait_indirect_dma semaphore(%arg22 : memref<!tpu.dma_semaphore, #tpu.memory_space<semaphore_mem>>) src(%dma_wait3A_230 : memref<10000x128xf32, #tpu.memory_space<hbm>>) dst(%arg14 : memref<80x128xf32, #tpu.memory_space<vmem>>)
      %dma_start3A_231 = arith.constant 0 : i32
      %dma_start3A_232 = arith.constant 0 : i32
      %dma_start3A_233 = tpu.memref_slice %arg10[%dma_start3A_231, %dma_start3A_232] : memref<10240x128xf32, #tpu.memory_space<vmem_shared>> -> memref<10240x128xf32, #tpu.memory_space<vmem_shared>>
      tpu.enqueue_indirect_dma source(%arg14 : memref<80x128xf32, #tpu.memory_space<vmem>>) target(%dma_start3A_233 : memref<10240x128xf32, #tpu.memory_space<vmem_shared>>) offsets(%arg13 : memref<80xi32, #tpu.memory_space<vmem>>) semaphore(%arg22 : memref<!tpu.dma_semaphore, #tpu.memory_space<semaphore_mem>>) {add = true}
      %dma_wait3A_234 = arith.constant 0 : i32
      %dma_wait3A_235 = arith.constant 0 : i32
      %dma_wait3A_236 = tpu.memref_slice %arg3[%dma_wait3A_234, %dma_wait3A_235] : memref<10000x8xf32, #tpu.memory_space<hbm>> -> memref<10000x8xf32, #tpu.memory_space<hbm>>
      tpu.wait_indirect_dma semaphore(%arg23 : memref<!tpu.dma_semaphore, #tpu.memory_space<semaphore_mem>>) src(%dma_wait3A_236 : memref<10000x8xf32, #tpu.memory_space<hbm>>) dst(%arg16 : memref<80x8xf32, #tpu.memory_space<vmem>>)
      %dma_wait3A_237 = arith.constant 0 : i32
      %dma_wait3A_238 = arith.constant 0 : i32
      %dma_wait3A_239 = tpu.memref_slice %arg3[%dma_wait3A_237, %dma_wait3A_238] : memref<10000x8xf32, #tpu.memory_space<hbm>> -> memref<10000x8xf32, #tpu.memory_space<hbm>>
      tpu.wait_indirect_dma semaphore(%arg24 : memref<!tpu.dma_semaphore, #tpu.memory_space<semaphore_mem>>) src(%dma_wait3A_239 : memref<10000x8xf32, #tpu.memory_space<hbm>>) dst(%arg17 : memref<80x8xf32, #tpu.memory_space<vmem>>)
      %add3A_240 = arith.constant 0 : i32
      %add3A_241 = vector.broadcast %add3A_240 : i32 to vector<16xi32>
      %add3A_242 = arith.addi %iota3A, %add3A_241 : vector<16xi32>
      %broadcast_in_dim3A_243 = arith.constant 0.000000e+00 : f32
      %broadcast_in_dim3A_244 = vector.broadcast %broadcast_in_dim3A_243 : f32 to vector<16xf32>
      %broadcast_in_dim3A_245 = arith.constant 0 : i32
      %broadcast_in_dim3A_246 = vector.broadcast %broadcast_in_dim3A_245 : i32 to vector<16xi32>
      %gather3A = tpu.vector_load_idx %arg16[%add3A_242, %broadcast_in_dim3A_246] : memref<80x8xf32, #tpu.memory_space<vmem>>[vector<16xi32>, vector<16xi32>], vector<16xf32>,
      %ne3A = arith.cmpf one, %gather3A, %gather3A : vector<16xf32>
      %jit3A = arith.constant 0.000000e+00 : f32
      %broadcast_in_dim3A_247 = vector.broadcast %jit3A : f32 to vector<16xf32>
      %select_n3A = arith.select %ne3A, %broadcast_in_dim3A_247, %gather3A : vector<16xi1>, vector<16xf32>
      %gather3A_248 = tpu.vector_load_idx %arg17[%add3A_242, %broadcast_in_dim3A_246] : memref<80x8xf32, #tpu.memory_space<vmem>>[vector<16xi32>, vector<16xi32>], vector<16xf32>,
      %ne3A_249 = arith.cmpf one, %gather3A_248, %gather3A_248 : vector<16xf32>
      %jit3A_250 = arith.constant 0.000000e+00 : f32
      %broadcast_in_dim3A_251 = vector.broadcast %jit3A_250 : f32 to vector<16xf32>
      %select_n3A_252 = arith.select %ne3A_249, %broadcast_in_dim3A_251, %gather3A_248 : vector<16xi1>, vector<16xf32>
      %sub3A = arith.subf %select_n3A, %select_n3A_252 : vector<16xf32>
      %mul3A_253 = arith.mulf %sub3A, %sub3A : vector<16xf32>
      %add3A_254 = arith.addf %broadcast_in_dim3A_244, %mul3A_253 : vector<16xf32>
      %broadcast_in_dim3A_255 = arith.constant 1 : i32
      %broadcast_in_dim3A_256 = vector.broadcast %broadcast_in_dim3A_255 : i32 to vector<16xi32>
      %gather3A_257 = tpu.vector_load_idx %arg16[%add3A_242, %broadcast_in_dim3A_256] : memref<80x8xf32, #tpu.memory_space<vmem>>[vector<16xi32>, vector<16xi32>], vector<16xf32>,
      %ne3A_258 = arith.cmpf one, %gather3A_257, %gather3A_257 : vector<16xf32>
      %jit3A_259 = arith.constant 0.000000e+00 : f32
      %broadcast_in_dim3A_260 = vector.broadcast %jit3A_259 : f32 to vector<16xf32>
      %select_n3A_261 = arith.select %ne3A_258, %broadcast_in_dim3A_260, %gather3A_257 : vector<16xi1>, vector<16xf32>
      %gather3A_262 = tpu.vector_load_idx %arg17[%add3A_242, %broadcast_in_dim3A_256] : memref<80x8xf32, #tpu.memory_space<vmem>>[vector<16xi32>, vector<16xi32>], vector<16xf32>,
      %ne3A_263 = arith.cmpf one, %gather3A_262, %gather3A_262 : vector<16xf32>
      %jit3A_264 = arith.constant 0.000000e+00 : f32
      %broadcast_in_dim3A_265 = vector.broadcast %jit3A_264 : f32 to vector<16xf32>
      %select_n3A_266 = arith.select %ne3A_263, %broadcast_in_dim3A_265, %gather3A_262 : vector<16xi1>, vector<16xf32>
      %sub3A_267 = arith.subf %select_n3A_261, %select_n3A_266 : vector<16xf32>
      %mul3A_268 = arith.mulf %sub3A_267, %sub3A_267 : vector<16xf32>
      %add3A_269 = arith.addf %add3A_254, %mul3A_268 : vector<16xf32>
      %broadcast_in_dim3A_270 = arith.constant 2 : i32
      %broadcast_in_dim3A_271 = vector.broadcast %broadcast_in_dim3A_270 : i32 to vector<16xi32>
      %gather3A_272 = tpu.vector_load_idx %arg16[%add3A_242, %broadcast_in_dim3A_271] : memref<80x8xf32, #tpu.memory_space<vmem>>[vector<16xi32>, vector<16xi32>], vector<16xf32>,
      %ne3A_273 = arith.cmpf one, %gather3A_272, %gather3A_272 : vector<16xf32>
      %jit3A_274 = arith.constant 0.000000e+00 : f32
      %broadcast_in_dim3A_275 = vector.broadcast %jit3A_274 : f32 to vector<16xf32>
      %select_n3A_276 = arith.select %ne3A_273, %broadcast_in_dim3A_275, %gather3A_272 : vector<16xi1>, vector<16xf32>
      %gather3A_277 = tpu.vector_load_idx %arg17[%add3A_242, %broadcast_in_dim3A_271] : memref<80x8xf32, #tpu.memory_space<vmem>>[vector<16xi32>, vector<16xi32>], vector<16xf32>,
      %ne3A_278 = arith.cmpf one, %gather3A_277, %gather3A_277 : vector<16xf32>
      %jit3A_279 = arith.constant 0.000000e+00 : f32
      %broadcast_in_dim3A_280 = vector.broadcast %jit3A_279 : f32 to vector<16xf32>
      %select_n3A_281 = arith.select %ne3A_278, %broadcast_in_dim3A_280, %gather3A_277 : vector<16xi1>, vector<16xf32>
      %sub3A_282 = arith.subf %select_n3A_276, %select_n3A_281 : vector<16xf32>
      %mul3A_283 = arith.mulf %sub3A_282, %sub3A_282 : vector<16xf32>
      %add3A_284 = arith.addf %add3A_269, %mul3A_283 : vector<16xf32>
      %broadcast_in_dim3A_285 = arith.constant 3 : i32
      %broadcast_in_dim3A_286 = vector.broadcast %broadcast_in_dim3A_285 : i32 to vector<16xi32>
      %gather3A_287 = tpu.vector_load_idx %arg16[%add3A_242, %broadcast_in_dim3A_286] : memref<80x8xf32, #tpu.memory_space<vmem>>[vector<16xi32>, vector<16xi32>], vector<16xf32>,
      %ne3A_288 = arith.cmpf one, %gather3A_287, %gather3A_287 : vector<16xf32>
      %jit3A_289 = arith.constant 0.000000e+00 : f32
      %broadcast_in_dim3A_290 = vector.broadcast %jit3A_289 : f32 to vector<16xf32>
      %select_n3A_291 = arith.select %ne3A_288, %broadcast_in_dim3A_290, %gather3A_287 : vector<16xi1>, vector<16xf32>
      %gather3A_292 = tpu.vector_load_idx %arg17[%add3A_242, %broadcast_in_dim3A_286] : memref<80x8xf32, #tpu.memory_space<vmem>>[vector<16xi32>, vector<16xi32>], vector<16xf32>,
      %ne3A_293 = arith.cmpf one, %gather3A_292, %gather3A_292 : vector<16xf32>
      %jit3A_294 = arith.constant 0.000000e+00 : f32
      %broadcast_in_dim3A_295 = vector.broadcast %jit3A_294 : f32 to vector<16xf32>
      %select_n3A_296 = arith.select %ne3A_293, %broadcast_in_dim3A_295, %gather3A_292 : vector<16xi1>, vector<16xf32>
      %sub3A_297 = arith.subf %select_n3A_291, %select_n3A_296 : vector<16xf32>
      %mul3A_298 = arith.mulf %sub3A_297, %sub3A_297 : vector<16xf32>
      %add3A_299 = arith.addf %add3A_284, %mul3A_298 : vector<16xf32>
      %broadcast_in_dim3A_300 = arith.constant 4 : i32
      %broadcast_in_dim3A_301 = vector.broadcast %broadcast_in_dim3A_300 : i32 to vector<16xi32>
      %gather3A_302 = tpu.vector_load_idx %arg16[%add3A_242, %broadcast_in_dim3A_301] : memref<80x8xf32, #tpu.memory_space<vmem>>[vector<16xi32>, vector<16xi32>], vector<16xf32>,
      %ne3A_303 = arith.cmpf one, %gather3A_302, %gather3A_302 : vector<16xf32>
      %jit3A_304 = arith.constant 0.000000e+00 : f32
      %broadcast_in_dim3A_305 = vector.broadcast %jit3A_304 : f32 to vector<16xf32>
      %select_n3A_306 = arith.select %ne3A_303, %broadcast_in_dim3A_305, %gather3A_302 : vector<16xi1>, vector<16xf32>
      %gather3A_307 = tpu.vector_load_idx %arg17[%add3A_242, %broadcast_in_dim3A_301] : memref<80x8xf32, #tpu.memory_space<vmem>>[vector<16xi32>, vector<16xi32>], vector<16xf32>,
      %ne3A_308 = arith.cmpf one, %gather3A_307, %gather3A_307 : vector<16xf32>
      %jit3A_309 = arith.constant 0.000000e+00 : f32
      %broadcast_in_dim3A_310 = vector.broadcast %jit3A_309 : f32 to vector<16xf32>
      %select_n3A_311 = arith.select %ne3A_308, %broadcast_in_dim3A_310, %gather3A_307 : vector<16xi1>, vector<16xf32>
      %sub3A_312 = arith.subf %select_n3A_306, %select_n3A_311 : vector<16xf32>
      %mul3A_313 = arith.mulf %sub3A_312, %sub3A_312 : vector<16xf32>
      %add3A_314 = arith.addf %add3A_299, %mul3A_313 : vector<16xf32>
      %broadcast_in_dim3A_315 = arith.constant 5 : i32
      %broadcast_in_dim3A_316 = vector.broadcast %broadcast_in_dim3A_315 : i32 to vector<16xi32>
      %gather3A_317 = tpu.vector_load_idx %arg16[%add3A_242, %broadcast_in_dim3A_316] : memref<80x8xf32, #tpu.memory_space<vmem>>[vector<16xi32>, vector<16xi32>], vector<16xf32>,
      %ne3A_318 = arith.cmpf one, %gather3A_317, %gather3A_317 : vector<16xf32>
      %jit3A_319 = arith.constant 0.000000e+00 : f32
      %broadcast_in_dim3A_320 = vector.broadcast %jit3A_319 : f32 to vector<16xf32>
      %select_n3A_321 = arith.select %ne3A_318, %broadcast_in_dim3A_320, %gather3A_317 : vector<16xi1>, vector<16xf32>
      %gather3A_322 = tpu.vector_load_idx %arg17[%add3A_242, %broadcast_in_dim3A_316] : memref<80x8xf32, #tpu.memory_space<vmem>>[vector<16xi32>, vector<16xi32>], vector<16xf32>,
      %ne3A_323 = arith.cmpf one, %gather3A_322, %gather3A_322 : vector<16xf32>
      %jit3A_324 = arith.constant 0.000000e+00 : f32
      %broadcast_in_dim3A_325 = vector.broadcast %jit3A_324 : f32 to vector<16xf32>
      %select_n3A_326 = arith.select %ne3A_323, %broadcast_in_dim3A_325, %gather3A_322 : vector<16xi1>, vector<16xf32>
      %sub3A_327 = arith.subf %select_n3A_321, %select_n3A_326 : vector<16xf32>
      %mul3A_328 = arith.mulf %sub3A_327, %sub3A_327 : vector<16xf32>
      %add3A_329 = arith.addf %add3A_314, %mul3A_328 : vector<16xf32>
      %broadcast_in_dim3A_330 = arith.constant 6 : i32
      %broadcast_in_dim3A_331 = vector.broadcast %broadcast_in_dim3A_330 : i32 to vector<16xi32>
      %gather3A_332 = tpu.vector_load_idx %arg16[%add3A_242, %broadcast_in_dim3A_331] : memref<80x8xf32, #tpu.memory_space<vmem>>[vector<16xi32>, vector<16xi32>], vector<16xf32>,
      %ne3A_333 = arith.cmpf one, %gather3A_332, %gather3A_332 : vector<16xf32>
      %jit3A_334 = arith.constant 0.000000e+00 : f32
      %broadcast_in_dim3A_335 = vector.broadcast %jit3A_334 : f32 to vector<16xf32>
      %select_n3A_336 = arith.select %ne3A_333, %broadcast_in_dim3A_335, %gather3A_332 : vector<16xi1>, vector<16xf32>
      %gather3A_337 = tpu.vector_load_idx %arg17[%add3A_242, %broadcast_in_dim3A_331] : memref<80x8xf32, #tpu.memory_space<vmem>>[vector<16xi32>, vector<16xi32>], vector<16xf32>,
      %ne3A_338 = arith.cmpf one, %gather3A_337, %gather3A_337 : vector<16xf32>
      %jit3A_339 = arith.constant 0.000000e+00 : f32
      %broadcast_in_dim3A_340 = vector.broadcast %jit3A_339 : f32 to vector<16xf32>
      %select_n3A_341 = arith.select %ne3A_338, %broadcast_in_dim3A_340, %gather3A_337 : vector<16xi1>, vector<16xf32>
      %sub3A_342 = arith.subf %select_n3A_336, %select_n3A_341 : vector<16xf32>
      %mul3A_343 = arith.mulf %sub3A_342, %sub3A_342 : vector<16xf32>
      %add3A_344 = arith.addf %add3A_329, %mul3A_343 : vector<16xf32>
      %broadcast_in_dim3A_345 = arith.constant 7 : i32
      %broadcast_in_dim3A_346 = vector.broadcast %broadcast_in_dim3A_345 : i32 to vector<16xi32>
      %gather3A_347 = tpu.vector_load_idx %arg16[%add3A_242, %broadcast_in_dim3A_346] : memref<80x8xf32, #tpu.memory_space<vmem>>[vector<16xi32>, vector<16xi32>], vector<16xf32>,
      %ne3A_348 = arith.cmpf one, %gather3A_347, %gather3A_347 : vector<16xf32>
      %jit3A_349 = arith.constant 0.000000e+00 : f32
      %broadcast_in_dim3A_350 = vector.broadcast %jit3A_349 : f32 to vector<16xf32>
      %select_n3A_351 = arith.select %ne3A_348, %broadcast_in_dim3A_350, %gather3A_347 : vector<16xi1>, vector<16xf32>
      %gather3A_352 = tpu.vector_load_idx %arg17[%add3A_242, %broadcast_in_dim3A_346] : memref<80x8xf32, #tpu.memory_space<vmem>>[vector<16xi32>, vector<16xi32>], vector<16xf32>,
      %ne3A_353 = arith.cmpf one, %gather3A_352, %gather3A_352 : vector<16xf32>
      %jit3A_354 = arith.constant 0.000000e+00 : f32
      %broadcast_in_dim3A_355 = vector.broadcast %jit3A_354 : f32 to vector<16xf32>
      %select_n3A_356 = arith.select %ne3A_353, %broadcast_in_dim3A_355, %gather3A_352 : vector<16xi1>, vector<16xf32>
      %sub3A_357 = arith.subf %select_n3A_351, %select_n3A_356 : vector<16xf32>
      %mul3A_358 = arith.mulf %sub3A_357, %sub3A_357 : vector<16xf32>
      %add3A_359 = arith.addf %add3A_344, %mul3A_358 : vector<16xf32>
      %add3A_360 = arith.constant 9.99999996E-13 : f32
      %add3A_361 = vector.broadcast %add3A_360 : f32 to vector<16xf32>
      %add3A_362 = arith.addf %add3A_359, %add3A_361 : vector<16xf32>
      %bitcast3A = vector.bitcast %add3A_362 : vector<16xf32> to vector<16xi32>
      %shift_right_arithmetic3A = arith.constant 1 : i32
      %shift_right_arithmetic3A_363 = vector.broadcast %shift_right_arithmetic3A : i32 to vector<16xi32>
      %shift_right_arithmetic3A_364 = arith.shrsi %bitcast3A, %shift_right_arithmetic3A_363 : vector<16xi32>
      %sub3A_365 = arith.constant 1597463007 : i32
      %sub3A_366 = vector.broadcast %sub3A_365 : i32 to vector<16xi32>
      %sub3A_367 = arith.subi %sub3A_366, %shift_right_arithmetic3A_364 : vector<16xi32>
      %bitcast3A_368 = vector.bitcast %sub3A_367 : vector<16xi32> to vector<16xf32>
      %mul3A_369 = arith.constant 5.000000e-01 : f32
      %mul3A_370 = vector.broadcast %mul3A_369 : f32 to vector<16xf32>
      %mul3A_371 = arith.mulf %mul3A_370, %add3A_362 : vector<16xf32>
      %mul3A_372 = arith.mulf %mul3A_371, %bitcast3A_368 : vector<16xf32>
      %mul3A_373 = arith.mulf %mul3A_372, %bitcast3A_368 : vector<16xf32>
      %sub3A_374 = arith.constant 1.500000e+00 : f32
      %sub3A_375 = vector.broadcast %sub3A_374 : f32 to vector<16xf32>
      %sub3A_376 = arith.subf %sub3A_375, %mul3A_373 : vector<16xf32>
      %mul3A_377 = arith.mulf %bitcast3A_368, %sub3A_376 : vector<16xf32>
      %mul3A_378 = arith.constant 5.000000e-01 : f32
      %mul3A_379 = vector.broadcast %mul3A_378 : f32 to vector<16xf32>
      %mul3A_380 = arith.mulf %mul3A_379, %add3A_362 : vector<16xf32>
      %mul3A_381 = arith.mulf %mul3A_380, %mul3A_377 : vector<16xf32>
      %mul3A_382 = arith.mulf %mul3A_381, %mul3A_377 : vector<16xf32>
      %sub3A_383 = arith.constant 1.500000e+00 : f32
      %sub3A_384 = vector.broadcast %sub3A_383 : f32 to vector<16xf32>
      %sub3A_385 = arith.subf %sub3A_384, %mul3A_382 : vector<16xf32>
      %mul3A_386 = arith.mulf %mul3A_377, %sub3A_385 : vector<16xf32>
      %mul3A_387 = arith.constant 5.000000e-01 : f32
      %mul3A_388 = vector.broadcast %mul3A_387 : f32 to vector<16xf32>
      %mul3A_389 = arith.mulf %mul3A_388, %add3A_362 : vector<16xf32>
      %mul3A_390 = arith.mulf %mul3A_389, %mul3A_386 : vector<16xf32>
      %mul3A_391 = arith.mulf %mul3A_390, %mul3A_386 : vector<16xf32>
      %sub3A_392 = arith.constant 1.500000e+00 : f32
      %sub3A_393 = vector.broadcast %sub3A_392 : f32 to vector<16xf32>
      %sub3A_394 = arith.subf %sub3A_393, %mul3A_391 : vector<16xf32>
      %mul3A_395 = arith.mulf %mul3A_386, %sub3A_394 : vector<16xf32>
      %mul3A_396 = arith.mulf %add3A_362, %mul3A_395 : vector<16xf32>
      %get3A = arith.constant 0 : index
      %get3A_397 = tpu.vector_load %arg13[%get3A] {strides = array<i32>} : memref<80xi32, #tpu.memory_space<vmem>>, vector<16xi32>,
      tpu.vector_store_idx %arg18[%get3A_397], %mul3A_396 {add = true} : memref<10000xf32, #tpu.memory_space<vmem>>[vector<16xi32>], vector<16xf32>,
      %add3A_398 = arith.constant 16 : i32
      %add3A_399 = vector.broadcast %add3A_398 : i32 to vector<16xi32>
      %add3A_400 = arith.addi %iota3A, %add3A_399 : vector<16xi32>
      %broadcast_in_dim3A_401 = arith.constant 0.000000e+00 : f32
      %broadcast_in_dim3A_402 = vector.broadcast %broadcast_in_dim3A_401 : f32 to vector<16xf32>
      %broadcast_in_dim3A_403 = arith.constant 0 : i32
      %broadcast_in_dim3A_404 = vector.broadcast %broadcast_in_dim3A_403 : i32 to vector<16xi32>
      %gather3A_405 = tpu.vector_load_idx %arg16[%add3A_400, %broadcast_in_dim3A_404] : memref<80x8xf32, #tpu.memory_space<vmem>>[vector<16xi32>, vector<16xi32>], vector<16xf32>,
      %ne3A_406 = arith.cmpf one, %gather3A_405, %gather3A_405 : vector<16xf32>
      %jit3A_407 = arith.constant 0.000000e+00 : f32
      %broadcast_in_dim3A_408 = vector.broadcast %jit3A_407 : f32 to vector<16xf32>
      %select_n3A_409 = arith.select %ne3A_406, %broadcast_in_dim3A_408, %gather3A_405 : vector<16xi1>, vector<16xf32>
      %gather3A_410 = tpu.vector_load_idx %arg17[%add3A_400, %broadcast_in_dim3A_404] : memref<80x8xf32, #tpu.memory_space<vmem>>[vector<16xi32>, vector<16xi32>], vector<16xf32>,
      %ne3A_411 = arith.cmpf one, %gather3A_410, %gather3A_410 : vector<16xf32>
      %jit3A_412 = arith.constant 0.000000e+00 : f32
      %broadcast_in_dim3A_413 = vector.broadcast %jit3A_412 : f32 to vector<16xf32>
      %select_n3A_414 = arith.select %ne3A_411, %broadcast_in_dim3A_413, %gather3A_410 : vector<16xi1>, vector<16xf32>
      %sub3A_415 = arith.subf %select_n3A_409, %select_n3A_414 : vector<16xf32>
      %mul3A_416 = arith.mulf %sub3A_415, %sub3A_415 : vector<16xf32>
      %add3A_417 = arith.addf %broadcast_in_dim3A_402, %mul3A_416 : vector<16xf32>
      %broadcast_in_dim3A_418 = arith.constant 1 : i32
      %broadcast_in_dim3A_419 = vector.broadcast %broadcast_in_dim3A_418 : i32 to vector<16xi32>
      %gather3A_420 = tpu.vector_load_idx %arg16[%add3A_400, %broadcast_in_dim3A_419] : memref<80x8xf32, #tpu.memory_space<vmem>>[vector<16xi32>, vector<16xi32>], vector<16xf32>,
      %ne3A_421 = arith.cmpf one, %gather3A_420, %gather3A_420 : vector<16xf32>
      %jit3A_422 = arith.constant 0.000000e+00 : f32
      %broadcast_in_dim3A_423 = vector.broadcast %jit3A_422 : f32 to vector<16xf32>
      %select_n3A_424 = arith.select %ne3A_421, %broadcast_in_dim3A_423, %gather3A_420 : vector<16xi1>, vector<16xf32>
      %gather3A_425 = tpu.vector_load_idx %arg17[%add3A_400, %broadcast_in_dim3A_419] : memref<80x8xf32, #tpu.memory_space<vmem>>[vector<16xi32>, vector<16xi32>], vector<16xf32>,
      %ne3A_426 = arith.cmpf one, %gather3A_425, %gather3A_425 : vector<16xf32>
      %jit3A_427 = arith.constant 0.000000e+00 : f32
      %broadcast_in_dim3A_428 = vector.broadcast %jit3A_427 : f32 to vector<16xf32>
      %select_n3A_429 = arith.select %ne3A_426, %broadcast_in_dim3A_428, %gather3A_425 : vector<16xi1>, vector<16xf32>
      %sub3A_430 = arith.subf %select_n3A_424, %select_n3A_429 : vector<16xf32>
      %mul3A_431 = arith.mulf %sub3A_430, %sub3A_430 : vector<16xf32>
      %add3A_432 = arith.addf %add3A_417, %mul3A_431 : vector<16xf32>
      %broadcast_in_dim3A_433 = arith.constant 2 : i32
      %broadcast_in_dim3A_434 = vector.broadcast %broadcast_in_dim3A_433 : i32 to vector<16xi32>
      %gather3A_435 = tpu.vector_load_idx %arg16[%add3A_400, %broadcast_in_dim3A_434] : memref<80x8xf32, #tpu.memory_space<vmem>>[vector<16xi32>, vector<16xi32>], vector<16xf32>,
      %ne3A_436 = arith.cmpf one, %gather3A_435, %gather3A_435 : vector<16xf32>
      %jit3A_437 = arith.constant 0.000000e+00 : f32
      %broadcast_in_dim3A_438 = vector.broadcast %jit3A_437 : f32 to vector<16xf32>
      %select_n3A_439 = arith.select %ne3A_436, %broadcast_in_dim3A_438, %gather3A_435 : vector<16xi1>, vector<16xf32>
      %gather3A_440 = tpu.vector_load_idx %arg17[%add3A_400, %broadcast_in_dim3A_434] : memref<80x8xf32, #tpu.memory_space<vmem>>[vector<16xi32>, vector<16xi32>], vector<16xf32>,
      %ne3A_441 = arith.cmpf one, %gather3A_440, %gather3A_440 : vector<16xf32>
      %jit3A_442 = arith.constant 0.000000e+00 : f32
      %broadcast_in_dim3A_443 = vector.broadcast %jit3A_442 : f32 to vector<16xf32>
      %select_n3A_444 = arith.select %ne3A_441, %broadcast_in_dim3A_443, %gather3A_440 : vector<16xi1>, vector<16xf32>
      %sub3A_445 = arith.subf %select_n3A_439, %select_n3A_444 : vector<16xf32>
      %mul3A_446 = arith.mulf %sub3A_445, %sub3A_445 : vector<16xf32>
      %add3A_447 = arith.addf %add3A_432, %mul3A_446 : vector<16xf32>
      %broadcast_in_dim3A_448 = arith.constant 3 : i32
      %broadcast_in_dim3A_449 = vector.broadcast %broadcast_in_dim3A_448 : i32 to vector<16xi32>
      %gather3A_450 = tpu.vector_load_idx %arg16[%add3A_400, %broadcast_in_dim3A_449] : memref<80x8xf32, #tpu.memory_space<vmem>>[vector<16xi32>, vector<16xi32>], vector<16xf32>,
      %ne3A_451 = arith.cmpf one, %gather3A_450, %gather3A_450 : vector<16xf32>
      %jit3A_452 = arith.constant 0.000000e+00 : f32
      %broadcast_in_dim3A_453 = vector.broadcast %jit3A_452 : f32 to vector<16xf32>
      %select_n3A_454 = arith.select %ne3A_451, %broadcast_in_dim3A_453, %gather3A_450 : vector<16xi1>, vector<16xf32>
      %gather3A_455 = tpu.vector_load_idx %arg17[%add3A_400, %broadcast_in_dim3A_449] : memref<80x8xf32, #tpu.memory_space<vmem>>[vector<16xi32>, vector<16xi32>], vector<16xf32>,
      %ne3A_456 = arith.cmpf one, %gather3A_455, %gather3A_455 : vector<16xf32>
      %jit3A_457 = arith.constant 0.000000e+00 : f32
      %broadcast_in_dim3A_458 = vector.broadcast %jit3A_457 : f32 to vector<16xf32>
      %select_n3A_459 = arith.select %ne3A_456, %broadcast_in_dim3A_458, %gather3A_455 : vector<16xi1>, vector<16xf32>
      %sub3A_460 = arith.subf %select_n3A_454, %select_n3A_459 : vector<16xf32>
      %mul3A_461 = arith.mulf %sub3A_460, %sub3A_460 : vector<16xf32>
      %add3A_462 = arith.addf %add3A_447, %mul3A_461 : vector<16xf32>
      %broadcast_in_dim3A_463 = arith.constant 4 : i32
      %broadcast_in_dim3A_464 = vector.broadcast %broadcast_in_dim3A_463 : i32 to vector<16xi32>
      %gather3A_465 = tpu.vector_load_idx %arg16[%add3A_400, %broadcast_in_dim3A_464] : memref<80x8xf32, #tpu.memory_space<vmem>>[vector<16xi32>, vector<16xi32>], vector<16xf32>,
      %ne3A_466 = arith.cmpf one, %gather3A_465, %gather3A_465 : vector<16xf32>
      %jit3A_467 = arith.constant 0.000000e+00 : f32
      %broadcast_in_dim3A_468 = vector.broadcast %jit3A_467 : f32 to vector<16xf32>
      %select_n3A_469 = arith.select %ne3A_466, %broadcast_in_dim3A_468, %gather3A_465 : vector<16xi1>, vector<16xf32>
      %gather3A_470 = tpu.vector_load_idx %arg17[%add3A_400, %broadcast_in_dim3A_464] : memref<80x8xf32, #tpu.memory_space<vmem>>[vector<16xi32>, vector<16xi32>], vector<16xf32>,
      %ne3A_471 = arith.cmpf one, %gather3A_470, %gather3A_470 : vector<16xf32>
      %jit3A_472 = arith.constant 0.000000e+00 : f32
      %broadcast_in_dim3A_473 = vector.broadcast %jit3A_472 : f32 to vector<16xf32>
      %select_n3A_474 = arith.select %ne3A_471, %broadcast_in_dim3A_473, %gather3A_470 : vector<16xi1>, vector<16xf32>
      %sub3A_475 = arith.subf %select_n3A_469, %select_n3A_474 : vector<16xf32>
      %mul3A_476 = arith.mulf %sub3A_475, %sub3A_475 : vector<16xf32>
      %add3A_477 = arith.addf %add3A_462, %mul3A_476 : vector<16xf32>
      %broadcast_in_dim3A_478 = arith.constant 5 : i32
      %broadcast_in_dim3A_479 = vector.broadcast %broadcast_in_dim3A_478 : i32 to vector<16xi32>
      %gather3A_480 = tpu.vector_load_idx %arg16[%add3A_400, %broadcast_in_dim3A_479] : memref<80x8xf32, #tpu.memory_space<vmem>>[vector<16xi32>, vector<16xi32>], vector<16xf32>,
      %ne3A_481 = arith.cmpf one, %gather3A_480, %gather3A_480 : vector<16xf32>
      %jit3A_482 = arith.constant 0.000000e+00 : f32
      %broadcast_in_dim3A_483 = vector.broadcast %jit3A_482 : f32 to vector<16xf32>
      %select_n3A_484 = arith.select %ne3A_481, %broadcast_in_dim3A_483, %gather3A_480 : vector<16xi1>, vector<16xf32>
      %gather3A_485 = tpu.vector_load_idx %arg17[%add3A_400, %broadcast_in_dim3A_479] : memref<80x8xf32, #tpu.memory_space<vmem>>[vector<16xi32>, vector<16xi32>], vector<16xf32>,
      %ne3A_486 = arith.cmpf one, %gather3A_485, %gather3A_485 : vector<16xf32>
      %jit3A_487 = arith.constant 0.000000e+00 : f32
      %broadcast_in_dim3A_488 = vector.broadcast %jit3A_487 : f32 to vector<16xf32>
      %select_n3A_489 = arith.select %ne3A_486, %broadcast_in_dim3A_488, %gather3A_485 : vector<16xi1>, vector<16xf32>
      %sub3A_490 = arith.subf %select_n3A_484, %select_n3A_489 : vector<16xf32>
      %mul3A_491 = arith.mulf %sub3A_490, %sub3A_490 : vector<16xf32>
      %add3A_492 = arith.addf %add3A_477, %mul3A_491 : vector<16xf32>
      %broadcast_in_dim3A_493 = arith.constant 6 : i32
      %broadcast_in_dim3A_494 = vector.broadcast %broadcast_in_dim3A_493 : i32 to vector<16xi32>
      %gather3A_495 = tpu.vector_load_idx %arg16[%add3A_400, %broadcast_in_dim3A_494] : memref<80x8xf32, #tpu.memory_space<vmem>>[vector<16xi32>, vector<16xi32>], vector<16xf32>,
      %ne3A_496 = arith.cmpf one, %gather3A_495, %gather3A_495 : vector<16xf32>
      %jit3A_497 = arith.constant 0.000000e+00 : f32
      %broadcast_in_dim3A_498 = vector.broadcast %jit3A_497 : f32 to vector<16xf32>
      %select_n3A_499 = arith.select %ne3A_496, %broadcast_in_dim3A_498, %gather3A_495 : vector<16xi1>, vector<16xf32>
      %gather3A_500 = tpu.vector_load_idx %arg17[%add3A_400, %broadcast_in_dim3A_494] : memref<80x8xf32, #tpu.memory_space<vmem>>[vector<16xi32>, vector<16xi32>], vector<16xf32>,
      %ne3A_501 = arith.cmpf one, %gather3A_500, %gather3A_500 : vector<16xf32>
      %jit3A_502 = arith.constant 0.000000e+00 : f32
      %broadcast_in_dim3A_503 = vector.broadcast %jit3A_502 : f32 to vector<16xf32>
      %select_n3A_504 = arith.select %ne3A_501, %broadcast_in_dim3A_503, %gather3A_500 : vector<16xi1>, vector<16xf32>
      %sub3A_505 = arith.subf %select_n3A_499, %select_n3A_504 : vector<16xf32>
      %mul3A_506 = arith.mulf %sub3A_505, %sub3A_505 : vector<16xf32>
      %add3A_507 = arith.addf %add3A_492, %mul3A_506 : vector<16xf32>
      %broadcast_in_dim3A_508 = arith.constant 7 : i32
      %broadcast_in_dim3A_509 = vector.broadcast %broadcast_in_dim3A_508 : i32 to vector<16xi32>
      %gather3A_510 = tpu.vector_load_idx %arg16[%add3A_400, %broadcast_in_dim3A_509] : memref<80x8xf32, #tpu.memory_space<vmem>>[vector<16xi32>, vector<16xi32>], vector<16xf32>,
      %ne3A_511 = arith.cmpf one, %gather3A_510, %gather3A_510 : vector<16xf32>
      %jit3A_512 = arith.constant 0.000000e+00 : f32
      %broadcast_in_dim3A_513 = vector.broadcast %jit3A_512 : f32 to vector<16xf32>
      %select_n3A_514 = arith.select %ne3A_511, %broadcast_in_dim3A_513, %gather3A_510 : vector<16xi1>, vector<16xf32>
      %gather3A_515 = tpu.vector_load_idx %arg17[%add3A_400, %broadcast_in_dim3A_509] : memref<80x8xf32, #tpu.memory_space<vmem>>[vector<16xi32>, vector<16xi32>], vector<16xf32>,
      %ne3A_516 = arith.cmpf one, %gather3A_515, %gather3A_515 : vector<16xf32>
      %jit3A_517 = arith.constant 0.000000e+00 : f32
      %broadcast_in_dim3A_518 = vector.broadcast %jit3A_517 : f32 to vector<16xf32>
      %select_n3A_519 = arith.select %ne3A_516, %broadcast_in_dim3A_518, %gather3A_515 : vector<16xi1>, vector<16xf32>
      %sub3A_520 = arith.subf %select_n3A_514, %select_n3A_519 : vector<16xf32>
      %mul3A_521 = arith.mulf %sub3A_520, %sub3A_520 : vector<16xf32>
      %add3A_522 = arith.addf %add3A_507, %mul3A_521 : vector<16xf32>
      %add3A_523 = arith.constant 9.99999996E-13 : f32
      %add3A_524 = vector.broadcast %add3A_523 : f32 to vector<16xf32>
      %add3A_525 = arith.addf %add3A_522, %add3A_524 : vector<16xf32>
      %bitcast3A_526 = vector.bitcast %add3A_525 : vector<16xf32> to vector<16xi32>
      %shift_right_arithmetic3A_527 = arith.constant 1 : i32
      %shift_right_arithmetic3A_528 = vector.broadcast %shift_right_arithmetic3A_527 : i32 to vector<16xi32>
      %shift_right_arithmetic3A_529 = arith.shrsi %bitcast3A_526, %shift_right_arithmetic3A_528 : vector<16xi32>
      %sub3A_530 = arith.constant 1597463007 : i32
      %sub3A_531 = vector.broadcast %sub3A_530 : i32 to vector<16xi32>
      %sub3A_532 = arith.subi %sub3A_531, %shift_right_arithmetic3A_529 : vector<16xi32>
      %bitcast3A_533 = vector.bitcast %sub3A_532 : vector<16xi32> to vector<16xf32>
      %mul3A_534 = arith.constant 5.000000e-01 : f32
      %mul3A_535 = vector.broadcast %mul3A_534 : f32 to vector<16xf32>
      %mul3A_536 = arith.mulf %mul3A_535, %add3A_525 : vector<16xf32>
      %mul3A_537 = arith.mulf %mul3A_536, %bitcast3A_533 : vector<16xf32>
      %mul3A_538 = arith.mulf %mul3A_537, %bitcast3A_533 : vector<16xf32>
      %sub3A_539 = arith.constant 1.500000e+00 : f32
      %sub3A_540 = vector.broadcast %sub3A_539 : f32 to vector<16xf32>
      %sub3A_541 = arith.subf %sub3A_540, %mul3A_538 : vector<16xf32>
      %mul3A_542 = arith.mulf %bitcast3A_533, %sub3A_541 : vector<16xf32>
      %mul3A_543 = arith.constant 5.000000e-01 : f32
      %mul3A_544 = vector.broadcast %mul3A_543 : f32 to vector<16xf32>
      %mul3A_545 = arith.mulf %mul3A_544, %add3A_525 : vector<16xf32>
      %mul3A_546 = arith.mulf %mul3A_545, %mul3A_542 : vector<16xf32>
      %mul3A_547 = arith.mulf %mul3A_546, %mul3A_542 : vector<16xf32>
      %sub3A_548 = arith.constant 1.500000e+00 : f32
      %sub3A_549 = vector.broadcast %sub3A_548 : f32 to vector<16xf32>
      %sub3A_550 = arith.subf %sub3A_549, %mul3A_547 : vector<16xf32>
      %mul3A_551 = arith.mulf %mul3A_542, %sub3A_550 : vector<16xf32>
      %mul3A_552 = arith.constant 5.000000e-01 : f32
      %mul3A_553 = vector.broadcast %mul3A_552 : f32 to vector<16xf32>
      %mul3A_554 = arith.mulf %mul3A_553, %add3A_525 : vector<16xf32>
      %mul3A_555 = arith.mulf %mul3A_554, %mul3A_551 : vector<16xf32>
      %mul3A_556 = arith.mulf %mul3A_555, %mul3A_551 : vector<16xf32>
      %sub3A_557 = arith.constant 1.500000e+00 : f32
      %sub3A_558 = vector.broadcast %sub3A_557 : f32 to vector<16xf32>
      %sub3A_559 = arith.subf %sub3A_558, %mul3A_556 : vector<16xf32>
      %mul3A_560 = arith.mulf %mul3A_551, %sub3A_559 : vector<16xf32>
      %mul3A_561 = arith.mulf %add3A_525, %mul3A_560 : vector<16xf32>
      %get3A_562 = arith.constant 16 : index
      %get3A_563 = tpu.vector_load %arg13[%get3A_562] {strides = array<i32>} : memref<80xi32, #tpu.memory_space<vmem>>, vector<16xi32>,
      tpu.vector_store_idx %arg18[%get3A_563], %mul3A_561 {add = true} : memref<10000xf32, #tpu.memory_space<vmem>>[vector<16xi32>], vector<16xf32>,
      %add3A_564 = arith.constant 32 : i32
      %add3A_565 = vector.broadcast %add3A_564 : i32 to vector<16xi32>
      %add3A_566 = arith.addi %iota3A, %add3A_565 : vector<16xi32>
      %broadcast_in_dim3A_567 = arith.constant 0.000000e+00 : f32
      %broadcast_in_dim3A_568 = vector.broadcast %broadcast_in_dim3A_567 : f32 to vector<16xf32>
      %broadcast_in_dim3A_569 = arith.constant 0 : i32
      %broadcast_in_dim3A_570 = vector.broadcast %broadcast_in_dim3A_569 : i32 to vector<16xi32>
      %gather3A_571 = tpu.vector_load_idx %arg16[%add3A_566, %broadcast_in_dim3A_570] : memref<80x8xf32, #tpu.memory_space<vmem>>[vector<16xi32>, vector<16xi32>], vector<16xf32>,
      %ne3A_572 = arith.cmpf one, %gather3A_571, %gather3A_571 : vector<16xf32>
      %jit3A_573 = arith.constant 0.000000e+00 : f32
      %broadcast_in_dim3A_574 = vector.broadcast %jit3A_573 : f32 to vector<16xf32>
      %select_n3A_575 = arith.select %ne3A_572, %broadcast_in_dim3A_574, %gather3A_571 : vector<16xi1>, vector<16xf32>
      %gather3A_576 = tpu.vector_load_idx %arg17[%add3A_566, %broadcast_in_dim3A_570] : memref<80x8xf32, #tpu.memory_space<vmem>>[vector<16xi32>, vector<16xi32>], vector<16xf32>,
      %ne3A_577 = arith.cmpf one, %gather3A_576, %gather3A_576 : vector<16xf32>
      %jit3A_578 = arith.constant 0.000000e+00 : f32
      %broadcast_in_dim3A_579 = vector.broadcast %jit3A_578 : f32 to vector<16xf32>
      %select_n3A_580 = arith.select %ne3A_577, %broadcast_in_dim3A_579, %gather3A_576 : vector<16xi1>, vector<16xf32>
      %sub3A_581 = arith.subf %select_n3A_575, %select_n3A_580 : vector<16xf32>
      %mul3A_582 = arith.mulf %sub3A_581, %sub3A_581 : vector<16xf32>
      %add3A_583 = arith.addf %broadcast_in_dim3A_568, %mul3A_582 : vector<16xf32>
      %broadcast_in_dim3A_584 = arith.constant 1 : i32
      %broadcast_in_dim3A_585 = vector.broadcast %broadcast_in_dim3A_584 : i32 to vector<16xi32>
      %gather3A_586 = tpu.vector_load_idx %arg16[%add3A_566, %broadcast_in_dim3A_585] : memref<80x8xf32, #tpu.memory_space<vmem>>[vector<16xi32>, vector<16xi32>], vector<16xf32>,
      %ne3A_587 = arith.cmpf one, %gather3A_586, %gather3A_586 : vector<16xf32>
      %jit3A_588 = arith.constant 0.000000e+00 : f32
      %broadcast_in_dim3A_589 = vector.broadcast %jit3A_588 : f32 to vector<16xf32>
      %select_n3A_590 = arith.select %ne3A_587, %broadcast_in_dim3A_589, %gather3A_586 : vector<16xi1>, vector<16xf32>
      %gather3A_591 = tpu.vector_load_idx %arg17[%add3A_566, %broadcast_in_dim3A_585] : memref<80x8xf32, #tpu.memory_space<vmem>>[vector<16xi32>, vector<16xi32>], vector<16xf32>,
      %ne3A_592 = arith.cmpf one, %gather3A_591, %gather3A_591 : vector<16xf32>
      %jit3A_593 = arith.constant 0.000000e+00 : f32
      %broadcast_in_dim3A_594 = vector.broadcast %jit3A_593 : f32 to vector<16xf32>
      %select_n3A_595 = arith.select %ne3A_592, %broadcast_in_dim3A_594, %gather3A_591 : vector<16xi1>, vector<16xf32>
      %sub3A_596 = arith.subf %select_n3A_590, %select_n3A_595 : vector<16xf32>
      %mul3A_597 = arith.mulf %sub3A_596, %sub3A_596 : vector<16xf32>
      %add3A_598 = arith.addf %add3A_583, %mul3A_597 : vector<16xf32>
      %broadcast_in_dim3A_599 = arith.constant 2 : i32
      %broadcast_in_dim3A_600 = vector.broadcast %broadcast_in_dim3A_599 : i32 to vector<16xi32>
      %gather3A_601 = tpu.vector_load_idx %arg16[%add3A_566, %broadcast_in_dim3A_600] : memref<80x8xf32, #tpu.memory_space<vmem>>[vector<16xi32>, vector<16xi32>], vector<16xf32>,
      %ne3A_602 = arith.cmpf one, %gather3A_601, %gather3A_601 : vector<16xf32>
      %jit3A_603 = arith.constant 0.000000e+00 : f32
      %broadcast_in_dim3A_604 = vector.broadcast %jit3A_603 : f32 to vector<16xf32>
      %select_n3A_605 = arith.select %ne3A_602, %broadcast_in_dim3A_604, %gather3A_601 : vector<16xi1>, vector<16xf32>
      %gather3A_606 = tpu.vector_load_idx %arg17[%add3A_566, %broadcast_in_dim3A_600] : memref<80x8xf32, #tpu.memory_space<vmem>>[vector<16xi32>, vector<16xi32>], vector<16xf32>,
      %ne3A_607 = arith.cmpf one, %gather3A_606, %gather3A_606 : vector<16xf32>
      %jit3A_608 = arith.constant 0.000000e+00 : f32
      %broadcast_in_dim3A_609 = vector.broadcast %jit3A_608 : f32 to vector<16xf32>
      %select_n3A_610 = arith.select %ne3A_607, %broadcast_in_dim3A_609, %gather3A_606 : vector<16xi1>, vector<16xf32>
      %sub3A_611 = arith.subf %select_n3A_605, %select_n3A_610 : vector<16xf32>
      %mul3A_612 = arith.mulf %sub3A_611, %sub3A_611 : vector<16xf32>
      %add3A_613 = arith.addf %add3A_598, %mul3A_612 : vector<16xf32>
      %broadcast_in_dim3A_614 = arith.constant 3 : i32
      %broadcast_in_dim3A_615 = vector.broadcast %broadcast_in_dim3A_614 : i32 to vector<16xi32>
      %gather3A_616 = tpu.vector_load_idx %arg16[%add3A_566, %broadcast_in_dim3A_615] : memref<80x8xf32, #tpu.memory_space<vmem>>[vector<16xi32>, vector<16xi32>], vector<16xf32>,
      %ne3A_617 = arith.cmpf one, %gather3A_616, %gather3A_616 : vector<16xf32>
      %jit3A_618 = arith.constant 0.000000e+00 : f32
      %broadcast_in_dim3A_619 = vector.broadcast %jit3A_618 : f32 to vector<16xf32>
      %select_n3A_620 = arith.select %ne3A_617, %broadcast_in_dim3A_619, %gather3A_616 : vector<16xi1>, vector<16xf32>
      %gather3A_621 = tpu.vector_load_idx %arg17[%add3A_566, %broadcast_in_dim3A_615] : memref<80x8xf32, #tpu.memory_space<vmem>>[vector<16xi32>, vector<16xi32>], vector<16xf32>,
      %ne3A_622 = arith.cmpf one, %gather3A_621, %gather3A_621 : vector<16xf32>
      %jit3A_623 = arith.constant 0.000000e+00 : f32
      %broadcast_in_dim3A_624 = vector.broadcast %jit3A_623 : f32 to vector<16xf32>
      %select_n3A_625 = arith.select %ne3A_622, %broadcast_in_dim3A_624, %gather3A_621 : vector<16xi1>, vector<16xf32>
      %sub3A_626 = arith.subf %select_n3A_620, %select_n3A_625 : vector<16xf32>
      %mul3A_627 = arith.mulf %sub3A_626, %sub3A_626 : vector<16xf32>
      %add3A_628 = arith.addf %add3A_613, %mul3A_627 : vector<16xf32>
      %broadcast_in_dim3A_629 = arith.constant 4 : i32
      %broadcast_in_dim3A_630 = vector.broadcast %broadcast_in_dim3A_629 : i32 to vector<16xi32>
      %gather3A_631 = tpu.vector_load_idx %arg16[%add3A_566, %broadcast_in_dim3A_630] : memref<80x8xf32, #tpu.memory_space<vmem>>[vector<16xi32>, vector<16xi32>], vector<16xf32>,
      %ne3A_632 = arith.cmpf one, %gather3A_631, %gather3A_631 : vector<16xf32>
      %jit3A_633 = arith.constant 0.000000e+00 : f32
      %broadcast_in_dim3A_634 = vector.broadcast %jit3A_633 : f32 to vector<16xf32>
      %select_n3A_635 = arith.select %ne3A_632, %broadcast_in_dim3A_634, %gather3A_631 : vector<16xi1>, vector<16xf32>
      %gather3A_636 = tpu.vector_load_idx %arg17[%add3A_566, %broadcast_in_dim3A_630] : memref<80x8xf32, #tpu.memory_space<vmem>>[vector<16xi32>, vector<16xi32>], vector<16xf32>,
      %ne3A_637 = arith.cmpf one, %gather3A_636, %gather3A_636 : vector<16xf32>
      %jit3A_638 = arith.constant 0.000000e+00 : f32
      %broadcast_in_dim3A_639 = vector.broadcast %jit3A_638 : f32 to vector<16xf32>
      %select_n3A_640 = arith.select %ne3A_637, %broadcast_in_dim3A_639, %gather3A_636 : vector<16xi1>, vector<16xf32>
      %sub3A_641 = arith.subf %select_n3A_635, %select_n3A_640 : vector<16xf32>
      %mul3A_642 = arith.mulf %sub3A_641, %sub3A_641 : vector<16xf32>
      %add3A_643 = arith.addf %add3A_628, %mul3A_642 : vector<16xf32>
      %broadcast_in_dim3A_644 = arith.constant 5 : i32
      %broadcast_in_dim3A_645 = vector.broadcast %broadcast_in_dim3A_644 : i32 to vector<16xi32>
      %gather3A_646 = tpu.vector_load_idx %arg16[%add3A_566, %broadcast_in_dim3A_645] : memref<80x8xf32, #tpu.memory_space<vmem>>[vector<16xi32>, vector<16xi32>], vector<16xf32>,
      %ne3A_647 = arith.cmpf one, %gather3A_646, %gather3A_646 : vector<16xf32>
      %jit3A_648 = arith.constant 0.000000e+00 : f32
      %broadcast_in_dim3A_649 = vector.broadcast %jit3A_648 : f32 to vector<16xf32>
      %select_n3A_650 = arith.select %ne3A_647, %broadcast_in_dim3A_649, %gather3A_646 : vector<16xi1>, vector<16xf32>
      %gather3A_651 = tpu.vector_load_idx %arg17[%add3A_566, %broadcast_in_dim3A_645] : memref<80x8xf32, #tpu.memory_space<vmem>>[vector<16xi32>, vector<16xi32>], vector<16xf32>,
      %ne3A_652 = arith.cmpf one, %gather3A_651, %gather3A_651 : vector<16xf32>
      %jit3A_653 = arith.constant 0.000000e+00 : f32
      %broadcast_in_dim3A_654 = vector.broadcast %jit3A_653 : f32 to vector<16xf32>
      %select_n3A_655 = arith.select %ne3A_652, %broadcast_in_dim3A_654, %gather3A_651 : vector<16xi1>, vector<16xf32>
      %sub3A_656 = arith.subf %select_n3A_650, %select_n3A_655 : vector<16xf32>
      %mul3A_657 = arith.mulf %sub3A_656, %sub3A_656 : vector<16xf32>
      %add3A_658 = arith.addf %add3A_643, %mul3A_657 : vector<16xf32>
      %broadcast_in_dim3A_659 = arith.constant 6 : i32
      %broadcast_in_dim3A_660 = vector.broadcast %broadcast_in_dim3A_659 : i32 to vector<16xi32>
      %gather3A_661 = tpu.vector_load_idx %arg16[%add3A_566, %broadcast_in_dim3A_660] : memref<80x8xf32, #tpu.memory_space<vmem>>[vector<16xi32>, vector<16xi32>], vector<16xf32>,
      %ne3A_662 = arith.cmpf one, %gather3A_661, %gather3A_661 : vector<16xf32>
      %jit3A_663 = arith.constant 0.000000e+00 : f32
      %broadcast_in_dim3A_664 = vector.broadcast %jit3A_663 : f32 to vector<16xf32>
      %select_n3A_665 = arith.select %ne3A_662, %broadcast_in_dim3A_664, %gather3A_661 : vector<16xi1>, vector<16xf32>
      %gather3A_666 = tpu.vector_load_idx %arg17[%add3A_566, %broadcast_in_dim3A_660] : memref<80x8xf32, #tpu.memory_space<vmem>>[vector<16xi32>, vector<16xi32>], vector<16xf32>,
      %ne3A_667 = arith.cmpf one, %gather3A_666, %gather3A_666 : vector<16xf32>
      %jit3A_668 = arith.constant 0.000000e+00 : f32
      %broadcast_in_dim3A_669 = vector.broadcast %jit3A_668 : f32 to vector<16xf32>
      %select_n3A_670 = arith.select %ne3A_667, %broadcast_in_dim3A_669, %gather3A_666 : vector<16xi1>, vector<16xf32>
      %sub3A_671 = arith.subf %select_n3A_665, %select_n3A_670 : vector<16xf32>
      %mul3A_672 = arith.mulf %sub3A_671, %sub3A_671 : vector<16xf32>
      %add3A_673 = arith.addf %add3A_658, %mul3A_672 : vector<16xf32>
      %broadcast_in_dim3A_674 = arith.constant 7 : i32
      %broadcast_in_dim3A_675 = vector.broadcast %broadcast_in_dim3A_674 : i32 to vector<16xi32>
      %gather3A_676 = tpu.vector_load_idx %arg16[%add3A_566, %broadcast_in_dim3A_675] : memref<80x8xf32, #tpu.memory_space<vmem>>[vector<16xi32>, vector<16xi32>], vector<16xf32>,
      %ne3A_677 = arith.cmpf one, %gather3A_676, %gather3A_676 : vector<16xf32>
      %jit3A_678 = arith.constant 0.000000e+00 : f32
      %broadcast_in_dim3A_679 = vector.broadcast %jit3A_678 : f32 to vector<16xf32>
      %select_n3A_680 = arith.select %ne3A_677, %broadcast_in_dim3A_679, %gather3A_676 : vector<16xi1>, vector<16xf32>
      %gather3A_681 = tpu.vector_load_idx %arg17[%add3A_566, %broadcast_in_dim3A_675] : memref<80x8xf32, #tpu.memory_space<vmem>>[vector<16xi32>, vector<16xi32>], vector<16xf32>,
      %ne3A_682 = arith.cmpf one, %gather3A_681, %gather3A_681 : vector<16xf32>
      %jit3A_683 = arith.constant 0.000000e+00 : f32
      %broadcast_in_dim3A_684 = vector.broadcast %jit3A_683 : f32 to vector<16xf32>
      %select_n3A_685 = arith.select %ne3A_682, %broadcast_in_dim3A_684, %gather3A_681 : vector<16xi1>, vector<16xf32>
      %sub3A_686 = arith.subf %select_n3A_680, %select_n3A_685 : vector<16xf32>
      %mul3A_687 = arith.mulf %sub3A_686, %sub3A_686 : vector<16xf32>
      %add3A_688 = arith.addf %add3A_673, %mul3A_687 : vector<16xf32>
      %add3A_689 = arith.constant 9.99999996E-13 : f32
      %add3A_690 = vector.broadcast %add3A_689 : f32 to vector<16xf32>
      %add3A_691 = arith.addf %add3A_688, %add3A_690 : vector<16xf32>
      %bitcast3A_692 = vector.bitcast %add3A_691 : vector<16xf32> to vector<16xi32>
      %shift_right_arithmetic3A_693 = arith.constant 1 : i32
      %shift_right_arithmetic3A_694 = vector.broadcast %shift_right_arithmetic3A_693 : i32 to vector<16xi32>
      %shift_right_arithmetic3A_695 = arith.shrsi %bitcast3A_692, %shift_right_arithmetic3A_694 : vector<16xi32>
      %sub3A_696 = arith.constant 1597463007 : i32
      %sub3A_697 = vector.broadcast %sub3A_696 : i32 to vector<16xi32>
      %sub3A_698 = arith.subi %sub3A_697, %shift_right_arithmetic3A_695 : vector<16xi32>
      %bitcast3A_699 = vector.bitcast %sub3A_698 : vector<16xi32> to vector<16xf32>
      %mul3A_700 = arith.constant 5.000000e-01 : f32
      %mul3A_701 = vector.broadcast %mul3A_700 : f32 to vector<16xf32>
      %mul3A_702 = arith.mulf %mul3A_701, %add3A_691 : vector<16xf32>
      %mul3A_703 = arith.mulf %mul3A_702, %bitcast3A_699 : vector<16xf32>
      %mul3A_704 = arith.mulf %mul3A_703, %bitcast3A_699 : vector<16xf32>
      %sub3A_705 = arith.constant 1.500000e+00 : f32
      %sub3A_706 = vector.broadcast %sub3A_705 : f32 to vector<16xf32>
      %sub3A_707 = arith.subf %sub3A_706, %mul3A_704 : vector<16xf32>
      %mul3A_708 = arith.mulf %bitcast3A_699, %sub3A_707 : vector<16xf32>
      %mul3A_709 = arith.constant 5.000000e-01 : f32
      %mul3A_710 = vector.broadcast %mul3A_709 : f32 to vector<16xf32>
      %mul3A_711 = arith.mulf %mul3A_710, %add3A_691 : vector<16xf32>
      %mul3A_712 = arith.mulf %mul3A_711, %mul3A_708 : vector<16xf32>
      %mul3A_713 = arith.mulf %mul3A_712, %mul3A_708 : vector<16xf32>
      %sub3A_714 = arith.constant 1.500000e+00 : f32
      %sub3A_715 = vector.broadcast %sub3A_714 : f32 to vector<16xf32>
      %sub3A_716 = arith.subf %sub3A_715, %mul3A_713 : vector<16xf32>
      %mul3A_717 = arith.mulf %mul3A_708, %sub3A_716 : vector<16xf32>
      %mul3A_718 = arith.constant 5.000000e-01 : f32
      %mul3A_719 = vector.broadcast %mul3A_718 : f32 to vector<16xf32>
      %mul3A_720 = arith.mulf %mul3A_719, %add3A_691 : vector<16xf32>
      %mul3A_721 = arith.mulf %mul3A_720, %mul3A_717 : vector<16xf32>
      %mul3A_722 = arith.mulf %mul3A_721, %mul3A_717 : vector<16xf32>
      %sub3A_723 = arith.constant 1.500000e+00 : f32
      %sub3A_724 = vector.broadcast %sub3A_723 : f32 to vector<16xf32>
      %sub3A_725 = arith.subf %sub3A_724, %mul3A_722 : vector<16xf32>
      %mul3A_726 = arith.mulf %mul3A_717, %sub3A_725 : vector<16xf32>
      %mul3A_727 = arith.mulf %add3A_691, %mul3A_726 : vector<16xf32>
      %get3A_728 = arith.constant 32 : index
      %get3A_729 = tpu.vector_load %arg13[%get3A_728] {strides = array<i32>} : memref<80xi32, #tpu.memory_space<vmem>>, vector<16xi32>,
      tpu.vector_store_idx %arg18[%get3A_729], %mul3A_727 {add = true} : memref<10000xf32, #tpu.memory_space<vmem>>[vector<16xi32>], vector<16xf32>,
      %add3A_730 = arith.constant 48 : i32
      %add3A_731 = vector.broadcast %add3A_730 : i32 to vector<16xi32>
      %add3A_732 = arith.addi %iota3A, %add3A_731 : vector<16xi32>
      %broadcast_in_dim3A_733 = arith.constant 0.000000e+00 : f32
      %broadcast_in_dim3A_734 = vector.broadcast %broadcast_in_dim3A_733 : f32 to vector<16xf32>
      %broadcast_in_dim3A_735 = arith.constant 0 : i32
      %broadcast_in_dim3A_736 = vector.broadcast %broadcast_in_dim3A_735 : i32 to vector<16xi32>
      %gather3A_737 = tpu.vector_load_idx %arg16[%add3A_732, %broadcast_in_dim3A_736] : memref<80x8xf32, #tpu.memory_space<vmem>>[vector<16xi32>, vector<16xi32>], vector<16xf32>,
      %ne3A_738 = arith.cmpf one, %gather3A_737, %gather3A_737 : vector<16xf32>
      %jit3A_739 = arith.constant 0.000000e+00 : f32
      %broadcast_in_dim3A_740 = vector.broadcast %jit3A_739 : f32 to vector<16xf32>
      %select_n3A_741 = arith.select %ne3A_738, %broadcast_in_dim3A_740, %gather3A_737 : vector<16xi1>, vector<16xf32>
      %gather3A_742 = tpu.vector_load_idx %arg17[%add3A_732, %broadcast_in_dim3A_736] : memref<80x8xf32, #tpu.memory_space<vmem>>[vector<16xi32>, vector<16xi32>], vector<16xf32>,
      %ne3A_743 = arith.cmpf one, %gather3A_742, %gather3A_742 : vector<16xf32>
      %jit3A_744 = arith.constant 0.000000e+00 : f32
      %broadcast_in_dim3A_745 = vector.broadcast %jit3A_744 : f32 to vector<16xf32>
      %select_n3A_746 = arith.select %ne3A_743, %broadcast_in_dim3A_745, %gather3A_742 : vector<16xi1>, vector<16xf32>
      %sub3A_747 = arith.subf %select_n3A_741, %select_n3A_746 : vector<16xf32>
      %mul3A_748 = arith.mulf %sub3A_747, %sub3A_747 : vector<16xf32>
      %add3A_749 = arith.addf %broadcast_in_dim3A_734, %mul3A_748 : vector<16xf32>
      %broadcast_in_dim3A_750 = arith.constant 1 : i32
      %broadcast_in_dim3A_751 = vector.broadcast %broadcast_in_dim3A_750 : i32 to vector<16xi32>
      %gather3A_752 = tpu.vector_load_idx %arg16[%add3A_732, %broadcast_in_dim3A_751] : memref<80x8xf32, #tpu.memory_space<vmem>>[vector<16xi32>, vector<16xi32>], vector<16xf32>,
      %ne3A_753 = arith.cmpf one, %gather3A_752, %gather3A_752 : vector<16xf32>
      %jit3A_754 = arith.constant 0.000000e+00 : f32
      %broadcast_in_dim3A_755 = vector.broadcast %jit3A_754 : f32 to vector<16xf32>
      %select_n3A_756 = arith.select %ne3A_753, %broadcast_in_dim3A_755, %gather3A_752 : vector<16xi1>, vector<16xf32>
      %gather3A_757 = tpu.vector_load_idx %arg17[%add3A_732, %broadcast_in_dim3A_751] : memref<80x8xf32, #tpu.memory_space<vmem>>[vector<16xi32>, vector<16xi32>], vector<16xf32>,
      %ne3A_758 = arith.cmpf one, %gather3A_757, %gather3A_757 : vector<16xf32>
      %jit3A_759 = arith.constant 0.000000e+00 : f32
      %broadcast_in_dim3A_760 = vector.broadcast %jit3A_759 : f32 to vector<16xf32>
      %select_n3A_761 = arith.select %ne3A_758, %broadcast_in_dim3A_760, %gather3A_757 : vector<16xi1>, vector<16xf32>
      %sub3A_762 = arith.subf %select_n3A_756, %select_n3A_761 : vector<16xf32>
      %mul3A_763 = arith.mulf %sub3A_762, %sub3A_762 : vector<16xf32>
      %add3A_764 = arith.addf %add3A_749, %mul3A_763 : vector<16xf32>
      %broadcast_in_dim3A_765 = arith.constant 2 : i32
      %broadcast_in_dim3A_766 = vector.broadcast %broadcast_in_dim3A_765 : i32 to vector<16xi32>
      %gather3A_767 = tpu.vector_load_idx %arg16[%add3A_732, %broadcast_in_dim3A_766] : memref<80x8xf32, #tpu.memory_space<vmem>>[vector<16xi32>, vector<16xi32>], vector<16xf32>,
      %ne3A_768 = arith.cmpf one, %gather3A_767, %gather3A_767 : vector<16xf32>
      %jit3A_769 = arith.constant 0.000000e+00 : f32
      %broadcast_in_dim3A_770 = vector.broadcast %jit3A_769 : f32 to vector<16xf32>
      %select_n3A_771 = arith.select %ne3A_768, %broadcast_in_dim3A_770, %gather3A_767 : vector<16xi1>, vector<16xf32>
      %gather3A_772 = tpu.vector_load_idx %arg17[%add3A_732, %broadcast_in_dim3A_766] : memref<80x8xf32, #tpu.memory_space<vmem>>[vector<16xi32>, vector<16xi32>], vector<16xf32>,
      %ne3A_773 = arith.cmpf one, %gather3A_772, %gather3A_772 : vector<16xf32>
      %jit3A_774 = arith.constant 0.000000e+00 : f32
      %broadcast_in_dim3A_775 = vector.broadcast %jit3A_774 : f32 to vector<16xf32>
      %select_n3A_776 = arith.select %ne3A_773, %broadcast_in_dim3A_775, %gather3A_772 : vector<16xi1>, vector<16xf32>
      %sub3A_777 = arith.subf %select_n3A_771, %select_n3A_776 : vector<16xf32>
      %mul3A_778 = arith.mulf %sub3A_777, %sub3A_777 : vector<16xf32>
      %add3A_779 = arith.addf %add3A_764, %mul3A_778 : vector<16xf32>
      %broadcast_in_dim3A_780 = arith.constant 3 : i32
      %broadcast_in_dim3A_781 = vector.broadcast %broadcast_in_dim3A_780 : i32 to vector<16xi32>
      %gather3A_782 = tpu.vector_load_idx %arg16[%add3A_732, %broadcast_in_dim3A_781] : memref<80x8xf32, #tpu.memory_space<vmem>>[vector<16xi32>, vector<16xi32>], vector<16xf32>,
      %ne3A_783 = arith.cmpf one, %gather3A_782, %gather3A_782 : vector<16xf32>
      %jit3A_784 = arith.constant 0.000000e+00 : f32
      %broadcast_in_dim3A_785 = vector.broadcast %jit3A_784 : f32 to vector<16xf32>
      %select_n3A_786 = arith.select %ne3A_783, %broadcast_in_dim3A_785, %gather3A_782 : vector<16xi1>, vector<16xf32>
      %gather3A_787 = tpu.vector_load_idx %arg17[%add3A_732, %broadcast_in_dim3A_781] : memref<80x8xf32, #tpu.memory_space<vmem>>[vector<16xi32>, vector<16xi32>], vector<16xf32>,
      %ne3A_788 = arith.cmpf one, %gather3A_787, %gather3A_787 : vector<16xf32>
      %jit3A_789 = arith.constant 0.000000e+00 : f32
      %broadcast_in_dim3A_790 = vector.broadcast %jit3A_789 : f32 to vector<16xf32>
      %select_n3A_791 = arith.select %ne3A_788, %broadcast_in_dim3A_790, %gather3A_787 : vector<16xi1>, vector<16xf32>
      %sub3A_792 = arith.subf %select_n3A_786, %select_n3A_791 : vector<16xf32>
      %mul3A_793 = arith.mulf %sub3A_792, %sub3A_792 : vector<16xf32>
      %add3A_794 = arith.addf %add3A_779, %mul3A_793 : vector<16xf32>
      %broadcast_in_dim3A_795 = arith.constant 4 : i32
      %broadcast_in_dim3A_796 = vector.broadcast %broadcast_in_dim3A_795 : i32 to vector<16xi32>
      %gather3A_797 = tpu.vector_load_idx %arg16[%add3A_732, %broadcast_in_dim3A_796] : memref<80x8xf32, #tpu.memory_space<vmem>>[vector<16xi32>, vector<16xi32>], vector<16xf32>,
      %ne3A_798 = arith.cmpf one, %gather3A_797, %gather3A_797 : vector<16xf32>
      %jit3A_799 = arith.constant 0.000000e+00 : f32
      %broadcast_in_dim3A_800 = vector.broadcast %jit3A_799 : f32 to vector<16xf32>
      %select_n3A_801 = arith.select %ne3A_798, %broadcast_in_dim3A_800, %gather3A_797 : vector<16xi1>, vector<16xf32>
      %gather3A_802 = tpu.vector_load_idx %arg17[%add3A_732, %broadcast_in_dim3A_796] : memref<80x8xf32, #tpu.memory_space<vmem>>[vector<16xi32>, vector<16xi32>], vector<16xf32>,
      %ne3A_803 = arith.cmpf one, %gather3A_802, %gather3A_802 : vector<16xf32>
      %jit3A_804 = arith.constant 0.000000e+00 : f32
      %broadcast_in_dim3A_805 = vector.broadcast %jit3A_804 : f32 to vector<16xf32>
      %select_n3A_806 = arith.select %ne3A_803, %broadcast_in_dim3A_805, %gather3A_802 : vector<16xi1>, vector<16xf32>
      %sub3A_807 = arith.subf %select_n3A_801, %select_n3A_806 : vector<16xf32>
      %mul3A_808 = arith.mulf %sub3A_807, %sub3A_807 : vector<16xf32>
      %add3A_809 = arith.addf %add3A_794, %mul3A_808 : vector<16xf32>
      %broadcast_in_dim3A_810 = arith.constant 5 : i32
      %broadcast_in_dim3A_811 = vector.broadcast %broadcast_in_dim3A_810 : i32 to vector<16xi32>
      %gather3A_812 = tpu.vector_load_idx %arg16[%add3A_732, %broadcast_in_dim3A_811] : memref<80x8xf32, #tpu.memory_space<vmem>>[vector<16xi32>, vector<16xi32>], vector<16xf32>,
      %ne3A_813 = arith.cmpf one, %gather3A_812, %gather3A_812 : vector<16xf32>
      %jit3A_814 = arith.constant 0.000000e+00 : f32
      %broadcast_in_dim3A_815 = vector.broadcast %jit3A_814 : f32 to vector<16xf32>
      %select_n3A_816 = arith.select %ne3A_813, %broadcast_in_dim3A_815, %gather3A_812 : vector<16xi1>, vector<16xf32>
      %gather3A_817 = tpu.vector_load_idx %arg17[%add3A_732, %broadcast_in_dim3A_811] : memref<80x8xf32, #tpu.memory_space<vmem>>[vector<16xi32>, vector<16xi32>], vector<16xf32>,
      %ne3A_818 = arith.cmpf one, %gather3A_817, %gather3A_817 : vector<16xf32>
      %jit3A_819 = arith.constant 0.000000e+00 : f32
      %broadcast_in_dim3A_820 = vector.broadcast %jit3A_819 : f32 to vector<16xf32>
      %select_n3A_821 = arith.select %ne3A_818, %broadcast_in_dim3A_820, %gather3A_817 : vector<16xi1>, vector<16xf32>
      %sub3A_822 = arith.subf %select_n3A_816, %select_n3A_821 : vector<16xf32>
      %mul3A_823 = arith.mulf %sub3A_822, %sub3A_822 : vector<16xf32>
      %add3A_824 = arith.addf %add3A_809, %mul3A_823 : vector<16xf32>
      %broadcast_in_dim3A_825 = arith.constant 6 : i32
      %broadcast_in_dim3A_826 = vector.broadcast %broadcast_in_dim3A_825 : i32 to vector<16xi32>
      %gather3A_827 = tpu.vector_load_idx %arg16[%add3A_732, %broadcast_in_dim3A_826] : memref<80x8xf32, #tpu.memory_space<vmem>>[vector<16xi32>, vector<16xi32>], vector<16xf32>,
      %ne3A_828 = arith.cmpf one, %gather3A_827, %gather3A_827 : vector<16xf32>
      %jit3A_829 = arith.constant 0.000000e+00 : f32
      %broadcast_in_dim3A_830 = vector.broadcast %jit3A_829 : f32 to vector<16xf32>
      %select_n3A_831 = arith.select %ne3A_828, %broadcast_in_dim3A_830, %gather3A_827 : vector<16xi1>, vector<16xf32>
      %gather3A_832 = tpu.vector_load_idx %arg17[%add3A_732, %broadcast_in_dim3A_826] : memref<80x8xf32, #tpu.memory_space<vmem>>[vector<16xi32>, vector<16xi32>], vector<16xf32>,
      %ne3A_833 = arith.cmpf one, %gather3A_832, %gather3A_832 : vector<16xf32>
      %jit3A_834 = arith.constant 0.000000e+00 : f32
      %broadcast_in_dim3A_835 = vector.broadcast %jit3A_834 : f32 to vector<16xf32>
      %select_n3A_836 = arith.select %ne3A_833, %broadcast_in_dim3A_835, %gather3A_832 : vector<16xi1>, vector<16xf32>
      %sub3A_837 = arith.subf %select_n3A_831, %select_n3A_836 : vector<16xf32>
      %mul3A_838 = arith.mulf %sub3A_837, %sub3A_837 : vector<16xf32>
      %add3A_839 = arith.addf %add3A_824, %mul3A_838 : vector<16xf32>
      %broadcast_in_dim3A_840 = arith.constant 7 : i32
      %broadcast_in_dim3A_841 = vector.broadcast %broadcast_in_dim3A_840 : i32 to vector<16xi32>
      %gather3A_842 = tpu.vector_load_idx %arg16[%add3A_732, %broadcast_in_dim3A_841] : memref<80x8xf32, #tpu.memory_space<vmem>>[vector<16xi32>, vector<16xi32>], vector<16xf32>,
      %ne3A_843 = arith.cmpf one, %gather3A_842, %gather3A_842 : vector<16xf32>
      %jit3A_844 = arith.constant 0.000000e+00 : f32
      %broadcast_in_dim3A_845 = vector.broadcast %jit3A_844 : f32 to vector<16xf32>
      %select_n3A_846 = arith.select %ne3A_843, %broadcast_in_dim3A_845, %gather3A_842 : vector<16xi1>, vector<16xf32>
      %gather3A_847 = tpu.vector_load_idx %arg17[%add3A_732, %broadcast_in_dim3A_841] : memref<80x8xf32, #tpu.memory_space<vmem>>[vector<16xi32>, vector<16xi32>], vector<16xf32>,
      %ne3A_848 = arith.cmpf one, %gather3A_847, %gather3A_847 : vector<16xf32>
      %jit3A_849 = arith.constant 0.000000e+00 : f32
      %broadcast_in_dim3A_850 = vector.broadcast %jit3A_849 : f32 to vector<16xf32>
      %select_n3A_851 = arith.select %ne3A_848, %broadcast_in_dim3A_850, %gather3A_847 : vector<16xi1>, vector<16xf32>
      %sub3A_852 = arith.subf %select_n3A_846, %select_n3A_851 : vector<16xf32>
      %mul3A_853 = arith.mulf %sub3A_852, %sub3A_852 : vector<16xf32>
      %add3A_854 = arith.addf %add3A_839, %mul3A_853 : vector<16xf32>
      %add3A_855 = arith.constant 9.99999996E-13 : f32
      %add3A_856 = vector.broadcast %add3A_855 : f32 to vector<16xf32>
      %add3A_857 = arith.addf %add3A_854, %add3A_856 : vector<16xf32>
      %bitcast3A_858 = vector.bitcast %add3A_857 : vector<16xf32> to vector<16xi32>
      %shift_right_arithmetic3A_859 = arith.constant 1 : i32
      %shift_right_arithmetic3A_860 = vector.broadcast %shift_right_arithmetic3A_859 : i32 to vector<16xi32>
      %shift_right_arithmetic3A_861 = arith.shrsi %bitcast3A_858, %shift_right_arithmetic3A_860 : vector<16xi32>
      %sub3A_862 = arith.constant 1597463007 : i32
      %sub3A_863 = vector.broadcast %sub3A_862 : i32 to vector<16xi32>
      %sub3A_864 = arith.subi %sub3A_863, %shift_right_arithmetic3A_861 : vector<16xi32>
      %bitcast3A_865 = vector.bitcast %sub3A_864 : vector<16xi32> to vector<16xf32>
      %mul3A_866 = arith.constant 5.000000e-01 : f32
      %mul3A_867 = vector.broadcast %mul3A_866 : f32 to vector<16xf32>
      %mul3A_868 = arith.mulf %mul3A_867, %add3A_857 : vector<16xf32>
      %mul3A_869 = arith.mulf %mul3A_868, %bitcast3A_865 : vector<16xf32>
      %mul3A_870 = arith.mulf %mul3A_869, %bitcast3A_865 : vector<16xf32>
      %sub3A_871 = arith.constant 1.500000e+00 : f32
      %sub3A_872 = vector.broadcast %sub3A_871 : f32 to vector<16xf32>
      %sub3A_873 = arith.subf %sub3A_872, %mul3A_870 : vector<16xf32>
      %mul3A_874 = arith.mulf %bitcast3A_865, %sub3A_873 : vector<16xf32>
      %mul3A_875 = arith.constant 5.000000e-01 : f32
      %mul3A_876 = vector.broadcast %mul3A_875 : f32 to vector<16xf32>
      %mul3A_877 = arith.mulf %mul3A_876, %add3A_857 : vector<16xf32>
      %mul3A_878 = arith.mulf %mul3A_877, %mul3A_874 : vector<16xf32>
      %mul3A_879 = arith.mulf %mul3A_878, %mul3A_874 : vector<16xf32>
      %sub3A_880 = arith.constant 1.500000e+00 : f32
      %sub3A_881 = vector.broadcast %sub3A_880 : f32 to vector<16xf32>
      %sub3A_882 = arith.subf %sub3A_881, %mul3A_879 : vector<16xf32>
      %mul3A_883 = arith.mulf %mul3A_874, %sub3A_882 : vector<16xf32>
      %mul3A_884 = arith.constant 5.000000e-01 : f32
      %mul3A_885 = vector.broadcast %mul3A_884 : f32 to vector<16xf32>
      %mul3A_886 = arith.mulf %mul3A_885, %add3A_857 : vector<16xf32>
      %mul3A_887 = arith.mulf %mul3A_886, %mul3A_883 : vector<16xf32>
      %mul3A_888 = arith.mulf %mul3A_887, %mul3A_883 : vector<16xf32>
      %sub3A_889 = arith.constant 1.500000e+00 : f32
      %sub3A_890 = vector.broadcast %sub3A_889 : f32 to vector<16xf32>
      %sub3A_891 = arith.subf %sub3A_890, %mul3A_888 : vector<16xf32>
      %mul3A_892 = arith.mulf %mul3A_883, %sub3A_891 : vector<16xf32>
      %mul3A_893 = arith.mulf %add3A_857, %mul3A_892 : vector<16xf32>
      %get3A_894 = arith.constant 48 : index
      %get3A_895 = tpu.vector_load %arg13[%get3A_894] {strides = array<i32>} : memref<80xi32, #tpu.memory_space<vmem>>, vector<16xi32>,
      tpu.vector_store_idx %arg18[%get3A_895], %mul3A_893 {add = true} : memref<10000xf32, #tpu.memory_space<vmem>>[vector<16xi32>], vector<16xf32>,
      %add3A_896 = arith.constant 64 : i32
      %add3A_897 = vector.broadcast %add3A_896 : i32 to vector<16xi32>
      %add3A_898 = arith.addi %iota3A, %add3A_897 : vector<16xi32>
      %broadcast_in_dim3A_899 = arith.constant 0.000000e+00 : f32
      %broadcast_in_dim3A_900 = vector.broadcast %broadcast_in_dim3A_899 : f32 to vector<16xf32>
      %broadcast_in_dim3A_901 = arith.constant 0 : i32
      %broadcast_in_dim3A_902 = vector.broadcast %broadcast_in_dim3A_901 : i32 to vector<16xi32>
      %gather3A_903 = tpu.vector_load_idx %arg16[%add3A_898, %broadcast_in_dim3A_902] : memref<80x8xf32, #tpu.memory_space<vmem>>[vector<16xi32>, vector<16xi32>], vector<16xf32>,
      %ne3A_904 = arith.cmpf one, %gather3A_903, %gather3A_903 : vector<16xf32>
      %jit3A_905 = arith.constant 0.000000e+00 : f32
      %broadcast_in_dim3A_906 = vector.broadcast %jit3A_905 : f32 to vector<16xf32>
      %select_n3A_907 = arith.select %ne3A_904, %broadcast_in_dim3A_906, %gather3A_903 : vector<16xi1>, vector<16xf32>
      %gather3A_908 = tpu.vector_load_idx %arg17[%add3A_898, %broadcast_in_dim3A_902] : memref<80x8xf32, #tpu.memory_space<vmem>>[vector<16xi32>, vector<16xi32>], vector<16xf32>,
      %ne3A_909 = arith.cmpf one, %gather3A_908, %gather3A_908 : vector<16xf32>
      %jit3A_910 = arith.constant 0.000000e+00 : f32
      %broadcast_in_dim3A_911 = vector.broadcast %jit3A_910 : f32 to vector<16xf32>
      %select_n3A_912 = arith.select %ne3A_909, %broadcast_in_dim3A_911, %gather3A_908 : vector<16xi1>, vector<16xf32>
      %sub3A_913 = arith.subf %select_n3A_907, %select_n3A_912 : vector<16xf32>
      %mul3A_914 = arith.mulf %sub3A_913, %sub3A_913 : vector<16xf32>
      %add3A_915 = arith.addf %broadcast_in_dim3A_900, %mul3A_914 : vector<16xf32>
      %broadcast_in_dim3A_916 = arith.constant 1 : i32
      %broadcast_in_dim3A_917 = vector.broadcast %broadcast_in_dim3A_916 : i32 to vector<16xi32>
      %gather3A_918 = tpu.vector_load_idx %arg16[%add3A_898, %broadcast_in_dim3A_917] : memref<80x8xf32, #tpu.memory_space<vmem>>[vector<16xi32>, vector<16xi32>], vector<16xf32>,
      %ne3A_919 = arith.cmpf one, %gather3A_918, %gather3A_918 : vector<16xf32>
      %jit3A_920 = arith.constant 0.000000e+00 : f32
      %broadcast_in_dim3A_921 = vector.broadcast %jit3A_920 : f32 to vector<16xf32>
      %select_n3A_922 = arith.select %ne3A_919, %broadcast_in_dim3A_921, %gather3A_918 : vector<16xi1>, vector<16xf32>
      %gather3A_923 = tpu.vector_load_idx %arg17[%add3A_898, %broadcast_in_dim3A_917] : memref<80x8xf32, #tpu.memory_space<vmem>>[vector<16xi32>, vector<16xi32>], vector<16xf32>,
      %ne3A_924 = arith.cmpf one, %gather3A_923, %gather3A_923 : vector<16xf32>
      %jit3A_925 = arith.constant 0.000000e+00 : f32
      %broadcast_in_dim3A_926 = vector.broadcast %jit3A_925 : f32 to vector<16xf32>
      %select_n3A_927 = arith.select %ne3A_924, %broadcast_in_dim3A_926, %gather3A_923 : vector<16xi1>, vector<16xf32>
      %sub3A_928 = arith.subf %select_n3A_922, %select_n3A_927 : vector<16xf32>
      %mul3A_929 = arith.mulf %sub3A_928, %sub3A_928 : vector<16xf32>
      %add3A_930 = arith.addf %add3A_915, %mul3A_929 : vector<16xf32>
      %broadcast_in_dim3A_931 = arith.constant 2 : i32
      %broadcast_in_dim3A_932 = vector.broadcast %broadcast_in_dim3A_931 : i32 to vector<16xi32>
      %gather3A_933 = tpu.vector_load_idx %arg16[%add3A_898, %broadcast_in_dim3A_932] : memref<80x8xf32, #tpu.memory_space<vmem>>[vector<16xi32>, vector<16xi32>], vector<16xf32>,
      %ne3A_934 = arith.cmpf one, %gather3A_933, %gather3A_933 : vector<16xf32>
      %jit3A_935 = arith.constant 0.000000e+00 : f32
      %broadcast_in_dim3A_936 = vector.broadcast %jit3A_935 : f32 to vector<16xf32>
      %select_n3A_937 = arith.select %ne3A_934, %broadcast_in_dim3A_936, %gather3A_933 : vector<16xi1>, vector<16xf32>
      %gather3A_938 = tpu.vector_load_idx %arg17[%add3A_898, %broadcast_in_dim3A_932] : memref<80x8xf32, #tpu.memory_space<vmem>>[vector<16xi32>, vector<16xi32>], vector<16xf32>,
      %ne3A_939 = arith.cmpf one, %gather3A_938, %gather3A_938 : vector<16xf32>
      %jit3A_940 = arith.constant 0.000000e+00 : f32
      %broadcast_in_dim3A_941 = vector.broadcast %jit3A_940 : f32 to vector<16xf32>
      %select_n3A_942 = arith.select %ne3A_939, %broadcast_in_dim3A_941, %gather3A_938 : vector<16xi1>, vector<16xf32>
      %sub3A_943 = arith.subf %select_n3A_937, %select_n3A_942 : vector<16xf32>
      %mul3A_944 = arith.mulf %sub3A_943, %sub3A_943 : vector<16xf32>
      %add3A_945 = arith.addf %add3A_930, %mul3A_944 : vector<16xf32>
      %broadcast_in_dim3A_946 = arith.constant 3 : i32
      %broadcast_in_dim3A_947 = vector.broadcast %broadcast_in_dim3A_946 : i32 to vector<16xi32>
      %gather3A_948 = tpu.vector_load_idx %arg16[%add3A_898, %broadcast_in_dim3A_947] : memref<80x8xf32, #tpu.memory_space<vmem>>[vector<16xi32>, vector<16xi32>], vector<16xf32>,
      %ne3A_949 = arith.cmpf one, %gather3A_948, %gather3A_948 : vector<16xf32>
      %jit3A_950 = arith.constant 0.000000e+00 : f32
      %broadcast_in_dim3A_951 = vector.broadcast %jit3A_950 : f32 to vector<16xf32>
      %select_n3A_952 = arith.select %ne3A_949, %broadcast_in_dim3A_951, %gather3A_948 : vector<16xi1>, vector<16xf32>
      %gather3A_953 = tpu.vector_load_idx %arg17[%add3A_898, %broadcast_in_dim3A_947] : memref<80x8xf32, #tpu.memory_space<vmem>>[vector<16xi32>, vector<16xi32>], vector<16xf32>,
      %ne3A_954 = arith.cmpf one, %gather3A_953, %gather3A_953 : vector<16xf32>
      %jit3A_955 = arith.constant 0.000000e+00 : f32
      %broadcast_in_dim3A_956 = vector.broadcast %jit3A_955 : f32 to vector<16xf32>
      %select_n3A_957 = arith.select %ne3A_954, %broadcast_in_dim3A_956, %gather3A_953 : vector<16xi1>, vector<16xf32>
      %sub3A_958 = arith.subf %select_n3A_952, %select_n3A_957 : vector<16xf32>
      %mul3A_959 = arith.mulf %sub3A_958, %sub3A_958 : vector<16xf32>
      %add3A_960 = arith.addf %add3A_945, %mul3A_959 : vector<16xf32>
      %broadcast_in_dim3A_961 = arith.constant 4 : i32
      %broadcast_in_dim3A_962 = vector.broadcast %broadcast_in_dim3A_961 : i32 to vector<16xi32>
      %gather3A_963 = tpu.vector_load_idx %arg16[%add3A_898, %broadcast_in_dim3A_962] : memref<80x8xf32, #tpu.memory_space<vmem>>[vector<16xi32>, vector<16xi32>], vector<16xf32>,
      %ne3A_964 = arith.cmpf one, %gather3A_963, %gather3A_963 : vector<16xf32>
      %jit3A_965 = arith.constant 0.000000e+00 : f32
      %broadcast_in_dim3A_966 = vector.broadcast %jit3A_965 : f32 to vector<16xf32>
      %select_n3A_967 = arith.select %ne3A_964, %broadcast_in_dim3A_966, %gather3A_963 : vector<16xi1>, vector<16xf32>
      %gather3A_968 = tpu.vector_load_idx %arg17[%add3A_898, %broadcast_in_dim3A_962] : memref<80x8xf32, #tpu.memory_space<vmem>>[vector<16xi32>, vector<16xi32>], vector<16xf32>,
      %ne3A_969 = arith.cmpf one, %gather3A_968, %gather3A_968 : vector<16xf32>
      %jit3A_970 = arith.constant 0.000000e+00 : f32
      %broadcast_in_dim3A_971 = vector.broadcast %jit3A_970 : f32 to vector<16xf32>
      %select_n3A_972 = arith.select %ne3A_969, %broadcast_in_dim3A_971, %gather3A_968 : vector<16xi1>, vector<16xf32>
      %sub3A_973 = arith.subf %select_n3A_967, %select_n3A_972 : vector<16xf32>
      %mul3A_974 = arith.mulf %sub3A_973, %sub3A_973 : vector<16xf32>
      %add3A_975 = arith.addf %add3A_960, %mul3A_974 : vector<16xf32>
      %broadcast_in_dim3A_976 = arith.constant 5 : i32
      %broadcast_in_dim3A_977 = vector.broadcast %broadcast_in_dim3A_976 : i32 to vector<16xi32>
      %gather3A_978 = tpu.vector_load_idx %arg16[%add3A_898, %broadcast_in_dim3A_977] : memref<80x8xf32, #tpu.memory_space<vmem>>[vector<16xi32>, vector<16xi32>], vector<16xf32>,
      %ne3A_979 = arith.cmpf one, %gather3A_978, %gather3A_978 : vector<16xf32>
      %jit3A_980 = arith.constant 0.000000e+00 : f32
      %broadcast_in_dim3A_981 = vector.broadcast %jit3A_980 : f32 to vector<16xf32>
      %select_n3A_982 = arith.select %ne3A_979, %broadcast_in_dim3A_981, %gather3A_978 : vector<16xi1>, vector<16xf32>
      %gather3A_983 = tpu.vector_load_idx %arg17[%add3A_898, %broadcast_in_dim3A_977] : memref<80x8xf32, #tpu.memory_space<vmem>>[vector<16xi32>, vector<16xi32>], vector<16xf32>,
      %ne3A_984 = arith.cmpf one, %gather3A_983, %gather3A_983 : vector<16xf32>
      %jit3A_985 = arith.constant 0.000000e+00 : f32
      %broadcast_in_dim3A_986 = vector.broadcast %jit3A_985 : f32 to vector<16xf32>
      %select_n3A_987 = arith.select %ne3A_984, %broadcast_in_dim3A_986, %gather3A_983 : vector<16xi1>, vector<16xf32>
      %sub3A_988 = arith.subf %select_n3A_982, %select_n3A_987 : vector<16xf32>
      %mul3A_989 = arith.mulf %sub3A_988, %sub3A_988 : vector<16xf32>
      %add3A_990 = arith.addf %add3A_975, %mul3A_989 : vector<16xf32>
      %broadcast_in_dim3A_991 = arith.constant 6 : i32
      %broadcast_in_dim3A_992 = vector.broadcast %broadcast_in_dim3A_991 : i32 to vector<16xi32>
      %gather3A_993 = tpu.vector_load_idx %arg16[%add3A_898, %broadcast_in_dim3A_992] : memref<80x8xf32, #tpu.memory_space<vmem>>[vector<16xi32>, vector<16xi32>], vector<16xf32>,
      %ne3A_994 = arith.cmpf one, %gather3A_993, %gather3A_993 : vector<16xf32>
      %jit3A_995 = arith.constant 0.000000e+00 : f32
      %broadcast_in_dim3A_996 = vector.broadcast %jit3A_995 : f32 to vector<16xf32>
      %select_n3A_997 = arith.select %ne3A_994, %broadcast_in_dim3A_996, %gather3A_993 : vector<16xi1>, vector<16xf32>
      %gather3A_998 = tpu.vector_load_idx %arg17[%add3A_898, %broadcast_in_dim3A_992] : memref<80x8xf32, #tpu.memory_space<vmem>>[vector<16xi32>, vector<16xi32>], vector<16xf32>,
      %ne3A_999 = arith.cmpf one, %gather3A_998, %gather3A_998 : vector<16xf32>
      %jit3A_1000 = arith.constant 0.000000e+00 : f32
      %broadcast_in_dim3A_1001 = vector.broadcast %jit3A_1000 : f32 to vector<16xf32>
      %select_n3A_1002 = arith.select %ne3A_999, %broadcast_in_dim3A_1001, %gather3A_998 : vector<16xi1>, vector<16xf32>
      %sub3A_1003 = arith.subf %select_n3A_997, %select_n3A_1002 : vector<16xf32>
      %mul3A_1004 = arith.mulf %sub3A_1003, %sub3A_1003 : vector<16xf32>
      %add3A_1005 = arith.addf %add3A_990, %mul3A_1004 : vector<16xf32>
      %broadcast_in_dim3A_1006 = arith.constant 7 : i32
      %broadcast_in_dim3A_1007 = vector.broadcast %broadcast_in_dim3A_1006 : i32 to vector<16xi32>
      %gather3A_1008 = tpu.vector_load_idx %arg16[%add3A_898, %broadcast_in_dim3A_1007] : memref<80x8xf32, #tpu.memory_space<vmem>>[vector<16xi32>, vector<16xi32>], vector<16xf32>,
      %ne3A_1009 = arith.cmpf one, %gather3A_1008, %gather3A_1008 : vector<16xf32>
      %jit3A_1010 = arith.constant 0.000000e+00 : f32
      %broadcast_in_dim3A_1011 = vector.broadcast %jit3A_1010 : f32 to vector<16xf32>
      %select_n3A_1012 = arith.select %ne3A_1009, %broadcast_in_dim3A_1011, %gather3A_1008 : vector<16xi1>, vector<16xf32>
      %gather3A_1013 = tpu.vector_load_idx %arg17[%add3A_898, %broadcast_in_dim3A_1007] : memref<80x8xf32, #tpu.memory_space<vmem>>[vector<16xi32>, vector<16xi32>], vector<16xf32>,
      %ne3A_1014 = arith.cmpf one, %gather3A_1013, %gather3A_1013 : vector<16xf32>
      %jit3A_1015 = arith.constant 0.000000e+00 : f32
      %broadcast_in_dim3A_1016 = vector.broadcast %jit3A_1015 : f32 to vector<16xf32>
      %select_n3A_1017 = arith.select %ne3A_1014, %broadcast_in_dim3A_1016, %gather3A_1013 : vector<16xi1>, vector<16xf32>
      %sub3A_1018 = arith.subf %select_n3A_1012, %select_n3A_1017 : vector<16xf32>
      %mul3A_1019 = arith.mulf %sub3A_1018, %sub3A_1018 : vector<16xf32>
      %add3A_1020 = arith.addf %add3A_1005, %mul3A_1019 : vector<16xf32>
      %add3A_1021 = arith.constant 9.99999996E-13 : f32
      %add3A_1022 = vector.broadcast %add3A_1021 : f32 to vector<16xf32>
      %add3A_1023 = arith.addf %add3A_1020, %add3A_1022 : vector<16xf32>
      %bitcast3A_1024 = vector.bitcast %add3A_1023 : vector<16xf32> to vector<16xi32>
      %shift_right_arithmetic3A_1025 = arith.constant 1 : i32
      %shift_right_arithmetic3A_1026 = vector.broadcast %shift_right_arithmetic3A_1025 : i32 to vector<16xi32>
      %shift_right_arithmetic3A_1027 = arith.shrsi %bitcast3A_1024, %shift_right_arithmetic3A_1026 : vector<16xi32>
      %sub3A_1028 = arith.constant 1597463007 : i32
      %sub3A_1029 = vector.broadcast %sub3A_1028 : i32 to vector<16xi32>
      %sub3A_1030 = arith.subi %sub3A_1029, %shift_right_arithmetic3A_1027 : vector<16xi32>
      %bitcast3A_1031 = vector.bitcast %sub3A_1030 : vector<16xi32> to vector<16xf32>
      %mul3A_1032 = arith.constant 5.000000e-01 : f32
      %mul3A_1033 = vector.broadcast %mul3A_1032 : f32 to vector<16xf32>
      %mul3A_1034 = arith.mulf %mul3A_1033, %add3A_1023 : vector<16xf32>
      %mul3A_1035 = arith.mulf %mul3A_1034, %bitcast3A_1031 : vector<16xf32>
      %mul3A_1036 = arith.mulf %mul3A_1035, %bitcast3A_1031 : vector<16xf32>
      %sub3A_1037 = arith.constant 1.500000e+00 : f32
      %sub3A_1038 = vector.broadcast %sub3A_1037 : f32 to vector<16xf32>
      %sub3A_1039 = arith.subf %sub3A_1038, %mul3A_1036 : vector<16xf32>
      %mul3A_1040 = arith.mulf %bitcast3A_1031, %sub3A_1039 : vector<16xf32>
      %mul3A_1041 = arith.constant 5.000000e-01 : f32
      %mul3A_1042 = vector.broadcast %mul3A_1041 : f32 to vector<16xf32>
      %mul3A_1043 = arith.mulf %mul3A_1042, %add3A_1023 : vector<16xf32>
      %mul3A_1044 = arith.mulf %mul3A_1043, %mul3A_1040 : vector<16xf32>
      %mul3A_1045 = arith.mulf %mul3A_1044, %mul3A_1040 : vector<16xf32>
      %sub3A_1046 = arith.constant 1.500000e+00 : f32
      %sub3A_1047 = vector.broadcast %sub3A_1046 : f32 to vector<16xf32>
      %sub3A_1048 = arith.subf %sub3A_1047, %mul3A_1045 : vector<16xf32>
      %mul3A_1049 = arith.mulf %mul3A_1040, %sub3A_1048 : vector<16xf32>
      %mul3A_1050 = arith.constant 5.000000e-01 : f32
      %mul3A_1051 = vector.broadcast %mul3A_1050 : f32 to vector<16xf32>
      %mul3A_1052 = arith.mulf %mul3A_1051, %add3A_1023 : vector<16xf32>
      %mul3A_1053 = arith.mulf %mul3A_1052, %mul3A_1049 : vector<16xf32>
      %mul3A_1054 = arith.mulf %mul3A_1053, %mul3A_1049 : vector<16xf32>
      %sub3A_1055 = arith.constant 1.500000e+00 : f32
      %sub3A_1056 = vector.broadcast %sub3A_1055 : f32 to vector<16xf32>
      %sub3A_1057 = arith.subf %sub3A_1056, %mul3A_1054 : vector<16xf32>
      %mul3A_1058 = arith.mulf %mul3A_1049, %sub3A_1057 : vector<16xf32>
      %mul3A_1059 = arith.mulf %add3A_1023, %mul3A_1058 : vector<16xf32>
      %get3A_1060 = arith.constant 64 : index
      %get3A_1061 = tpu.vector_load %arg13[%get3A_1060] {strides = array<i32>} : memref<80xi32, #tpu.memory_space<vmem>>, vector<16xi32>,
      tpu.vector_store_idx %arg18[%get3A_1061], %mul3A_1059 {add = true} : memref<10000xf32, #tpu.memory_space<vmem>>[vector<16xi32>], vector<16xf32>,
      %dma_wait3A_1062 = arith.constant 0 : i32
      %dma_wait3A_1063 = arith.constant 0 : i32
      %dma_wait3A_1064 = tpu.memref_slice %arg10[%dma_wait3A_1062, %dma_wait3A_1063] : memref<10240x128xf32, #tpu.memory_space<vmem_shared>> -> memref<10240x128xf32, #tpu.memory_space<vmem_shared>>
      tpu.wait_indirect_dma semaphore(%arg22 : memref<!tpu.dma_semaphore, #tpu.memory_space<semaphore_mem>>) src(%arg14 : memref<80x128xf32, #tpu.memory_space<vmem>>) dst(%dma_wait3A_1064 : memref<10240x128xf32, #tpu.memory_space<vmem_shared>>)
      %dma_wait3A_1065 = arith.constant 0 : i32
      %dma_wait3A_1066 = arith.constant 0 : i32
      %dma_wait3A_1067 = tpu.memref_slice %arg11[%dma_wait3A_1065, %dma_wait3A_1066] : memref<10240x16xf32, #tpu.memory_space<vmem_shared>> -> memref<10240x16xf32, #tpu.memory_space<vmem_shared>>
      tpu.wait_indirect_dma semaphore(%arg28 : memref<!tpu.dma_semaphore, #tpu.memory_space<semaphore_mem>>) src(%arg15 : memref<80x16xf32, #tpu.memory_space<vmem>>) dst(%dma_wait3A_1067 : memref<10240x16xf32, #tpu.memory_space<vmem_shared>>)
    }
    %scan3A_105 = arith.constant 125 : i32
    %barrier3A_106 = arith.constant 0 : index
    tpu.barrier barrier_id(%barrier3A_106)
    %mul3A_107 = arith.constant 10240 : i32
    %mul3A_108 = arith.muli %arg0, %mul3A_107 : i32
    %mul3A_109 = arith.constant 640 : i32
    %mul3A_110 = arith.muli %arg1, %mul3A_109 : i32
    %add3A_111 = arith.addi %mul3A_108, %mul3A_110 : i32
    %mul3A_112 = arith.constant 640 : i32
    %mul3A_113 = arith.muli %arg1, %mul3A_112 : i32
    %add3A_114 = arith.constant 0 : i32
    %add3A_115 = arith.addi %mul3A_113, %add3A_114 : i32
    "tpu.region"() ({
      %run_scoped3A = tpu.sem_alloc : memref<!tpu.dma_semaphore, #tpu.memory_space<semaphore_mem>>
      %dma_start3A = arith.constant 0 : i32
      %dma_start3A_196 = tpu.memref_slice %arg10[%add3A_115, %dma_start3A] : memref<10240x128xf32, #tpu.memory_space<vmem_shared>> -> memref<64x128xf32, #tpu.memory_space<vmem_shared>>
      %dma_start3A_197 = arith.constant 0 : i32
      %dma_start3A_198 = tpu.memref_slice %arg10[%add3A_115, %dma_start3A_197] : memref<10240x128xf32, #tpu.memory_space<vmem_shared>> -> memref<64x128xf32, #tpu.memory_space<vmem_shared>>
      tpu.enqueue_dma source(%dma_start3A_198 : memref<64x128xf32, #tpu.memory_space<vmem_shared>>) target(%arg20 : memref<64x128xf32, #tpu.memory_space<vmem>>) target_semaphore(%run_scoped3A : memref<!tpu.dma_semaphore, #tpu.memory_space<semaphore_mem>>)
      %dma_wait3A = arith.constant 0 : i32
      %dma_wait3A_199 = tpu.memref_slice %arg10[%add3A_115, %dma_wait3A] : memref<10240x128xf32, #tpu.memory_space<vmem_shared>> -> memref<64x128xf32, #tpu.memory_space<vmem_shared>>
      %dma_wait3A_200 = arith.constant 0 : i32
      %dma_wait3A_201 = tpu.memref_slice %arg10[%add3A_115, %dma_wait3A_200] : memref<10240x128xf32, #tpu.memory_space<vmem_shared>> -> memref<64x128xf32, #tpu.memory_space<vmem_shared>>
      tpu.wait_dma2 semaphore(%run_scoped3A : memref<!tpu.dma_semaphore, #tpu.memory_space<semaphore_mem>>) src(%dma_wait3A_201 : memref<64x128xf32, #tpu.memory_space<vmem_shared>>) dst(%arg20 : memref<64x128xf32, #tpu.memory_space<vmem>>)
      tpu.yield
    }) : () -> ()
    %add3A_116 = arith.constant 0 : i32
    %add3A_117 = arith.addi %add3A_111, %add3A_116 : i32
    "tpu.region"() ({
      %run_scoped3A = tpu.sem_alloc : memref<!tpu.dma_semaphore, #tpu.memory_space<semaphore_mem>>
      %dma_start3A = arith.constant 0 : i32
      %dma_start3A_196 = tpu.memref_slice %arg7[%add3A_117, %dma_start3A] : memref<20480x128xf32, #tpu.memory_space<hbm>> -> memref<64x128xf32, #tpu.memory_space<hbm>>
      %dma_start3A_197 = arith.constant 0 : i32
      %dma_start3A_198 = tpu.memref_slice %arg7[%add3A_117, %dma_start3A_197] : memref<20480x128xf32, #tpu.memory_space<hbm>> -> memref<64x128xf32, #tpu.memory_space<hbm>>
      tpu.enqueue_dma source(%arg20 : memref<64x128xf32, #tpu.memory_space<vmem>>) target(%dma_start3A_198 : memref<64x128xf32, #tpu.memory_space<hbm>>) target_semaphore(%run_scoped3A : memref<!tpu.dma_semaphore, #tpu.memory_space<semaphore_mem>>)
      %dma_wait3A = arith.constant 0 : i32
      %dma_wait3A_199 = tpu.memref_slice %arg7[%add3A_117, %dma_wait3A] : memref<20480x128xf32, #tpu.memory_space<hbm>> -> memref<64x128xf32, #tpu.memory_space<hbm>>
      %dma_wait3A_200 = arith.constant 0 : i32
      %dma_wait3A_201 = tpu.memref_slice %arg7[%add3A_117, %dma_wait3A_200] : memref<20480x128xf32, #tpu.memory_space<hbm>> -> memref<64x128xf32, #tpu.memory_space<hbm>>
      tpu.wait_dma2 semaphore(%run_scoped3A : memref<!tpu.dma_semaphore, #tpu.memory_space<semaphore_mem>>) src(%arg20 : memref<64x128xf32, #tpu.memory_space<vmem>>) dst(%dma_wait3A_201 : memref<64x128xf32, #tpu.memory_space<hbm>>)
      tpu.yield
    }) : () -> ()
    %mul3A_118 = arith.constant 640 : i32
    %mul3A_119 = arith.muli %arg1, %mul3A_118 : i32
    %add3A_120 = arith.constant 64 : i32
    %add3A_121 = arith.addi %mul3A_119, %add3A_120 : i32
    "tpu.region"() ({
      %run_scoped3A = tpu.sem_alloc : memref<!tpu.dma_semaphore, #tpu.memory_space<semaphore_mem>>
      %dma_start3A = arith.constant 0 : i32
      %dma_start3A_196 = tpu.memref_slice %arg10[%add3A_121, %dma_start3A] : memref<10240x128xf32, #tpu.memory_space<vmem_shared>> -> memref<64x128xf32, #tpu.memory_space<vmem_shared>>
      %dma_start3A_197 = arith.constant 0 : i32
      %dma_start3A_198 = tpu.memref_slice %arg10[%add3A_121, %dma_start3A_197] : memref<10240x128xf32, #tpu.memory_space<vmem_shared>> -> memref<64x128xf32, #tpu.memory_space<vmem_shared>>
      tpu.enqueue_dma source(%dma_start3A_198 : memref<64x128xf32, #tpu.memory_space<vmem_shared>>) target(%arg20 : memref<64x128xf32, #tpu.memory_space<vmem>>) target_semaphore(%run_scoped3A : memref<!tpu.dma_semaphore, #tpu.memory_space<semaphore_mem>>)
      %dma_wait3A = arith.constant 0 : i32
      %dma_wait3A_199 = tpu.memref_slice %arg10[%add3A_121, %dma_wait3A] : memref<10240x128xf32, #tpu.memory_space<vmem_shared>> -> memref<64x128xf32, #tpu.memory_space<vmem_shared>>
      %dma_wait3A_200 = arith.constant 0 : i32
      %dma_wait3A_201 = tpu.memref_slice %arg10[%add3A_121, %dma_wait3A_200] : memref<10240x128xf32, #tpu.memory_space<vmem_shared>> -> memref<64x128xf32, #tpu.memory_space<vmem_shared>>
      tpu.wait_dma2 semaphore(%run_scoped3A : memref<!tpu.dma_semaphore, #tpu.memory_space<semaphore_mem>>) src(%dma_wait3A_201 : memref<64x128xf32, #tpu.memory_space<vmem_shared>>) dst(%arg20 : memref<64x128xf32, #tpu.memory_space<vmem>>)
      tpu.yield
    }) : () -> ()
    %add3A_122 = arith.constant 64 : i32
    %add3A_123 = arith.addi %add3A_111, %add3A_122 : i32
    "tpu.region"() ({
      %run_scoped3A = tpu.sem_alloc : memref<!tpu.dma_semaphore, #tpu.memory_space<semaphore_mem>>
      %dma_start3A = arith.constant 0 : i32
      %dma_start3A_196 = tpu.memref_slice %arg7[%add3A_123, %dma_start3A] : memref<20480x128xf32, #tpu.memory_space<hbm>> -> memref<64x128xf32, #tpu.memory_space<hbm>>
      %dma_start3A_197 = arith.constant 0 : i32
      %dma_start3A_198 = tpu.memref_slice %arg7[%add3A_123, %dma_start3A_197] : memref<20480x128xf32, #tpu.memory_space<hbm>> -> memref<64x128xf32, #tpu.memory_space<hbm>>
      tpu.enqueue_dma source(%arg20 : memref<64x128xf32, #tpu.memory_space<vmem>>) target(%dma_start3A_198 : memref<64x128xf32, #tpu.memory_space<hbm>>) target_semaphore(%run_scoped3A : memref<!tpu.dma_semaphore, #tpu.memory_space<semaphore_mem>>)
      %dma_wait3A = arith.constant 0 : i32
      %dma_wait3A_199 = tpu.memref_slice %arg7[%add3A_123, %dma_wait3A] : memref<20480x128xf32, #tpu.memory_space<hbm>> -> memref<64x128xf32, #tpu.memory_space<hbm>>
      %dma_wait3A_200 = arith.constant 0 : i32
      %dma_wait3A_201 = tpu.memref_slice %arg7[%add3A_123, %dma_wait3A_200] : memref<20480x128xf32, #tpu.memory_space<hbm>> -> memref<64x128xf32, #tpu.memory_space<hbm>>
      tpu.wait_dma2 semaphore(%run_scoped3A : memref<!tpu.dma_semaphore, #tpu.memory_space<semaphore_mem>>) src(%arg20 : memref<64x128xf32, #tpu.memory_space<vmem>>) dst(%dma_wait3A_201 : memref<64x128xf32, #tpu.memory_space<hbm>>)
      tpu.yield
    }) : () -> ()
    %mul3A_124 = arith.constant 640 : i32
    %mul3A_125 = arith.muli %arg1, %mul3A_124 : i32
    %add3A_126 = arith.constant 128 : i32
    %add3A_127 = arith.addi %mul3A_125, %add3A_126 : i32
    "tpu.region"() ({
      %run_scoped3A = tpu.sem_alloc : memref<!tpu.dma_semaphore, #tpu.memory_space<semaphore_mem>>
      %dma_start3A = arith.constant 0 : i32
      %dma_start3A_196 = tpu.memref_slice %arg10[%add3A_127, %dma_start3A] : memref<10240x128xf32, #tpu.memory_space<vmem_shared>> -> memref<64x128xf32, #tpu.memory_space<vmem_shared>>
      %dma_start3A_197 = arith.constant 0 : i32
      %dma_start3A_198 = tpu.memref_slice %arg10[%add3A_127, %dma_start3A_197] : memref<10240x128xf32, #tpu.memory_space<vmem_shared>> -> memref<64x128xf32, #tpu.memory_space<vmem_shared>>
      tpu.enqueue_dma source(%dma_start3A_198 : memref<64x128xf32, #tpu.memory_space<vmem_shared>>) target(%arg20 : memref<64x128xf32, #tpu.memory_space<vmem>>) target_semaphore(%run_scoped3A : memref<!tpu.dma_semaphore, #tpu.memory_space<semaphore_mem>>)
      %dma_wait3A = arith.constant 0 : i32
      %dma_wait3A_199 = tpu.memref_slice %arg10[%add3A_127, %dma_wait3A] : memref<10240x128xf32, #tpu.memory_space<vmem_shared>> -> memref<64x128xf32, #tpu.memory_space<vmem_shared>>
      %dma_wait3A_200 = arith.constant 0 : i32
      %dma_wait3A_201 = tpu.memref_slice %arg10[%add3A_127, %dma_wait3A_200] : memref<10240x128xf32, #tpu.memory_space<vmem_shared>> -> memref<64x128xf32, #tpu.memory_space<vmem_shared>>
      tpu.wait_dma2 semaphore(%run_scoped3A : memref<!tpu.dma_semaphore, #tpu.memory_space<semaphore_mem>>) src(%dma_wait3A_201 : memref<64x128xf32, #tpu.memory_space<vmem_shared>>) dst(%arg20 : memref<64x128xf32, #tpu.memory_space<vmem>>)
      tpu.yield
    }) : () -> ()
    %add3A_128 = arith.constant 128 : i32
    %add3A_129 = arith.addi %add3A_111, %add3A_128 : i32
    "tpu.region"() ({
      %run_scoped3A = tpu.sem_alloc : memref<!tpu.dma_semaphore, #tpu.memory_space<semaphore_mem>>
      %dma_start3A = arith.constant 0 : i32
      %dma_start3A_196 = tpu.memref_slice %arg7[%add3A_129, %dma_start3A] : memref<20480x128xf32, #tpu.memory_space<hbm>> -> memref<64x128xf32, #tpu.memory_space<hbm>>
      %dma_start3A_197 = arith.constant 0 : i32
      %dma_start3A_198 = tpu.memref_slice %arg7[%add3A_129, %dma_start3A_197] : memref<20480x128xf32, #tpu.memory_space<hbm>> -> memref<64x128xf32, #tpu.memory_space<hbm>>
      tpu.enqueue_dma source(%arg20 : memref<64x128xf32, #tpu.memory_space<vmem>>) target(%dma_start3A_198 : memref<64x128xf32, #tpu.memory_space<hbm>>) target_semaphore(%run_scoped3A : memref<!tpu.dma_semaphore, #tpu.memory_space<semaphore_mem>>)
      %dma_wait3A = arith.constant 0 : i32
      %dma_wait3A_199 = tpu.memref_slice %arg7[%add3A_129, %dma_wait3A] : memref<20480x128xf32, #tpu.memory_space<hbm>> -> memref<64x128xf32, #tpu.memory_space<hbm>>
      %dma_wait3A_200 = arith.constant 0 : i32
      %dma_wait3A_201 = tpu.memref_slice %arg7[%add3A_129, %dma_wait3A_200] : memref<20480x128xf32, #tpu.memory_space<hbm>> -> memref<64x128xf32, #tpu.memory_space<hbm>>
      tpu.wait_dma2 semaphore(%run_scoped3A : memref<!tpu.dma_semaphore, #tpu.memory_space<semaphore_mem>>) src(%arg20 : memref<64x128xf32, #tpu.memory_space<vmem>>) dst(%dma_wait3A_201 : memref<64x128xf32, #tpu.memory_space<hbm>>)
      tpu.yield
    }) : () -> ()
    %mul3A_130 = arith.constant 640 : i32
    %mul3A_131 = arith.muli %arg1, %mul3A_130 : i32
    %add3A_132 = arith.constant 192 : i32
    %add3A_133 = arith.addi %mul3A_131, %add3A_132 : i32
    "tpu.region"() ({
      %run_scoped3A = tpu.sem_alloc : memref<!tpu.dma_semaphore, #tpu.memory_space<semaphore_mem>>
      %dma_start3A = arith.constant 0 : i32
      %dma_start3A_196 = tpu.memref_slice %arg10[%add3A_133, %dma_start3A] : memref<10240x128xf32, #tpu.memory_space<vmem_shared>> -> memref<64x128xf32, #tpu.memory_space<vmem_shared>>
      %dma_start3A_197 = arith.constant 0 : i32
      %dma_start3A_198 = tpu.memref_slice %arg10[%add3A_133, %dma_start3A_197] : memref<10240x128xf32, #tpu.memory_space<vmem_shared>> -> memref<64x128xf32, #tpu.memory_space<vmem_shared>>
      tpu.enqueue_dma source(%dma_start3A_198 : memref<64x128xf32, #tpu.memory_space<vmem_shared>>) target(%arg20 : memref<64x128xf32, #tpu.memory_space<vmem>>) target_semaphore(%run_scoped3A : memref<!tpu.dma_semaphore, #tpu.memory_space<semaphore_mem>>)
      %dma_wait3A = arith.constant 0 : i32
      %dma_wait3A_199 = tpu.memref_slice %arg10[%add3A_133, %dma_wait3A] : memref<10240x128xf32, #tpu.memory_space<vmem_shared>> -> memref<64x128xf32, #tpu.memory_space<vmem_shared>>
      %dma_wait3A_200 = arith.constant 0 : i32
      %dma_wait3A_201 = tpu.memref_slice %arg10[%add3A_133, %dma_wait3A_200] : memref<10240x128xf32, #tpu.memory_space<vmem_shared>> -> memref<64x128xf32, #tpu.memory_space<vmem_shared>>
      tpu.wait_dma2 semaphore(%run_scoped3A : memref<!tpu.dma_semaphore, #tpu.memory_space<semaphore_mem>>) src(%dma_wait3A_201 : memref<64x128xf32, #tpu.memory_space<vmem_shared>>) dst(%arg20 : memref<64x128xf32, #tpu.memory_space<vmem>>)
      tpu.yield
    }) : () -> ()
    %add3A_134 = arith.constant 192 : i32
    %add3A_135 = arith.addi %add3A_111, %add3A_134 : i32
    "tpu.region"() ({
      %run_scoped3A = tpu.sem_alloc : memref<!tpu.dma_semaphore, #tpu.memory_space<semaphore_mem>>
      %dma_start3A = arith.constant 0 : i32
      %dma_start3A_196 = tpu.memref_slice %arg7[%add3A_135, %dma_start3A] : memref<20480x128xf32, #tpu.memory_space<hbm>> -> memref<64x128xf32, #tpu.memory_space<hbm>>
      %dma_start3A_197 = arith.constant 0 : i32
      %dma_start3A_198 = tpu.memref_slice %arg7[%add3A_135, %dma_start3A_197] : memref<20480x128xf32, #tpu.memory_space<hbm>> -> memref<64x128xf32, #tpu.memory_space<hbm>>
      tpu.enqueue_dma source(%arg20 : memref<64x128xf32, #tpu.memory_space<vmem>>) target(%dma_start3A_198 : memref<64x128xf32, #tpu.memory_space<hbm>>) target_semaphore(%run_scoped3A : memref<!tpu.dma_semaphore, #tpu.memory_space<semaphore_mem>>)
      %dma_wait3A = arith.constant 0 : i32
      %dma_wait3A_199 = tpu.memref_slice %arg7[%add3A_135, %dma_wait3A] : memref<20480x128xf32, #tpu.memory_space<hbm>> -> memref<64x128xf32, #tpu.memory_space<hbm>>
      %dma_wait3A_200 = arith.constant 0 : i32
      %dma_wait3A_201 = tpu.memref_slice %arg7[%add3A_135, %dma_wait3A_200] : memref<20480x128xf32, #tpu.memory_space<hbm>> -> memref<64x128xf32, #tpu.memory_space<hbm>>
      tpu.wait_dma2 semaphore(%run_scoped3A : memref<!tpu.dma_semaphore, #tpu.memory_space<semaphore_mem>>) src(%arg20 : memref<64x128xf32, #tpu.memory_space<vmem>>) dst(%dma_wait3A_201 : memref<64x128xf32, #tpu.memory_space<hbm>>)
      tpu.yield
    }) : () -> ()
    %mul3A_136 = arith.constant 640 : i32
    %mul3A_137 = arith.muli %arg1, %mul3A_136 : i32
    %add3A_138 = arith.constant 256 : i32
    %add3A_139 = arith.addi %mul3A_137, %add3A_138 : i32
    "tpu.region"() ({
      %run_scoped3A = tpu.sem_alloc : memref<!tpu.dma_semaphore, #tpu.memory_space<semaphore_mem>>
      %dma_start3A = arith.constant 0 : i32
      %dma_start3A_196 = tpu.memref_slice %arg10[%add3A_139, %dma_start3A] : memref<10240x128xf32, #tpu.memory_space<vmem_shared>> -> memref<64x128xf32, #tpu.memory_space<vmem_shared>>
      %dma_start3A_197 = arith.constant 0 : i32
      %dma_start3A_198 = tpu.memref_slice %arg10[%add3A_139, %dma_start3A_197] : memref<10240x128xf32, #tpu.memory_space<vmem_shared>> -> memref<64x128xf32, #tpu.memory_space<vmem_shared>>
      tpu.enqueue_dma source(%dma_start3A_198 : memref<64x128xf32, #tpu.memory_space<vmem_shared>>) target(%arg20 : memref<64x128xf32, #tpu.memory_space<vmem>>) target_semaphore(%run_scoped3A : memref<!tpu.dma_semaphore, #tpu.memory_space<semaphore_mem>>)
      %dma_wait3A = arith.constant 0 : i32
      %dma_wait3A_199 = tpu.memref_slice %arg10[%add3A_139, %dma_wait3A] : memref<10240x128xf32, #tpu.memory_space<vmem_shared>> -> memref<64x128xf32, #tpu.memory_space<vmem_shared>>
      %dma_wait3A_200 = arith.constant 0 : i32
      %dma_wait3A_201 = tpu.memref_slice %arg10[%add3A_139, %dma_wait3A_200] : memref<10240x128xf32, #tpu.memory_space<vmem_shared>> -> memref<64x128xf32, #tpu.memory_space<vmem_shared>>
      tpu.wait_dma2 semaphore(%run_scoped3A : memref<!tpu.dma_semaphore, #tpu.memory_space<semaphore_mem>>) src(%dma_wait3A_201 : memref<64x128xf32, #tpu.memory_space<vmem_shared>>) dst(%arg20 : memref<64x128xf32, #tpu.memory_space<vmem>>)
      tpu.yield
    }) : () -> ()
    %add3A_140 = arith.constant 256 : i32
    %add3A_141 = arith.addi %add3A_111, %add3A_140 : i32
    "tpu.region"() ({
      %run_scoped3A = tpu.sem_alloc : memref<!tpu.dma_semaphore, #tpu.memory_space<semaphore_mem>>
      %dma_start3A = arith.constant 0 : i32
      %dma_start3A_196 = tpu.memref_slice %arg7[%add3A_141, %dma_start3A] : memref<20480x128xf32, #tpu.memory_space<hbm>> -> memref<64x128xf32, #tpu.memory_space<hbm>>
      %dma_start3A_197 = arith.constant 0 : i32
      %dma_start3A_198 = tpu.memref_slice %arg7[%add3A_141, %dma_start3A_197] : memref<20480x128xf32, #tpu.memory_space<hbm>> -> memref<64x128xf32, #tpu.memory_space<hbm>>
      tpu.enqueue_dma source(%arg20 : memref<64x128xf32, #tpu.memory_space<vmem>>) target(%dma_start3A_198 : memref<64x128xf32, #tpu.memory_space<hbm>>) target_semaphore(%run_scoped3A : memref<!tpu.dma_semaphore, #tpu.memory_space<semaphore_mem>>)
      %dma_wait3A = arith.constant 0 : i32
      %dma_wait3A_199 = tpu.memref_slice %arg7[%add3A_141, %dma_wait3A] : memref<20480x128xf32, #tpu.memory_space<hbm>> -> memref<64x128xf32, #tpu.memory_space<hbm>>
      %dma_wait3A_200 = arith.constant 0 : i32
      %dma_wait3A_201 = tpu.memref_slice %arg7[%add3A_141, %dma_wait3A_200] : memref<20480x128xf32, #tpu.memory_space<hbm>> -> memref<64x128xf32, #tpu.memory_space<hbm>>
      tpu.wait_dma2 semaphore(%run_scoped3A : memref<!tpu.dma_semaphore, #tpu.memory_space<semaphore_mem>>) src(%arg20 : memref<64x128xf32, #tpu.memory_space<vmem>>) dst(%dma_wait3A_201 : memref<64x128xf32, #tpu.memory_space<hbm>>)
      tpu.yield
    }) : () -> ()
    %mul3A_142 = arith.constant 640 : i32
    %mul3A_143 = arith.muli %arg1, %mul3A_142 : i32
    %add3A_144 = arith.constant 320 : i32
    %add3A_145 = arith.addi %mul3A_143, %add3A_144 : i32
    "tpu.region"() ({
      %run_scoped3A = tpu.sem_alloc : memref<!tpu.dma_semaphore, #tpu.memory_space<semaphore_mem>>
      %dma_start3A = arith.constant 0 : i32
      %dma_start3A_196 = tpu.memref_slice %arg10[%add3A_145, %dma_start3A] : memref<10240x128xf32, #tpu.memory_space<vmem_shared>> -> memref<64x128xf32, #tpu.memory_space<vmem_shared>>
      %dma_start3A_197 = arith.constant 0 : i32
      %dma_start3A_198 = tpu.memref_slice %arg10[%add3A_145, %dma_start3A_197] : memref<10240x128xf32, #tpu.memory_space<vmem_shared>> -> memref<64x128xf32, #tpu.memory_space<vmem_shared>>
      tpu.enqueue_dma source(%dma_start3A_198 : memref<64x128xf32, #tpu.memory_space<vmem_shared>>) target(%arg20 : memref<64x128xf32, #tpu.memory_space<vmem>>) target_semaphore(%run_scoped3A : memref<!tpu.dma_semaphore, #tpu.memory_space<semaphore_mem>>)
      %dma_wait3A = arith.constant 0 : i32
      %dma_wait3A_199 = tpu.memref_slice %arg10[%add3A_145, %dma_wait3A] : memref<10240x128xf32, #tpu.memory_space<vmem_shared>> -> memref<64x128xf32, #tpu.memory_space<vmem_shared>>
      %dma_wait3A_200 = arith.constant 0 : i32
      %dma_wait3A_201 = tpu.memref_slice %arg10[%add3A_145, %dma_wait3A_200] : memref<10240x128xf32, #tpu.memory_space<vmem_shared>> -> memref<64x128xf32, #tpu.memory_space<vmem_shared>>
      tpu.wait_dma2 semaphore(%run_scoped3A : memref<!tpu.dma_semaphore, #tpu.memory_space<semaphore_mem>>) src(%dma_wait3A_201 : memref<64x128xf32, #tpu.memory_space<vmem_shared>>) dst(%arg20 : memref<64x128xf32, #tpu.memory_space<vmem>>)
      tpu.yield
    }) : () -> ()
    %add3A_146 = arith.constant 320 : i32
    %add3A_147 = arith.addi %add3A_111, %add3A_146 : i32
    "tpu.region"() ({
      %run_scoped3A = tpu.sem_alloc : memref<!tpu.dma_semaphore, #tpu.memory_space<semaphore_mem>>
      %dma_start3A = arith.constant 0 : i32
      %dma_start3A_196 = tpu.memref_slice %arg7[%add3A_147, %dma_start3A] : memref<20480x128xf32, #tpu.memory_space<hbm>> -> memref<64x128xf32, #tpu.memory_space<hbm>>
      %dma_start3A_197 = arith.constant 0 : i32
      %dma_start3A_198 = tpu.memref_slice %arg7[%add3A_147, %dma_start3A_197] : memref<20480x128xf32, #tpu.memory_space<hbm>> -> memref<64x128xf32, #tpu.memory_space<hbm>>
      tpu.enqueue_dma source(%arg20 : memref<64x128xf32, #tpu.memory_space<vmem>>) target(%dma_start3A_198 : memref<64x128xf32, #tpu.memory_space<hbm>>) target_semaphore(%run_scoped3A : memref<!tpu.dma_semaphore, #tpu.memory_space<semaphore_mem>>)
      %dma_wait3A = arith.constant 0 : i32
      %dma_wait3A_199 = tpu.memref_slice %arg7[%add3A_147, %dma_wait3A] : memref<20480x128xf32, #tpu.memory_space<hbm>> -> memref<64x128xf32, #tpu.memory_space<hbm>>
      %dma_wait3A_200 = arith.constant 0 : i32
      %dma_wait3A_201 = tpu.memref_slice %arg7[%add3A_147, %dma_wait3A_200] : memref<20480x128xf32, #tpu.memory_space<hbm>> -> memref<64x128xf32, #tpu.memory_space<hbm>>
      tpu.wait_dma2 semaphore(%run_scoped3A : memref<!tpu.dma_semaphore, #tpu.memory_space<semaphore_mem>>) src(%arg20 : memref<64x128xf32, #tpu.memory_space<vmem>>) dst(%dma_wait3A_201 : memref<64x128xf32, #tpu.memory_space<hbm>>)
      tpu.yield
    }) : () -> ()
    %mul3A_148 = arith.constant 640 : i32
    %mul3A_149 = arith.muli %arg1, %mul3A_148 : i32
    %add3A_150 = arith.constant 384 : i32
    %add3A_151 = arith.addi %mul3A_149, %add3A_150 : i32
    "tpu.region"() ({
      %run_scoped3A = tpu.sem_alloc : memref<!tpu.dma_semaphore, #tpu.memory_space<semaphore_mem>>
      %dma_start3A = arith.constant 0 : i32
      %dma_start3A_196 = tpu.memref_slice %arg10[%add3A_151, %dma_start3A] : memref<10240x128xf32, #tpu.memory_space<vmem_shared>> -> memref<64x128xf32, #tpu.memory_space<vmem_shared>>
      %dma_start3A_197 = arith.constant 0 : i32
      %dma_start3A_198 = tpu.memref_slice %arg10[%add3A_151, %dma_start3A_197] : memref<10240x128xf32, #tpu.memory_space<vmem_shared>> -> memref<64x128xf32, #tpu.memory_space<vmem_shared>>
      tpu.enqueue_dma source(%dma_start3A_198 : memref<64x128xf32, #tpu.memory_space<vmem_shared>>) target(%arg20 : memref<64x128xf32, #tpu.memory_space<vmem>>) target_semaphore(%run_scoped3A : memref<!tpu.dma_semaphore, #tpu.memory_space<semaphore_mem>>)
      %dma_wait3A = arith.constant 0 : i32
      %dma_wait3A_199 = tpu.memref_slice %arg10[%add3A_151, %dma_wait3A] : memref<10240x128xf32, #tpu.memory_space<vmem_shared>> -> memref<64x128xf32, #tpu.memory_space<vmem_shared>>
      %dma_wait3A_200 = arith.constant 0 : i32
      %dma_wait3A_201 = tpu.memref_slice %arg10[%add3A_151, %dma_wait3A_200] : memref<10240x128xf32, #tpu.memory_space<vmem_shared>> -> memref<64x128xf32, #tpu.memory_space<vmem_shared>>
      tpu.wait_dma2 semaphore(%run_scoped3A : memref<!tpu.dma_semaphore, #tpu.memory_space<semaphore_mem>>) src(%dma_wait3A_201 : memref<64x128xf32, #tpu.memory_space<vmem_shared>>) dst(%arg20 : memref<64x128xf32, #tpu.memory_space<vmem>>)
      tpu.yield
    }) : () -> ()
    %add3A_152 = arith.constant 384 : i32
    %add3A_153 = arith.addi %add3A_111, %add3A_152 : i32
    "tpu.region"() ({
      %run_scoped3A = tpu.sem_alloc : memref<!tpu.dma_semaphore, #tpu.memory_space<semaphore_mem>>
      %dma_start3A = arith.constant 0 : i32
      %dma_start3A_196 = tpu.memref_slice %arg7[%add3A_153, %dma_start3A] : memref<20480x128xf32, #tpu.memory_space<hbm>> -> memref<64x128xf32, #tpu.memory_space<hbm>>
      %dma_start3A_197 = arith.constant 0 : i32
      %dma_start3A_198 = tpu.memref_slice %arg7[%add3A_153, %dma_start3A_197] : memref<20480x128xf32, #tpu.memory_space<hbm>> -> memref<64x128xf32, #tpu.memory_space<hbm>>
      tpu.enqueue_dma source(%arg20 : memref<64x128xf32, #tpu.memory_space<vmem>>) target(%dma_start3A_198 : memref<64x128xf32, #tpu.memory_space<hbm>>) target_semaphore(%run_scoped3A : memref<!tpu.dma_semaphore, #tpu.memory_space<semaphore_mem>>)
      %dma_wait3A = arith.constant 0 : i32
      %dma_wait3A_199 = tpu.memref_slice %arg7[%add3A_153, %dma_wait3A] : memref<20480x128xf32, #tpu.memory_space<hbm>> -> memref<64x128xf32, #tpu.memory_space<hbm>>
      %dma_wait3A_200 = arith.constant 0 : i32
      %dma_wait3A_201 = tpu.memref_slice %arg7[%add3A_153, %dma_wait3A_200] : memref<20480x128xf32, #tpu.memory_space<hbm>> -> memref<64x128xf32, #tpu.memory_space<hbm>>
      tpu.wait_dma2 semaphore(%run_scoped3A : memref<!tpu.dma_semaphore, #tpu.memory_space<semaphore_mem>>) src(%arg20 : memref<64x128xf32, #tpu.memory_space<vmem>>) dst(%dma_wait3A_201 : memref<64x128xf32, #tpu.memory_space<hbm>>)
      tpu.yield
    }) : () -> ()
    %mul3A_154 = arith.constant 640 : i32
    %mul3A_155 = arith.muli %arg1, %mul3A_154 : i32
    %add3A_156 = arith.constant 448 : i32
    %add3A_157 = arith.addi %mul3A_155, %add3A_156 : i32
    "tpu.region"() ({
      %run_scoped3A = tpu.sem_alloc : memref<!tpu.dma_semaphore, #tpu.memory_space<semaphore_mem>>
      %dma_start3A = arith.constant 0 : i32
      %dma_start3A_196 = tpu.memref_slice %arg10[%add3A_157, %dma_start3A] : memref<10240x128xf32, #tpu.memory_space<vmem_shared>> -> memref<64x128xf32, #tpu.memory_space<vmem_shared>>
      %dma_start3A_197 = arith.constant 0 : i32
      %dma_start3A_198 = tpu.memref_slice %arg10[%add3A_157, %dma_start3A_197] : memref<10240x128xf32, #tpu.memory_space<vmem_shared>> -> memref<64x128xf32, #tpu.memory_space<vmem_shared>>
      tpu.enqueue_dma source(%dma_start3A_198 : memref<64x128xf32, #tpu.memory_space<vmem_shared>>) target(%arg20 : memref<64x128xf32, #tpu.memory_space<vmem>>) target_semaphore(%run_scoped3A : memref<!tpu.dma_semaphore, #tpu.memory_space<semaphore_mem>>)
      %dma_wait3A = arith.constant 0 : i32
      %dma_wait3A_199 = tpu.memref_slice %arg10[%add3A_157, %dma_wait3A] : memref<10240x128xf32, #tpu.memory_space<vmem_shared>> -> memref<64x128xf32, #tpu.memory_space<vmem_shared>>
      %dma_wait3A_200 = arith.constant 0 : i32
      %dma_wait3A_201 = tpu.memref_slice %arg10[%add3A_157, %dma_wait3A_200] : memref<10240x128xf32, #tpu.memory_space<vmem_shared>> -> memref<64x128xf32, #tpu.memory_space<vmem_shared>>
      tpu.wait_dma2 semaphore(%run_scoped3A : memref<!tpu.dma_semaphore, #tpu.memory_space<semaphore_mem>>) src(%dma_wait3A_201 : memref<64x128xf32, #tpu.memory_space<vmem_shared>>) dst(%arg20 : memref<64x128xf32, #tpu.memory_space<vmem>>)
      tpu.yield
    }) : () -> ()
    %add3A_158 = arith.constant 448 : i32
    %add3A_159 = arith.addi %add3A_111, %add3A_158 : i32
    "tpu.region"() ({
      %run_scoped3A = tpu.sem_alloc : memref<!tpu.dma_semaphore, #tpu.memory_space<semaphore_mem>>
      %dma_start3A = arith.constant 0 : i32
      %dma_start3A_196 = tpu.memref_slice %arg7[%add3A_159, %dma_start3A] : memref<20480x128xf32, #tpu.memory_space<hbm>> -> memref<64x128xf32, #tpu.memory_space<hbm>>
      %dma_start3A_197 = arith.constant 0 : i32
      %dma_start3A_198 = tpu.memref_slice %arg7[%add3A_159, %dma_start3A_197] : memref<20480x128xf32, #tpu.memory_space<hbm>> -> memref<64x128xf32, #tpu.memory_space<hbm>>
      tpu.enqueue_dma source(%arg20 : memref<64x128xf32, #tpu.memory_space<vmem>>) target(%dma_start3A_198 : memref<64x128xf32, #tpu.memory_space<hbm>>) target_semaphore(%run_scoped3A : memref<!tpu.dma_semaphore, #tpu.memory_space<semaphore_mem>>)
      %dma_wait3A = arith.constant 0 : i32
      %dma_wait3A_199 = tpu.memref_slice %arg7[%add3A_159, %dma_wait3A] : memref<20480x128xf32, #tpu.memory_space<hbm>> -> memref<64x128xf32, #tpu.memory_space<hbm>>
      %dma_wait3A_200 = arith.constant 0 : i32
      %dma_wait3A_201 = tpu.memref_slice %arg7[%add3A_159, %dma_wait3A_200] : memref<20480x128xf32, #tpu.memory_space<hbm>> -> memref<64x128xf32, #tpu.memory_space<hbm>>
      tpu.wait_dma2 semaphore(%run_scoped3A : memref<!tpu.dma_semaphore, #tpu.memory_space<semaphore_mem>>) src(%arg20 : memref<64x128xf32, #tpu.memory_space<vmem>>) dst(%dma_wait3A_201 : memref<64x128xf32, #tpu.memory_space<hbm>>)
      tpu.yield
    }) : () -> ()
    %mul3A_160 = arith.constant 640 : i32
    %mul3A_161 = arith.muli %arg1, %mul3A_160 : i32
    %add3A_162 = arith.constant 512 : i32
    %add3A_163 = arith.addi %mul3A_161, %add3A_162 : i32
    "tpu.region"() ({
      %run_scoped3A = tpu.sem_alloc : memref<!tpu.dma_semaphore, #tpu.memory_space<semaphore_mem>>
      %dma_start3A = arith.constant 0 : i32
      %dma_start3A_196 = tpu.memref_slice %arg10[%add3A_163, %dma_start3A] : memref<10240x128xf32, #tpu.memory_space<vmem_shared>> -> memref<64x128xf32, #tpu.memory_space<vmem_shared>>
      %dma_start3A_197 = arith.constant 0 : i32
      %dma_start3A_198 = tpu.memref_slice %arg10[%add3A_163, %dma_start3A_197] : memref<10240x128xf32, #tpu.memory_space<vmem_shared>> -> memref<64x128xf32, #tpu.memory_space<vmem_shared>>
      tpu.enqueue_dma source(%dma_start3A_198 : memref<64x128xf32, #tpu.memory_space<vmem_shared>>) target(%arg20 : memref<64x128xf32, #tpu.memory_space<vmem>>) target_semaphore(%run_scoped3A : memref<!tpu.dma_semaphore, #tpu.memory_space<semaphore_mem>>)
      %dma_wait3A = arith.constant 0 : i32
      %dma_wait3A_199 = tpu.memref_slice %arg10[%add3A_163, %dma_wait3A] : memref<10240x128xf32, #tpu.memory_space<vmem_shared>> -> memref<64x128xf32, #tpu.memory_space<vmem_shared>>
      %dma_wait3A_200 = arith.constant 0 : i32
      %dma_wait3A_201 = tpu.memref_slice %arg10[%add3A_163, %dma_wait3A_200] : memref<10240x128xf32, #tpu.memory_space<vmem_shared>> -> memref<64x128xf32, #tpu.memory_space<vmem_shared>>
      tpu.wait_dma2 semaphore(%run_scoped3A : memref<!tpu.dma_semaphore, #tpu.memory_space<semaphore_mem>>) src(%dma_wait3A_201 : memref<64x128xf32, #tpu.memory_space<vmem_shared>>) dst(%arg20 : memref<64x128xf32, #tpu.memory_space<vmem>>)
      tpu.yield
    }) : () -> ()
    %add3A_164 = arith.constant 512 : i32
    %add3A_165 = arith.addi %add3A_111, %add3A_164 : i32
    "tpu.region"() ({
      %run_scoped3A = tpu.sem_alloc : memref<!tpu.dma_semaphore, #tpu.memory_space<semaphore_mem>>
      %dma_start3A = arith.constant 0 : i32
      %dma_start3A_196 = tpu.memref_slice %arg7[%add3A_165, %dma_start3A] : memref<20480x128xf32, #tpu.memory_space<hbm>> -> memref<64x128xf32, #tpu.memory_space<hbm>>
      %dma_start3A_197 = arith.constant 0 : i32
      %dma_start3A_198 = tpu.memref_slice %arg7[%add3A_165, %dma_start3A_197] : memref<20480x128xf32, #tpu.memory_space<hbm>> -> memref<64x128xf32, #tpu.memory_space<hbm>>
      tpu.enqueue_dma source(%arg20 : memref<64x128xf32, #tpu.memory_space<vmem>>) target(%dma_start3A_198 : memref<64x128xf32, #tpu.memory_space<hbm>>) target_semaphore(%run_scoped3A : memref<!tpu.dma_semaphore, #tpu.memory_space<semaphore_mem>>)
      %dma_wait3A = arith.constant 0 : i32
      %dma_wait3A_199 = tpu.memref_slice %arg7[%add3A_165, %dma_wait3A] : memref<20480x128xf32, #tpu.memory_space<hbm>> -> memref<64x128xf32, #tpu.memory_space<hbm>>
      %dma_wait3A_200 = arith.constant 0 : i32
      %dma_wait3A_201 = tpu.memref_slice %arg7[%add3A_165, %dma_wait3A_200] : memref<20480x128xf32, #tpu.memory_space<hbm>> -> memref<64x128xf32, #tpu.memory_space<hbm>>
      tpu.wait_dma2 semaphore(%run_scoped3A : memref<!tpu.dma_semaphore, #tpu.memory_space<semaphore_mem>>) src(%arg20 : memref<64x128xf32, #tpu.memory_space<vmem>>) dst(%dma_wait3A_201 : memref<64x128xf32, #tpu.memory_space<hbm>>)
      tpu.yield
    }) : () -> ()
    %mul3A_166 = arith.constant 640 : i32
    %mul3A_167 = arith.muli %arg1, %mul3A_166 : i32
    %add3A_168 = arith.constant 576 : i32
    %add3A_169 = arith.addi %mul3A_167, %add3A_168 : i32
    "tpu.region"() ({
      %run_scoped3A = tpu.sem_alloc : memref<!tpu.dma_semaphore, #tpu.memory_space<semaphore_mem>>
      %dma_start3A = arith.constant 0 : i32
      %dma_start3A_196 = tpu.memref_slice %arg10[%add3A_169, %dma_start3A] : memref<10240x128xf32, #tpu.memory_space<vmem_shared>> -> memref<64x128xf32, #tpu.memory_space<vmem_shared>>
      %dma_start3A_197 = arith.constant 0 : i32
      %dma_start3A_198 = tpu.memref_slice %arg10[%add3A_169, %dma_start3A_197] : memref<10240x128xf32, #tpu.memory_space<vmem_shared>> -> memref<64x128xf32, #tpu.memory_space<vmem_shared>>
      tpu.enqueue_dma source(%dma_start3A_198 : memref<64x128xf32, #tpu.memory_space<vmem_shared>>) target(%arg20 : memref<64x128xf32, #tpu.memory_space<vmem>>) target_semaphore(%run_scoped3A : memref<!tpu.dma_semaphore, #tpu.memory_space<semaphore_mem>>)
      %dma_wait3A = arith.constant 0 : i32
      %dma_wait3A_199 = tpu.memref_slice %arg10[%add3A_169, %dma_wait3A] : memref<10240x128xf32, #tpu.memory_space<vmem_shared>> -> memref<64x128xf32, #tpu.memory_space<vmem_shared>>
      %dma_wait3A_200 = arith.constant 0 : i32
      %dma_wait3A_201 = tpu.memref_slice %arg10[%add3A_169, %dma_wait3A_200] : memref<10240x128xf32, #tpu.memory_space<vmem_shared>> -> memref<64x128xf32, #tpu.memory_space<vmem_shared>>
      tpu.wait_dma2 semaphore(%run_scoped3A : memref<!tpu.dma_semaphore, #tpu.memory_space<semaphore_mem>>) src(%dma_wait3A_201 : memref<64x128xf32, #tpu.memory_space<vmem_shared>>) dst(%arg20 : memref<64x128xf32, #tpu.memory_space<vmem>>)
      tpu.yield
    }) : () -> ()
    %add3A_170 = arith.constant 576 : i32
    %add3A_171 = arith.addi %add3A_111, %add3A_170 : i32
    "tpu.region"() ({
      %run_scoped3A = tpu.sem_alloc : memref<!tpu.dma_semaphore, #tpu.memory_space<semaphore_mem>>
      %dma_start3A = arith.constant 0 : i32
      %dma_start3A_196 = tpu.memref_slice %arg7[%add3A_171, %dma_start3A] : memref<20480x128xf32, #tpu.memory_space<hbm>> -> memref<64x128xf32, #tpu.memory_space<hbm>>
      %dma_start3A_197 = arith.constant 0 : i32
      %dma_start3A_198 = tpu.memref_slice %arg7[%add3A_171, %dma_start3A_197] : memref<20480x128xf32, #tpu.memory_space<hbm>> -> memref<64x128xf32, #tpu.memory_space<hbm>>
      tpu.enqueue_dma source(%arg20 : memref<64x128xf32, #tpu.memory_space<vmem>>) target(%dma_start3A_198 : memref<64x128xf32, #tpu.memory_space<hbm>>) target_semaphore(%run_scoped3A : memref<!tpu.dma_semaphore, #tpu.memory_space<semaphore_mem>>)
      %dma_wait3A = arith.constant 0 : i32
      %dma_wait3A_199 = tpu.memref_slice %arg7[%add3A_171, %dma_wait3A] : memref<20480x128xf32, #tpu.memory_space<hbm>> -> memref<64x128xf32, #tpu.memory_space<hbm>>
      %dma_wait3A_200 = arith.constant 0 : i32
      %dma_wait3A_201 = tpu.memref_slice %arg7[%add3A_171, %dma_wait3A_200] : memref<20480x128xf32, #tpu.memory_space<hbm>> -> memref<64x128xf32, #tpu.memory_space<hbm>>
      tpu.wait_dma2 semaphore(%run_scoped3A : memref<!tpu.dma_semaphore, #tpu.memory_space<semaphore_mem>>) src(%arg20 : memref<64x128xf32, #tpu.memory_space<vmem>>) dst(%dma_wait3A_201 : memref<64x128xf32, #tpu.memory_space<hbm>>)
      tpu.yield
    }) : () -> ()
    %mul3A_172 = arith.constant 640 : i32
    %mul3A_173 = arith.muli %arg1, %mul3A_172 : i32
    %add3A_174 = arith.constant 0 : i32
    %add3A_175 = arith.addi %mul3A_173, %add3A_174 : i32
    "tpu.region"() ({
      %run_scoped3A = tpu.sem_alloc : memref<!tpu.dma_semaphore, #tpu.memory_space<semaphore_mem>>
      %dma_start3A = arith.constant 0 : i32
      %dma_start3A_196 = tpu.memref_slice %arg11[%add3A_175, %dma_start3A] : memref<10240x16xf32, #tpu.memory_space<vmem_shared>> -> memref<160x16xf32, #tpu.memory_space<vmem_shared>>
      %dma_start3A_197 = arith.constant 0 : i32
      %dma_start3A_198 = tpu.memref_slice %arg11[%add3A_175, %dma_start3A_197] : memref<10240x16xf32, #tpu.memory_space<vmem_shared>> -> memref<160x16xf32, #tpu.memory_space<vmem_shared>>
      tpu.enqueue_dma source(%dma_start3A_198 : memref<160x16xf32, #tpu.memory_space<vmem_shared>>) target(%arg21 : memref<160x16xf32, #tpu.memory_space<vmem>>) target_semaphore(%run_scoped3A : memref<!tpu.dma_semaphore, #tpu.memory_space<semaphore_mem>>)
      %dma_wait3A = arith.constant 0 : i32
      %dma_wait3A_199 = tpu.memref_slice %arg11[%add3A_175, %dma_wait3A] : memref<10240x16xf32, #tpu.memory_space<vmem_shared>> -> memref<160x16xf32, #tpu.memory_space<vmem_shared>>
      %dma_wait3A_200 = arith.constant 0 : i32
      %dma_wait3A_201 = tpu.memref_slice %arg11[%add3A_175, %dma_wait3A_200] : memref<10240x16xf32, #tpu.memory_space<vmem_shared>> -> memref<160x16xf32, #tpu.memory_space<vmem_shared>>
      tpu.wait_dma2 semaphore(%run_scoped3A : memref<!tpu.dma_semaphore, #tpu.memory_space<semaphore_mem>>) src(%dma_wait3A_201 : memref<160x16xf32, #tpu.memory_space<vmem_shared>>) dst(%arg21 : memref<160x16xf32, #tpu.memory_space<vmem>>)
      tpu.yield
    }) : () -> ()
    %add3A_176 = arith.constant 0 : i32
    %add3A_177 = arith.addi %add3A_111, %add3A_176 : i32
    "tpu.region"() ({
      %run_scoped3A = tpu.sem_alloc : memref<!tpu.dma_semaphore, #tpu.memory_space<semaphore_mem>>
      %dma_start3A = arith.constant 0 : i32
      %dma_start3A_196 = tpu.memref_slice %arg8[%add3A_177, %dma_start3A] : memref<20480x16xf32, #tpu.memory_space<hbm>> -> memref<160x16xf32, #tpu.memory_space<hbm>>
      %dma_start3A_197 = arith.constant 0 : i32
      %dma_start3A_198 = tpu.memref_slice %arg8[%add3A_177, %dma_start3A_197] : memref<20480x16xf32, #tpu.memory_space<hbm>> -> memref<160x16xf32, #tpu.memory_space<hbm>>
      tpu.enqueue_dma source(%arg21 : memref<160x16xf32, #tpu.memory_space<vmem>>) target(%dma_start3A_198 : memref<160x16xf32, #tpu.memory_space<hbm>>) target_semaphore(%run_scoped3A : memref<!tpu.dma_semaphore, #tpu.memory_space<semaphore_mem>>)
      %dma_wait3A = arith.constant 0 : i32
      %dma_wait3A_199 = tpu.memref_slice %arg8[%add3A_177, %dma_wait3A] : memref<20480x16xf32, #tpu.memory_space<hbm>> -> memref<160x16xf32, #tpu.memory_space<hbm>>
      %dma_wait3A_200 = arith.constant 0 : i32
      %dma_wait3A_201 = tpu.memref_slice %arg8[%add3A_177, %dma_wait3A_200] : memref<20480x16xf32, #tpu.memory_space<hbm>> -> memref<160x16xf32, #tpu.memory_space<hbm>>
      tpu.wait_dma2 semaphore(%run_scoped3A : memref<!tpu.dma_semaphore, #tpu.memory_space<semaphore_mem>>) src(%arg21 : memref<160x16xf32, #tpu.memory_space<vmem>>) dst(%dma_wait3A_201 : memref<160x16xf32, #tpu.memory_space<hbm>>)
      tpu.yield
    }) : () -> ()
    %mul3A_178 = arith.constant 640 : i32
    %mul3A_179 = arith.muli %arg1, %mul3A_178 : i32
    %add3A_180 = arith.constant 160 : i32
    %add3A_181 = arith.addi %mul3A_179, %add3A_180 : i32
    "tpu.region"() ({
      %run_scoped3A = tpu.sem_alloc : memref<!tpu.dma_semaphore, #tpu.memory_space<semaphore_mem>>
      %dma_start3A = arith.constant 0 : i32
      %dma_start3A_196 = tpu.memref_slice %arg11[%add3A_181, %dma_start3A] : memref<10240x16xf32, #tpu.memory_space<vmem_shared>> -> memref<160x16xf32, #tpu.memory_space<vmem_shared>>
      %dma_start3A_197 = arith.constant 0 : i32
      %dma_start3A_198 = tpu.memref_slice %arg11[%add3A_181, %dma_start3A_197] : memref<10240x16xf32, #tpu.memory_space<vmem_shared>> -> memref<160x16xf32, #tpu.memory_space<vmem_shared>>
      tpu.enqueue_dma source(%dma_start3A_198 : memref<160x16xf32, #tpu.memory_space<vmem_shared>>) target(%arg21 : memref<160x16xf32, #tpu.memory_space<vmem>>) target_semaphore(%run_scoped3A : memref<!tpu.dma_semaphore, #tpu.memory_space<semaphore_mem>>)
      %dma_wait3A = arith.constant 0 : i32
      %dma_wait3A_199 = tpu.memref_slice %arg11[%add3A_181, %dma_wait3A] : memref<10240x16xf32, #tpu.memory_space<vmem_shared>> -> memref<160x16xf32, #tpu.memory_space<vmem_shared>>
      %dma_wait3A_200 = arith.constant 0 : i32
      %dma_wait3A_201 = tpu.memref_slice %arg11[%add3A_181, %dma_wait3A_200] : memref<10240x16xf32, #tpu.memory_space<vmem_shared>> -> memref<160x16xf32, #tpu.memory_space<vmem_shared>>
      tpu.wait_dma2 semaphore(%run_scoped3A : memref<!tpu.dma_semaphore, #tpu.memory_space<semaphore_mem>>) src(%dma_wait3A_201 : memref<160x16xf32, #tpu.memory_space<vmem_shared>>) dst(%arg21 : memref<160x16xf32, #tpu.memory_space<vmem>>)
      tpu.yield
    }) : () -> ()
    %add3A_182 = arith.constant 160 : i32
    %add3A_183 = arith.addi %add3A_111, %add3A_182 : i32
    "tpu.region"() ({
      %run_scoped3A = tpu.sem_alloc : memref<!tpu.dma_semaphore, #tpu.memory_space<semaphore_mem>>
      %dma_start3A = arith.constant 0 : i32
      %dma_start3A_196 = tpu.memref_slice %arg8[%add3A_183, %dma_start3A] : memref<20480x16xf32, #tpu.memory_space<hbm>> -> memref<160x16xf32, #tpu.memory_space<hbm>>
      %dma_start3A_197 = arith.constant 0 : i32
      %dma_start3A_198 = tpu.memref_slice %arg8[%add3A_183, %dma_start3A_197] : memref<20480x16xf32, #tpu.memory_space<hbm>> -> memref<160x16xf32, #tpu.memory_space<hbm>>
      tpu.enqueue_dma source(%arg21 : memref<160x16xf32, #tpu.memory_space<vmem>>) target(%dma_start3A_198 : memref<160x16xf32, #tpu.memory_space<hbm>>) target_semaphore(%run_scoped3A : memref<!tpu.dma_semaphore, #tpu.memory_space<semaphore_mem>>)
      %dma_wait3A = arith.constant 0 : i32
      %dma_wait3A_199 = tpu.memref_slice %arg8[%add3A_183, %dma_wait3A] : memref<20480x16xf32, #tpu.memory_space<hbm>> -> memref<160x16xf32, #tpu.memory_space<hbm>>
      %dma_wait3A_200 = arith.constant 0 : i32
      %dma_wait3A_201 = tpu.memref_slice %arg8[%add3A_183, %dma_wait3A_200] : memref<20480x16xf32, #tpu.memory_space<hbm>> -> memref<160x16xf32, #tpu.memory_space<hbm>>
      tpu.wait_dma2 semaphore(%run_scoped3A : memref<!tpu.dma_semaphore, #tpu.memory_space<semaphore_mem>>) src(%arg21 : memref<160x16xf32, #tpu.memory_space<vmem>>) dst(%dma_wait3A_201 : memref<160x16xf32, #tpu.memory_space<hbm>>)
      tpu.yield
    }) : () -> ()
    %mul3A_184 = arith.constant 640 : i32
    %mul3A_185 = arith.muli %arg1, %mul3A_184 : i32
    %add3A_186 = arith.constant 320 : i32
    %add3A_187 = arith.addi %mul3A_185, %add3A_186 : i32
    "tpu.region"() ({
      %run_scoped3A = tpu.sem_alloc : memref<!tpu.dma_semaphore, #tpu.memory_space<semaphore_mem>>
      %dma_start3A = arith.constant 0 : i32
      %dma_start3A_196 = tpu.memref_slice %arg11[%add3A_187, %dma_start3A] : memref<10240x16xf32, #tpu.memory_space<vmem_shared>> -> memref<160x16xf32, #tpu.memory_space<vmem_shared>>
      %dma_start3A_197 = arith.constant 0 : i32
      %dma_start3A_198 = tpu.memref_slice %arg11[%add3A_187, %dma_start3A_197] : memref<10240x16xf32, #tpu.memory_space<vmem_shared>> -> memref<160x16xf32, #tpu.memory_space<vmem_shared>>
      tpu.enqueue_dma source(%dma_start3A_198 : memref<160x16xf32, #tpu.memory_space<vmem_shared>>) target(%arg21 : memref<160x16xf32, #tpu.memory_space<vmem>>) target_semaphore(%run_scoped3A : memref<!tpu.dma_semaphore, #tpu.memory_space<semaphore_mem>>)
      %dma_wait3A = arith.constant 0 : i32
      %dma_wait3A_199 = tpu.memref_slice %arg11[%add3A_187, %dma_wait3A] : memref<10240x16xf32, #tpu.memory_space<vmem_shared>> -> memref<160x16xf32, #tpu.memory_space<vmem_shared>>
      %dma_wait3A_200 = arith.constant 0 : i32
      %dma_wait3A_201 = tpu.memref_slice %arg11[%add3A_187, %dma_wait3A_200] : memref<10240x16xf32, #tpu.memory_space<vmem_shared>> -> memref<160x16xf32, #tpu.memory_space<vmem_shared>>
      tpu.wait_dma2 semaphore(%run_scoped3A : memref<!tpu.dma_semaphore, #tpu.memory_space<semaphore_mem>>) src(%dma_wait3A_201 : memref<160x16xf32, #tpu.memory_space<vmem_shared>>) dst(%arg21 : memref<160x16xf32, #tpu.memory_space<vmem>>)
      tpu.yield
    }) : () -> ()
    %add3A_188 = arith.constant 320 : i32
    %add3A_189 = arith.addi %add3A_111, %add3A_188 : i32
    "tpu.region"() ({
      %run_scoped3A = tpu.sem_alloc : memref<!tpu.dma_semaphore, #tpu.memory_space<semaphore_mem>>
      %dma_start3A = arith.constant 0 : i32
      %dma_start3A_196 = tpu.memref_slice %arg8[%add3A_189, %dma_start3A] : memref<20480x16xf32, #tpu.memory_space<hbm>> -> memref<160x16xf32, #tpu.memory_space<hbm>>
      %dma_start3A_197 = arith.constant 0 : i32
      %dma_start3A_198 = tpu.memref_slice %arg8[%add3A_189, %dma_start3A_197] : memref<20480x16xf32, #tpu.memory_space<hbm>> -> memref<160x16xf32, #tpu.memory_space<hbm>>
      tpu.enqueue_dma source(%arg21 : memref<160x16xf32, #tpu.memory_space<vmem>>) target(%dma_start3A_198 : memref<160x16xf32, #tpu.memory_space<hbm>>) target_semaphore(%run_scoped3A : memref<!tpu.dma_semaphore, #tpu.memory_space<semaphore_mem>>)
      %dma_wait3A = arith.constant 0 : i32
      %dma_wait3A_199 = tpu.memref_slice %arg8[%add3A_189, %dma_wait3A] : memref<20480x16xf32, #tpu.memory_space<hbm>> -> memref<160x16xf32, #tpu.memory_space<hbm>>
      %dma_wait3A_200 = arith.constant 0 : i32
      %dma_wait3A_201 = tpu.memref_slice %arg8[%add3A_189, %dma_wait3A_200] : memref<20480x16xf32, #tpu.memory_space<hbm>> -> memref<160x16xf32, #tpu.memory_space<hbm>>
      tpu.wait_dma2 semaphore(%run_scoped3A : memref<!tpu.dma_semaphore, #tpu.memory_space<semaphore_mem>>) src(%arg21 : memref<160x16xf32, #tpu.memory_space<vmem>>) dst(%dma_wait3A_201 : memref<160x16xf32, #tpu.memory_space<hbm>>)
      tpu.yield
    }) : () -> ()
    %mul3A_190 = arith.constant 640 : i32
    %mul3A_191 = arith.muli %arg1, %mul3A_190 : i32
    %add3A_192 = arith.constant 480 : i32
    %add3A_193 = arith.addi %mul3A_191, %add3A_192 : i32
    "tpu.region"() ({
      %run_scoped3A = tpu.sem_alloc : memref<!tpu.dma_semaphore, #tpu.memory_space<semaphore_mem>>
      %dma_start3A = arith.constant 0 : i32
      %dma_start3A_196 = tpu.memref_slice %arg11[%add3A_193, %dma_start3A] : memref<10240x16xf32, #tpu.memory_space<vmem_shared>> -> memref<160x16xf32, #tpu.memory_space<vmem_shared>>
      %dma_start3A_197 = arith.constant 0 : i32
      %dma_start3A_198 = tpu.memref_slice %arg11[%add3A_193, %dma_start3A_197] : memref<10240x16xf32, #tpu.memory_space<vmem_shared>> -> memref<160x16xf32, #tpu.memory_space<vmem_shared>>
      tpu.enqueue_dma source(%dma_start3A_198 : memref<160x16xf32, #tpu.memory_space<vmem_shared>>) target(%arg21 : memref<160x16xf32, #tpu.memory_space<vmem>>) target_semaphore(%run_scoped3A : memref<!tpu.dma_semaphore, #tpu.memory_space<semaphore_mem>>)
      %dma_wait3A = arith.constant 0 : i32
      %dma_wait3A_199 = tpu.memref_slice %arg11[%add3A_193, %dma_wait3A] : memref<10240x16xf32, #tpu.memory_space<vmem_shared>> -> memref<160x16xf32, #tpu.memory_space<vmem_shared>>
      %dma_wait3A_200 = arith.constant 0 : i32
      %dma_wait3A_201 = tpu.memref_slice %arg11[%add3A_193, %dma_wait3A_200] : memref<10240x16xf32, #tpu.memory_space<vmem_shared>> -> memref<160x16xf32, #tpu.memory_space<vmem_shared>>
      tpu.wait_dma2 semaphore(%run_scoped3A : memref<!tpu.dma_semaphore, #tpu.memory_space<semaphore_mem>>) src(%dma_wait3A_201 : memref<160x16xf32, #tpu.memory_space<vmem_shared>>) dst(%arg21 : memref<160x16xf32, #tpu.memory_space<vmem>>)
      tpu.yield
    }) : () -> ()
    %add3A_194 = arith.constant 480 : i32
    %add3A_195 = arith.addi %add3A_111, %add3A_194 : i32
    "tpu.region"() ({
      %run_scoped3A = tpu.sem_alloc : memref<!tpu.dma_semaphore, #tpu.memory_space<semaphore_mem>>
      %dma_start3A = arith.constant 0 : i32
      %dma_start3A_196 = tpu.memref_slice %arg8[%add3A_195, %dma_start3A] : memref<20480x16xf32, #tpu.memory_space<hbm>> -> memref<160x16xf32, #tpu.memory_space<hbm>>
      %dma_start3A_197 = arith.constant 0 : i32
      %dma_start3A_198 = tpu.memref_slice %arg8[%add3A_195, %dma_start3A_197] : memref<20480x16xf32, #tpu.memory_space<hbm>> -> memref<160x16xf32, #tpu.memory_space<hbm>>
      tpu.enqueue_dma source(%arg21 : memref<160x16xf32, #tpu.memory_space<vmem>>) target(%dma_start3A_198 : memref<160x16xf32, #tpu.memory_space<hbm>>) target_semaphore(%run_scoped3A : memref<!tpu.dma_semaphore, #tpu.memory_space<semaphore_mem>>)
      %dma_wait3A = arith.constant 0 : i32
      %dma_wait3A_199 = tpu.memref_slice %arg8[%add3A_195, %dma_wait3A] : memref<20480x16xf32, #tpu.memory_space<hbm>> -> memref<160x16xf32, #tpu.memory_space<hbm>>
      %dma_wait3A_200 = arith.constant 0 : i32
      %dma_wait3A_201 = tpu.memref_slice %arg8[%add3A_195, %dma_wait3A_200] : memref<20480x16xf32, #tpu.memory_space<hbm>> -> memref<160x16xf32, #tpu.memory_space<hbm>>
      tpu.wait_dma2 semaphore(%run_scoped3A : memref<!tpu.dma_semaphore, #tpu.memory_space<semaphore_mem>>) src(%arg21 : memref<160x16xf32, #tpu.memory_space<vmem>>) dst(%dma_wait3A_201 : memref<160x16xf32, #tpu.memory_space<hbm>>)
      tpu.yield
    }) : () -> ()
    "tpu.region"() ({
      %run_scoped3A = tpu.sem_alloc : memref<!tpu.dma_semaphore, #tpu.memory_space<semaphore_mem>>
      %dma_start3A = arith.constant 0 : i32
      %dma_start3A_196 = tpu.memref_slice %arg9[%add3A, %dma_start3A] : memref<32x10240xf32, #tpu.memory_space<hbm>> -> memref<1x10000xf32, #tpu.memory_space<hbm>>
      %dma_start3A_197 = tpu.memref_squeeze %dma_start3A_196 : memref<1x10000xf32, #tpu.memory_space<hbm>> -> memref<10000xf32, #tpu.memory_space<hbm>>
      %dma_start3A_198 = arith.constant 0 : i32
      %dma_start3A_199 = tpu.memref_slice %arg9[%add3A, %dma_start3A_198] : memref<32x10240xf32, #tpu.memory_space<hbm>> -> memref<1x10000xf32, #tpu.memory_space<hbm>>
      %dma_start3A_200 = tpu.memref_squeeze %dma_start3A_199 : memref<1x10000xf32, #tpu.memory_space<hbm>> -> memref<10000xf32, #tpu.memory_space<hbm>>
      tpu.enqueue_dma source(%arg18 : memref<10000xf32, #tpu.memory_space<vmem>>) target(%dma_start3A_200 : memref<10000xf32, #tpu.memory_space<hbm>>) target_semaphore(%run_scoped3A : memref<!tpu.dma_semaphore, #tpu.memory_space<semaphore_mem>>)
      %dma_wait3A = arith.constant 0 : i32
      %dma_wait3A_201 = tpu.memref_slice %arg9[%add3A, %dma_wait3A] : memref<32x10240xf32, #tpu.memory_space<hbm>> -> memref<1x10000xf32, #tpu.memory_space<hbm>>
      %dma_wait3A_202 = tpu.memref_squeeze %dma_wait3A_201 : memref<1x10000xf32, #tpu.memory_space<hbm>> -> memref<10000xf32, #tpu.memory_space<hbm>>
      %dma_wait3A_203 = arith.constant 0 : i32
      %dma_wait3A_204 = tpu.memref_slice %arg9[%add3A, %dma_wait3A_203] : memref<32x10240xf32, #tpu.memory_space<hbm>> -> memref<1x10000xf32, #tpu.memory_space<hbm>>
      %dma_wait3A_205 = tpu.memref_squeeze %dma_wait3A_204 : memref<1x10000xf32, #tpu.memory_space<hbm>> -> memref<10000xf32, #tpu.memory_space<hbm>>
      tpu.wait_dma2 semaphore(%run_scoped3A : memref<!tpu.dma_semaphore, #tpu.memory_space<semaphore_mem>>) src(%arg18 : memref<10000xf32, #tpu.memory_space<vmem>>) dst(%dma_wait3A_205 : memref<10000xf32, #tpu.memory_space<hbm>>)
      tpu.yield
    }) : () -> ()
    "tpu.region"() ({
      %run_scoped3A = tpu.sem_alloc : memref<!tpu.dma_semaphore, #tpu.memory_space<semaphore_mem>>
      %dma_start3A = arith.constant 10000 : i32
      %dma_start3A_196 = tpu.memref_slice %arg9[%add3A, %dma_start3A] : memref<32x10240xf32, #tpu.memory_space<hbm>> -> memref<1x240xf32, #tpu.memory_space<hbm>>
      %dma_start3A_197 = tpu.memref_squeeze %dma_start3A_196 : memref<1x240xf32, #tpu.memory_space<hbm>> -> memref<240xf32, #tpu.memory_space<hbm>>
      %dma_start3A_198 = arith.constant 10000 : i32
      %dma_start3A_199 = tpu.memref_slice %arg9[%add3A, %dma_start3A_198] : memref<32x10240xf32, #tpu.memory_space<hbm>> -> memref<1x240xf32, #tpu.memory_space<hbm>>
      %dma_start3A_200 = tpu.memref_squeeze %dma_start3A_199 : memref<1x240xf32, #tpu.memory_space<hbm>> -> memref<240xf32, #tpu.memory_space<hbm>>
      tpu.enqueue_dma source(%arg19 : memref<240xf32, #tpu.memory_space<vmem>>) target(%dma_start3A_200 : memref<240xf32, #tpu.memory_space<hbm>>) target_semaphore(%run_scoped3A : memref<!tpu.dma_semaphore, #tpu.memory_space<semaphore_mem>>)
      %dma_wait3A = arith.constant 10000 : i32
      %dma_wait3A_201 = tpu.memref_slice %arg9[%add3A, %dma_wait3A] : memref<32x10240xf32, #tpu.memory_space<hbm>> -> memref<1x240xf32, #tpu.memory_space<hbm>>
      %dma_wait3A_202 = tpu.memref_squeeze %dma_wait3A_201 : memref<1x240xf32, #tpu.memory_space<hbm>> -> memref<240xf32, #tpu.memory_space<hbm>>
      %dma_wait3A_203 = arith.constant 10000 : i32
      %dma_wait3A_204 = tpu.memref_slice %arg9[%add3A, %dma_wait3A_203] : memref<32x10240xf32, #tpu.memory_space<hbm>> -> memref<1x240xf32, #tpu.memory_space<hbm>>
      %dma_wait3A_205 = tpu.memref_squeeze %dma_wait3A_204 : memref<1x240xf32, #tpu.memory_space<hbm>> -> memref<240xf32, #tpu.memory_space<hbm>>
      tpu.wait_dma2 semaphore(%run_scoped3A : memref<!tpu.dma_semaphore, #tpu.memory_space<semaphore_mem>>) src(%arg19 : memref<240xf32, #tpu.memory_space<vmem>>) dst(%dma_wait3A_205 : memref<240xf32, #tpu.memory_space<hbm>>)
      tpu.yield
    }) : () -> ()
    return
  }
}

module attributes {stable_mosaic.version = 14 : i64} {
  func.func @_tc_body(%arg0: i32, %arg1: memref<1024x128xf32, #tpu.memory_space<vmem>>, %arg2: memref<1024x128xf32, #tpu.memory_space<vmem>>, %arg3: memref<1024x128xf32, #tpu.memory_space<vmem>>, %arg4: memref<1024x16xf32, #tpu.memory_space<vmem>>, %arg5: memref<1024x16xf32, #tpu.memory_space<vmem>>, %arg6: memref<32x1024xf32, #tpu.memory_space<vmem>>, %arg7: memref<1024x1xf32, #tpu.memory_space<vmem>>, %arg8: memref<1x1x1024xi32, #tpu.memory_space<vmem>>, %arg9: memref<16x128xf32, #tpu.memory_space<vmem>>, %arg10: memref<1x128xf32, #tpu.memory_space<vmem>>, %arg11: memref<128x128xf32, #tpu.memory_space<vmem>>, %arg12: memref<128x128xf32, #tpu.memory_space<vmem>>, %arg13: memref<128x10xf32, #tpu.memory_space<vmem>>, %arg14: memref<1x10xf32, #tpu.memory_space<vmem>>, %arg15: memref<128x10xf32, #tpu.memory_space<vmem>>, %arg16: memref<128x128xf32, #tpu.memory_space<vmem>>, %arg17: memref<128x1xf32, #tpu.memory_space<vmem>>) attributes {dimension_semantics = [#tpu.dimension_semantics<arbitrary>], iteration_bounds = array<i64: 10>, scalar_prefetch = 0 : i64, scratch_operands = 2 : i64, tpu.core_type = #tpu.core_type<tc>, window_params = [{transform_indices = @transform_0, window_bounds = array<i64: 1024, 128>}, {transform_indices = @transform_1, window_bounds = array<i64: 1024, 128>}, {transform_indices = @transform_2, window_bounds = array<i64: 1024, 128>}, {transform_indices = @transform_3, window_bounds = array<i64: 1024, 16>}, {transform_indices = @transform_4, window_bounds = array<i64: 1024, 16>}, {transform_indices = @transform_5, window_bounds = array<i64: 32, 1024>}, {transform_indices = @transform_6, window_bounds = array<i64: 1024, 1>}, {transform_indices = @transform_7, window_bounds = array<i64: 1, 1, 1024>}, {pipeline_mode = #tpu.pipeline_mode<synchronous>, transform_indices = @transform_8, window_bounds = array<i64: 16, 128>}, {pipeline_mode = #tpu.pipeline_mode<synchronous>, transform_indices = @transform_9, window_bounds = array<i64: 1, 128>}, {pipeline_mode = #tpu.pipeline_mode<synchronous>, transform_indices = @transform_10, window_bounds = array<i64: 128, 128>}, {pipeline_mode = #tpu.pipeline_mode<synchronous>, transform_indices = @transform_11, window_bounds = array<i64: 128, 128>}, {pipeline_mode = #tpu.pipeline_mode<synchronous>, transform_indices = @transform_12, window_bounds = array<i64: 128, 10>}, {pipeline_mode = #tpu.pipeline_mode<synchronous>, transform_indices = @transform_13, window_bounds = array<i64: 1, 10>}, {pipeline_mode = #tpu.pipeline_mode<synchronous>, transform_indices = @transform_14, window_bounds = array<i64: 128, 10>}]} {
    %eq3A = arith.constant 0 : i32
    %eq3A_0 = arith.cmpi eq, %arg0, %eq3A : i32
    %convert_element_type3A = arith.extui %eq3A_0 : i1 to i32
    %cond3A = arith.constant 0 : i32
    %cond3A_1 = arith.cmpi ne, %convert_element_type3A, %cond3A : i32
    scf.if %cond3A_1 {
      %broadcast_in_dim3A_82 = arith.constant 0.000000e+00 : f32
      %broadcast_in_dim3A_83 = vector.broadcast %broadcast_in_dim3A_82 : f32 to vector<128x128xf32>
      %swap3A_84 = arith.constant 0 : index
      %swap3A_85 = arith.constant 0 : index
      %swap3A_86 = vector.load %arg16[%swap3A_84, %swap3A_85] : memref<128x128xf32, #tpu.memory_space<vmem>>, vector<128x128xf32>
      tpu.vector_store %arg16[%swap3A_84, %swap3A_85], %broadcast_in_dim3A_83 {strides = array<i32>} : memref<128x128xf32, #tpu.memory_space<vmem>>, vector<128x128xf32>,
      %broadcast_in_dim3A_87 = arith.constant 0.000000e+00 : f32
      %broadcast_in_dim3A_88 = vector.broadcast %broadcast_in_dim3A_87 : f32 to vector<128x1xf32>
      %swap3A_89 = arith.constant 0 : index
      %swap3A_90 = arith.constant 0 : index
      %swap3A_91 = vector.load %arg17[%swap3A_89, %swap3A_90] : memref<128x1xf32, #tpu.memory_space<vmem>>, vector<128x1xf32>
      tpu.vector_store %arg17[%swap3A_89, %swap3A_90], %broadcast_in_dim3A_88 {strides = array<i32>} : memref<128x1xf32, #tpu.memory_space<vmem>>, vector<128x1xf32>,
    } else {
    }
    %get3A = arith.constant 0 : index
    %get3A_2 = arith.constant 0 : index
    %get3A_3 = vector.load %arg2[%get3A, %get3A_2] : memref<1024x128xf32, #tpu.memory_space<vmem>>, vector<1024x128xf32>
    %get3A_4 = arith.constant 0 : index
    %get3A_5 = arith.constant 0 : index
    %get3A_6 = vector.load %arg3[%get3A_4, %get3A_5] : memref<1024x128xf32, #tpu.memory_space<vmem>>, vector<1024x128xf32>
    %add3A = arith.addf %get3A_3, %get3A_6 : vector<1024x128xf32>
    %get3A_7 = arith.constant 0 : index
    %get3A_8 = arith.constant 0 : index
    %get3A_9 = vector.load %arg4[%get3A_7, %get3A_8] : memref<1024x16xf32, #tpu.memory_space<vmem>>, vector<1024x16xf32>
    %get3A_10 = arith.constant 0 : index
    %get3A_11 = arith.constant 0 : index
    %get3A_12 = vector.load %arg5[%get3A_10, %get3A_11] : memref<1024x16xf32, #tpu.memory_space<vmem>>, vector<1024x16xf32>
    %add3A_13 = arith.addf %get3A_9, %get3A_12 : vector<1024x16xf32>
    %get3A_14 = arith.constant 0 : index
    %get3A_15 = arith.constant 0 : index
    %get3A_16 = vector.load %arg9[%get3A_14, %get3A_15] : memref<16x128xf32, #tpu.memory_space<vmem>>, vector<16x128xf32>
    %dot_general3A = arith.constant dense<0.000000e+00> : vector<1024x128xf32>
    %dot_general3A_17 = tpu.matmul %add3A_13, %get3A_16, %dot_general3A {dimension_numbers = #tpu.dot_dimension_numbers<[1], [0], [0], [1], [0, 0, 1, 1], [], []>, precision = #tpu.contract_precision<fp32>, transpose_lhs_hint = false} : vector<1024x16xf32>, vector<16x128xf32>, vector<1024x128xf32> -> vector<1024x128xf32>
    %add3A_18 = arith.addf %add3A, %dot_general3A_17 : vector<1024x128xf32>
    %get3A_19 = arith.constant 0 : index
    %get3A_20 = arith.constant 0 : index
    %get3A_21 = vector.load %arg6[%get3A_19, %get3A_20] : memref<32x1024xf32, #tpu.memory_space<vmem>>, vector<32x1024xf32>
    %broadcast_in_dim3A = arith.constant 1.000000e+00 : f32
    %broadcast_in_dim3A_22 = vector.broadcast %broadcast_in_dim3A : f32 to vector<32x1xf32>
    %dot_general3A_23 = arith.constant dense<0.000000e+00> : vector<1024x1xf32>
    %dot_general3A_24 = tpu.matmul %get3A_21, %broadcast_in_dim3A_22, %dot_general3A_23 {dimension_numbers = #tpu.dot_dimension_numbers<[0], [0], [1], [1], [0, 1, 1, 1], [], []>, transpose_lhs_hint = false} : vector<32x1024xf32>, vector<32x1xf32>, vector<1024x1xf32> -> vector<1024x1xf32>
    %get3A_25 = arith.constant 0 : index
    %get3A_26 = arith.constant 0 : index
    %get3A_27 = vector.load %arg10[%get3A_25, %get3A_26] : memref<1x128xf32, #tpu.memory_space<vmem>>, vector<1x128xf32>
    %mul3A = vector.broadcast %dot_general3A_24 : vector<1024x1xf32> to vector<1024x128xf32>
    %mul3A_28 = vector.broadcast %get3A_27 : vector<1x128xf32> to vector<1024x128xf32>
    %mul3A_29 = arith.mulf %mul3A, %mul3A_28 : vector<1024x128xf32>
    %add3A_30 = arith.addf %add3A_18, %mul3A_29 : vector<1024x128xf32>
    %get3A_31 = arith.constant 0 : index
    %get3A_32 = arith.constant 0 : index
    %get3A_33 = vector.load %arg1[%get3A_31, %get3A_32] : memref<1024x128xf32, #tpu.memory_space<vmem>>, vector<1024x128xf32>
    %get3A_34 = arith.constant 0 : index
    %get3A_35 = arith.constant 0 : index
    %get3A_36 = vector.load %arg11[%get3A_34, %get3A_35] : memref<128x128xf32, #tpu.memory_space<vmem>>, vector<128x128xf32>
    %dot_general3A_37 = arith.constant dense<0.000000e+00> : vector<1024x128xf32>
    %dot_general3A_38 = tpu.matmul %get3A_33, %get3A_36, %dot_general3A_37 {dimension_numbers = #tpu.dot_dimension_numbers<[1], [0], [0], [1], [0, 0, 1, 1], [], []>, precision = #tpu.contract_precision<fp32>, transpose_lhs_hint = false} : vector<1024x128xf32>, vector<128x128xf32>, vector<1024x128xf32> -> vector<1024x128xf32>
    %get3A_39 = arith.constant 0 : index
    %get3A_40 = arith.constant 0 : index
    %get3A_41 = vector.load %arg12[%get3A_39, %get3A_40] : memref<128x128xf32, #tpu.memory_space<vmem>>, vector<128x128xf32>
    %dot_general3A_42 = arith.constant dense<0.000000e+00> : vector<1024x128xf32>
    %dot_general3A_43 = tpu.matmul %add3A_30, %get3A_41, %dot_general3A_42 {dimension_numbers = #tpu.dot_dimension_numbers<[1], [0], [0], [1], [0, 0, 1, 1], [], []>, precision = #tpu.contract_precision<fp32>, transpose_lhs_hint = false} : vector<1024x128xf32>, vector<128x128xf32>, vector<1024x128xf32> -> vector<1024x128xf32>
    %add3A_44 = arith.addf %dot_general3A_38, %dot_general3A_43 : vector<1024x128xf32>
    %get3A_45 = arith.constant 0 : index
    %get3A_46 = arith.constant 0 : index
    %get3A_47 = vector.load %arg7[%get3A_45, %get3A_46] : memref<1024x1xf32, #tpu.memory_space<vmem>>, vector<1024x1xf32>
    %mul3A_48 = vector.broadcast %get3A_47 : vector<1024x1xf32> to vector<1024x128xf32>
    %mul3A_49 = arith.mulf %add3A_44, %mul3A_48 : vector<1024x128xf32>
    %max3A = arith.constant 0.000000e+00 : f32
    %max3A_50 = vector.broadcast %max3A : f32 to vector<1024x128xf32>
    %max3A_51 = arith.maximumf %mul3A_49, %max3A_50 : vector<1024x128xf32>
    %get3A_52 = arith.constant 0 : index
    %get3A_53 = arith.constant 0 : index
    %get3A_54 = arith.constant 0 : index
    %get3A_55 = vector.load %arg8[%get3A_52, %get3A_53, %get3A_54] : memref<1x1x1024xi32, #tpu.memory_space<vmem>>, vector<1x1x1024xi32>
    %reshape3A = vector.shape_cast %get3A_55 : vector<1x1x1024xi32> to vector<1x1024xi32>
    %iota3A = tpu.iota {dimensions = array<i32: 0>} : vector<128x1024xi32>
    %eq3A_56 = vector.broadcast %reshape3A : vector<1x1024xi32> to vector<128x1024xi32>
    %eq3A_57 = arith.cmpi eq, %iota3A, %eq3A_56 : vector<128x1024xi32>
    %convert_element_type3A_58 = arith.extui %eq3A_57 : vector<128x1024xi1> to vector<128x1024xi32>
    %convert_element_type3A_59 = arith.sitofp %convert_element_type3A_58 : vector<128x1024xi32> to vector<128x1024xf32>
    %get3A_60 = arith.constant 0 : index
    %get3A_61 = arith.constant 0 : index
    %get3A_62 = vector.load %arg16[%get3A_60, %get3A_61] : memref<128x128xf32, #tpu.memory_space<vmem>>, vector<128x128xf32>
    %dot_general3A_63 = arith.constant dense<0.000000e+00> : vector<128x128xf32>
    %dot_general3A_64 = tpu.matmul %convert_element_type3A_59, %max3A_51, %dot_general3A_63 {dimension_numbers = #tpu.dot_dimension_numbers<[1], [0], [0], [1], [0, 0, 1, 1], [], []>, precision = #tpu.contract_precision<fp32>, transpose_lhs_hint = false} : vector<128x1024xf32>, vector<1024x128xf32>, vector<128x128xf32> -> vector<128x128xf32>
    %add3A_65 = arith.addf %get3A_62, %dot_general3A_64 : vector<128x128xf32>
    %swap3A = arith.constant 0 : index
    %swap3A_66 = arith.constant 0 : index
    %swap3A_67 = vector.load %arg16[%swap3A, %swap3A_66] : memref<128x128xf32, #tpu.memory_space<vmem>>, vector<128x128xf32>
    tpu.vector_store %arg16[%swap3A, %swap3A_66], %add3A_65 {strides = array<i32>} : memref<128x128xf32, #tpu.memory_space<vmem>>, vector<128x128xf32>,
    %get3A_68 = arith.constant 0 : index
    %get3A_69 = arith.constant 0 : index
    %get3A_70 = vector.load %arg17[%get3A_68, %get3A_69] : memref<128x1xf32, #tpu.memory_space<vmem>>, vector<128x1xf32>
    %reduce_sum3A = arith.constant dense<0.000000e+00> : vector<128xf32>
    %reduce_sum3A_71 = vector.multi_reduction <add>, %convert_element_type3A_59, %reduce_sum3A [1] : vector<128x1024xf32> to vector<128xf32>
    %broadcast_in_dim3A_72 = vector.shape_cast %reduce_sum3A_71 : vector<128xf32> to vector<128x1xf32>
    %add3A_73 = arith.addf %get3A_70, %broadcast_in_dim3A_72 : vector<128x1xf32>
    %swap3A_74 = arith.constant 0 : index
    %swap3A_75 = arith.constant 0 : index
    %swap3A_76 = vector.load %arg17[%swap3A_74, %swap3A_75] : memref<128x1xf32, #tpu.memory_space<vmem>>, vector<128x1xf32>
    tpu.vector_store %arg17[%swap3A_74, %swap3A_75], %add3A_73 {strides = array<i32>} : memref<128x1xf32, #tpu.memory_space<vmem>>, vector<128x1xf32>,
    %eq3A_77 = arith.constant 9 : i32
    %eq3A_78 = arith.cmpi eq, %arg0, %eq3A_77 : i32
    %convert_element_type3A_79 = arith.extui %eq3A_78 : i1 to i32
    %cond3A_80 = arith.constant 0 : i32
    %cond3A_81 = arith.cmpi ne, %convert_element_type3A_79, %cond3A_80 : i32
    scf.if %cond3A_81 {
      %get3A_82 = arith.constant 0 : index
      %get3A_83 = arith.constant 0 : index
      %get3A_84 = vector.load %arg16[%get3A_82, %get3A_83] : memref<128x128xf32, #tpu.memory_space<vmem>>, vector<128x128xf32>
      %get3A_85 = arith.constant 0 : index
      %get3A_86 = arith.constant 0 : index
      %get3A_87 = vector.load %arg17[%get3A_85, %get3A_86] : memref<128x1xf32, #tpu.memory_space<vmem>>, vector<128x1xf32>
      %max3A_88 = arith.constant 1.000000e+00 : f32
      %max3A_89 = vector.broadcast %max3A_88 : f32 to vector<128x1xf32>
      %max3A_90 = arith.maximumf %get3A_87, %max3A_89 : vector<128x1xf32>
      %div3A = vector.broadcast %max3A_90 : vector<128x1xf32> to vector<128x128xf32>
      %div3A_91 = arith.divf %get3A_84, %div3A : vector<128x128xf32>
      %get3A_92 = arith.constant 0 : index
      %get3A_93 = arith.constant 0 : index
      %get3A_94 = vector.load %arg13[%get3A_92, %get3A_93] : memref<128x10xf32, #tpu.memory_space<vmem>>, vector<128x10xf32>
      %dot_general3A_95 = arith.constant dense<0.000000e+00> : vector<128x10xf32>
      %dot_general3A_96 = tpu.matmul %div3A_91, %get3A_94, %dot_general3A_95 {dimension_numbers = #tpu.dot_dimension_numbers<[1], [0], [0], [1], [0, 0, 1, 1], [], []>, precision = #tpu.contract_precision<fp32>, transpose_lhs_hint = false} : vector<128x128xf32>, vector<128x10xf32>, vector<128x10xf32> -> vector<128x10xf32>
      %get3A_97 = arith.constant 0 : index
      %get3A_98 = arith.constant 0 : index
      %get3A_99 = vector.load %arg14[%get3A_97, %get3A_98] : memref<1x10xf32, #tpu.memory_space<vmem>>, vector<1x10xf32>
      %add3A_100 = vector.broadcast %get3A_99 : vector<1x10xf32> to vector<128x10xf32>
      %add3A_101 = arith.addf %dot_general3A_96, %add3A_100 : vector<128x10xf32>
      %swap3A_102 = arith.constant 0 : index
      %swap3A_103 = arith.constant 0 : index
      %swap3A_104 = vector.load %arg15[%swap3A_102, %swap3A_103] : memref<128x10xf32, #tpu.memory_space<vmem>>, vector<128x10xf32>
      tpu.vector_store %arg15[%swap3A_102, %swap3A_103], %add3A_101 {strides = array<i32>} : memref<128x10xf32, #tpu.memory_space<vmem>>, vector<128x10xf32>,
    } else {
    }
    return
  }
  func.func @transform_0(%arg0: i32) -> (i32, i32) {
    %c0_i32 = arith.constant 0 : i32
    %c0_i32_0 = arith.constant 0 : i32
    return %arg0, %c0_i32 : i32, i32
  }
  func.func @transform_1(%arg0: i32) -> (i32, i32) {
    %c0_i32 = arith.constant 0 : i32
    %c0_i32_0 = arith.constant 0 : i32
    return %arg0, %c0_i32 : i32, i32
  }
  func.func @transform_2(%arg0: i32) -> (i32, i32) {
    %add3A = arith.constant 10 : i32
    %add3A_0 = arith.addi %arg0, %add3A : i32
    %c0_i32 = arith.constant 0 : i32
    %c0_i32_1 = arith.constant 0 : i32
    return %add3A_0, %c0_i32 : i32, i32
  }
  func.func @transform_3(%arg0: i32) -> (i32, i32) {
    %c0_i32 = arith.constant 0 : i32
    %c0_i32_0 = arith.constant 0 : i32
    return %arg0, %c0_i32 : i32, i32
  }
  func.func @transform_4(%arg0: i32) -> (i32, i32) {
    %add3A = arith.constant 10 : i32
    %add3A_0 = arith.addi %arg0, %add3A : i32
    %c0_i32 = arith.constant 0 : i32
    %c0_i32_1 = arith.constant 0 : i32
    return %add3A_0, %c0_i32 : i32, i32
  }
  func.func @transform_5(%arg0: i32) -> (i32, i32) {
    %c0_i32 = arith.constant 0 : i32
    %c0_i32_0 = arith.constant 0 : i32
    return %c0_i32, %arg0 : i32, i32
  }
  func.func @transform_6(%arg0: i32) -> (i32, i32) {
    %c0_i32 = arith.constant 0 : i32
    %c0_i32_0 = arith.constant 0 : i32
    return %arg0, %c0_i32 : i32, i32
  }
  func.func @transform_7(%arg0: i32) -> (i32, i32, i32) {
    %c0_i32 = arith.constant 0 : i32
    %c0_i32_0 = arith.constant 0 : i32
    %c0_i32_1 = arith.constant 0 : i32
    return %arg0, %c0_i32, %c0_i32_0 : i32, i32, i32
  }
  func.func @transform_8(%arg0: i32) -> (i32, i32) {
    %c0_i32 = arith.constant 0 : i32
    %c0_i32_0 = arith.constant 0 : i32
    %c0_i32_1 = arith.constant 0 : i32
    return %c0_i32, %c0_i32_0 : i32, i32
  }
  func.func @transform_9(%arg0: i32) -> (i32, i32) {
    %c0_i32 = arith.constant 0 : i32
    %c0_i32_0 = arith.constant 0 : i32
    %c0_i32_1 = arith.constant 0 : i32
    return %c0_i32, %c0_i32_0 : i32, i32
  }
  func.func @transform_10(%arg0: i32) -> (i32, i32) {
    %c0_i32 = arith.constant 0 : i32
    %c0_i32_0 = arith.constant 0 : i32
    %c0_i32_1 = arith.constant 0 : i32
    return %c0_i32, %c0_i32_0 : i32, i32
  }
  func.func @transform_11(%arg0: i32) -> (i32, i32) {
    %c0_i32 = arith.constant 0 : i32
    %c0_i32_0 = arith.constant 0 : i32
    %c0_i32_1 = arith.constant 0 : i32
    return %c0_i32, %c0_i32_0 : i32, i32
  }
  func.func @transform_12(%arg0: i32) -> (i32, i32) {
    %c0_i32 = arith.constant 0 : i32
    %c0_i32_0 = arith.constant 0 : i32
    %c0_i32_1 = arith.constant 0 : i32
    return %c0_i32, %c0_i32_0 : i32, i32
  }
  func.func @transform_13(%arg0: i32) -> (i32, i32) {
    %c0_i32 = arith.constant 0 : i32
    %c0_i32_0 = arith.constant 0 : i32
    %c0_i32_1 = arith.constant 0 : i32
    return %c0_i32, %c0_i32_0 : i32, i32
  }
  func.func @transform_14(%arg0: i32) -> (i32, i32) {
    %c0_i32 = arith.constant 0 : i32
    %c0_i32_0 = arith.constant 0 : i32
    %c0_i32_1 = arith.constant 0 : i32
    return %c0_i32, %c0_i32_0 : i32, i32
  }
}

</mosaic_0001>

<sc_bundles>
// kernel: kernel.4.cloned.1.call-start
scs
__scs_entry_jumppad:
0x0: {  	(pc) =	sbr.rel $0x88, $3  }
0x1: {  	(tag) =	ssettag $0x0;
	lr =	simm.s32 $0x1  }
0x2: {  	[smem:$0x3F95] =	sst lr;
	_ =	strace $0xD0000000  }
0x3: {  	_ = 	snop  }
0x4: {  	_ = 	snop  }
0x5: {  	_ = 	snop  }
0x6: {  	_ = 	snop  }
0x7: {  	_ = 	snop  }
__scs_overlays_trampoline_lowered:
0x8: {  	[smem:$0x3FA4] =	sst s0  }
0x9: {  	[smem:$0x3FA5] =	sst s1  }
0xa: {  	[smem:$0x3FA6] =	sst s2  }
0xb: {  	[smem:$0x3FA7] =	sst s3  }
0xc: {  	[smem:$0x3FA8] =	sst s4  }
0xd: {  	[smem:$0x3FA9] =	sst s5  }
0xe: {  	[smem:$0x3FAA] =	sst s6  }
0xf: {  	[smem:$0x3FAB] =	sst s7  }
0x10: {  	[smem:$0x3FAC] =	sst s8  }
0x11: {  	[smem:$0x3FAD] =	sst s9;
	s0 =	simm.s32 @!p0 $0x0  }
0x12: {  	s1 =	sld [smem:$0x3F93];
	s0 =	simm.s32 @p0 $0x1  }
0x13: {  	[smem:$0x3FAE] =	sst s0;
	s0 =	simm.s32 @!p1 $0x0  }
0x14: {  	s2 =	sld [smem:$0x3F92];
	s0 =	simm.s32 @p1 $0x1  }
0x15: {  	[smem:$0x3FAF] =	sst s0;
	s0 =	simm.s32 @!p2 $0x0  }
0x16: {  	s3 =	sld [smem:$0x3FDB];
	s0 =	simm.s32 @p2 $0x1  }
0x17: {  	s4 =	simm.s32 $0x1BF5;
	[smem:$0x3FB1] =	sst s0  }
0x18: {  	s0 =	sld [smem:$0x3F94];
	_ =	swait.ge [sflag:s4], $0x0  }
0x19: {  	s7 =	sld [smem:$0x3F95]  }
0x1a: {  	s8 =	sadd.s32 $0xFFFFE003, lr  }
0x1b: {  	s9 =	sadd.s32 $0xFFFFFEF7, lr;
	s5 =	simm.s32 $0xFFFFFFFF;
	p2 =	slt.u32 s8, $0xFFFFF086  }
0x1c: {  	p1 =	slt.u32 s9, $0xF7A;
	s5 =	simm.s32 @!p2 $0x0  }
0x1d: {  	s5 =	simm.s32 @p1 $0x1;
	p0 =	seq.s32 s7, s2  }
0x1e: {  	s7 =	smul.u32 @!p0 $0xF7A, s2;
	p2 =	seq.s32 @!p0 s5, $0x0  }
0x1f: {  	s9 =	smul.u32 $0xF7A, s1;
	s8 =	simm.s32 @!p0 $0x1BF5;
	p2 =	por !p2, p0  }
0x20: {  	[sflag:s8] =	ssyncset.s32 @!p0 $0xFFFFF086;
	s6 =	sadd.s32 @!p0 s3, s7;
	s7 =	simm.s32 @!p0 $0x108  }
0x21: {  	s3 =	sadd.s32 s3, s9;
	s6 =	sadd.s32 @!p0 $0x88, s6;
	s7 =	simm.s32 @p2 $0x1082  }
0x22: {  	[simem:s7], [sflag:s8] =	dma.local @!p0 [hbm:s6], $0xF7A  }
0x23: {  	s9 =	sor.u32 $0xD0000000, s2;
	s6 =	simm.s32 $0x108;
	_ =	swait.ge @!p0 [sflag:s8], $0x0  }
0x24: {  	s3 =	sadd.s32 $0x88, s3;
	s6 =	simm.s32 @!p1 $0x1082;
	[sflag:s4] =	ssyncset.s32 $0xFFFFF086  }
0x25: {  	[simem:s6], [sflag:s4] =	dma.local [hbm:s3], $0xF7A  }
0x26: {  	[smem:$0x3F95] =	sst s1;
	(tag) =	ssettag s2;
	_ =	strace s9  }
0x27: {  	s1 =	sld [smem:$0x3FA5]  }
0x28: {  	s2 =	sld [smem:$0x3FA6]  }
0x29: {  	s4 =	sld [smem:$0x3FA8]  }
0x2a: {  	p0 =	seq.s32 s5, $0x0;
	s5 =	sld [smem:$0x3FA9]  }
0x2b: {  	s6 =	sld [smem:$0x3FAA]  }
0x2c: {  	s7 =	sld [smem:$0x3FAB]  }
0x2d: {  	s3 =	simm.s32 $0x108;
	s8 =	sld [smem:$0x3FAC]  }
0x2e: {  	s3 =	simm.s32 @!p0 $0x1082;
	s9 =	sld [smem:$0x3FAD]  }
0x2f: {  	lr =	sadd.s32 s0, s3;
	s0 =	sld [smem:$0x3FA4]  }
0x30: {  	s3 =	sld [smem:$0x3FA7]  }
0x31: {  	[smem:$0x3FB0] =	sst s10  }
0x32: {  	s10 =	sld [smem:$0x3FAE];
	_ =	sdelay $0x3  }
0x33: {  	p0 =	seq.s32 s10, $0x1;
	s10 =	sld [smem:$0x3FB0];
	_ =	sdelay $0x3  }
0x34: {  	[smem:$0x3FB0] =	sst s10  }
0x35: {  	s10 =	sld [smem:$0x3FAF];
	_ =	sdelay $0x3  }
0x36: {  	p1 =	seq.s32 s10, $0x1;
	s10 =	sld [smem:$0x3FB0];
	_ =	sdelay $0x3  }
0x37: {  	[smem:$0x3FB0] =	sst s10  }
0x38: {  	s10 =	sld [smem:$0x3FB1]  }
0x39: {  	_ = 	snop;
	(pc) =	sbr.ind lr, $3  }
0x3a: {  	_ = 	snop  }
0x3b: {  	_ = 	snop  }
0x3c: {  	p2 =	seq.s32 s10, $0x1;
	s10 =	sld [smem:$0x3FB0]  }
0x3d: {  	_ =	shalt  }
0x3e: {  	_ =	shalt  }
0x3f: {  	_ =	shalt  }
0x40: {  	_ =	shalt  }
0x41: {  	_ =	shalt  }
0x42: {  	_ =	shalt  }
0x43: {  	_ =	shalt  }
0x44: {  	_ =	shalt  }
0x45: {  	_ =	shalt  }
0x46: {  	_ =	shalt  }
0x47: {  	_ =	shalt  }
0x48: {  	_ =	shalt  }
0x49: {  	_ =	shalt  }
0x4a: {  	_ =	shalt  }
0x4b: {  	_ =	shalt  }
0x4c: {  	_ =	shalt  }
0x4d: {  	_ =	shalt  }
0x4e: {  	_ =	shalt  }
0x4f: {  	_ =	shalt  }
0x50: {  	_ =	shalt  }
0x51: {  	_ =	shalt  }
0x52: {  	_ =	shalt  }
0x53: {  	_ =	shalt  }
0x54: {  	_ =	shalt  }
0x55: {  	_ =	shalt  }
0x56: {  	_ =	shalt  }
0x57: {  	_ =	shalt  }
0x58: {  	_ =	shalt  }
0x59: {  	_ =	shalt  }
0x5a: {  	_ =	shalt  }
0x5b: {  	_ =	shalt  }
0x5c: {  	_ =	shalt  }
0x5d: {  	_ =	shalt  }
0x5e: {  	_ =	shalt  }
0x5f: {  	_ =	shalt  }
0x60: {  	_ =	shalt  }
0x61: {  	_ =	shalt  }
0x62: {  	_ =	shalt  }
0x63: {  	_ =	shalt  }
0x64: {  	_ =	shalt  }
0x65: {  	_ =	shalt  }
0x66: {  	_ =	shalt  }
0x67: {  	_ =	shalt  }
0x68: {  	_ =	shalt  }
0x69: {  	_ =	shalt  }
0x6a: {  	_ =	shalt  }
0x6b: {  	_ =	shalt  }
0x6c: {  	_ =	shalt  }
0x6d: {  	_ =	shalt  }
0x6e: {  	_ =	shalt  }
0x6f: {  	_ =	shalt  }
0x70: {  	_ =	shalt  }
0x71: {  	_ =	shalt  }
0x72: {  	_ =	shalt  }
0x73: {  	_ =	shalt  }
0x74: {  	_ =	shalt  }
0x75: {  	_ =	shalt  }
0x76: {  	_ =	shalt  }
0x77: {  	_ =	shalt  }
0x78: {  	_ =	shalt  }
0x79: {  	_ =	shalt  }
0x7a: {  	_ =	shalt  }
0x7b: {  	_ =	shalt  }
0x7c: {  	_ =	shalt  }
0x7d: {  	_ =	shalt  }
0x7e: {  	_ =	shalt  }
0x7f: {  	_ =	shalt  }
0x80: {  	_ =	shalt  }
0x81: {  	_ =	shalt  }
0x82: {  	_ =	shalt  }
0x83: {  	_ =	shalt  }
0x84: {  	_ =	shalt  }
0x85: {  	_ =	shalt  }
0x86: {  	_ =	shalt  }
0x87: {  	_ =	shalt  }
.Lfunc_end0:
.L_simem_size_0:
called_computation_lowered:
.L_overlay_start_0:
0x88: {  	s2 =	sld [smem:$0x3FD9]  }
0x89: {  	s3 =	sld [smem:$0x3FFE];
	_ =	sdelay $0x1  }
0x8a: {  	s1 =	srdreg.scid  }
0x8b: {  	s0 =	sand.u32 $0x1, s1  }
0x8c: {  	s17 =	sshll.u32 s0, $0xA;
	s2 =	sadd.s32 s3, s2  }
0x8d: {  	s2 =	sadd.s32 s2, s17  }
0x8e: {  	[smem:$0x3FBC] =	sst s2  }
0x8f: {  	_ = 	snop  }
0x90: {  	s2 =	sld [smem:$0x3FC9];
	(tm) =	ssettm $0x1  }
0x91: {  	s18 =	sld [smem:$0x3FFB];
	_ =	sdelay $0x3  }
0x92: {  	_ =	strace s18  }
0x93: {  	s3 =	sld [smem:$0x3FFC];
	_ =	sdelay $0x3  }
0x94: {  	_ =	strace s3  }
0x95: {  	s3 =	sld [smem:$0x3FFD];
	_ =	sdelay $0x3  }
0x96: {  	_ =	strace s3  }
0x97: {  	_ =	strace $0x8FFFFFFF  }
0x98: {  	s19 =	sld [smem:$0x3FDB];
	_ =	sdelay $0x1  }
0x99: {  	s4 =	simm.s32 $_scs_section_size  }
0x9a: {  	s5 =	simm.s32 $_size__tile_overlayer_lowered;
	s6 =	simm.s32 $_tile_overlayer_lowered  }
0x9b: {  	s22 =	simm.s32 $0x1BFF;
	s21 =	sshll.u32 s6, $0x1;
	s3 =	sadd.s32 s4, s19  }
0x9c: {  	s7 =	simm.s32 $0x0;
	s20 =	sshll.u32 s5, $0x1;
	s5 =	sadd.s32 s21, s3  }
0x9d: {  	[timem:s7], [sflag:s22] =	dma.local [hbm:s5], s20  }
0x9e: {  	_ =	swait.ge [sflag:s22], s20  }
0x9f: {  	s4 =	ssub.s32 $0x0, s20;
	[sflag:s22] =	ssyncset.done $0x0  }
0xa0: {  	[sflag:s22] =	ssyncadd.s32 s4;
	_ =	sdelay $0x1  }
0xa1: {  	s23 =	simm.s32 $0x1B8B  }
0xa2: {  	_ =	swait.ge [sflag:s23], $0x1  }
0xa3: {  	[sflag:s23] =	ssyncset.done $0x0  }
0xa4: {  	s25 =	simm.s32 $0x1B8E;
	s24 =	sld [smem:$0x3FFE];
	[sflag:s23] =	ssyncadd.s32 $0xFFFFFFFF  }
0xa5: {  	s26 =	simm.s32 $execute0_lowered;
	[smem:$0x3FD2] =	sst s25  }
0xa6: {  	s5 =	sshll.u32 s26, $0x1;
	_ =	strace $0x80000046;
	[dreg:$0x1] =	wrdreg $0xFFFFFFFF  }
0xa7: {  	s28 =	simm.s32 $_size_execute0_lowered;
	s3 =	sadd.s32 s3, s5;
	[dreg:$0x0] =	wrdreg $0x0  }
0xa8: {  	s5 =	sshll.u32 s28, $0x1;
	[dreg:$0x2] =	wrdreg s3  }
0xa9: {  	[dreg:$0x3] =	wrdreg s5  }
0xaa: {  	[dreg:$0x4] =	wrdreg $0xC0  }
0xab: {  	_ =	task [dreg:s7], $0x5FFFF  }
0xac: {  	[dreg:$0x1] =	wrdreg $0xFFFFFFFF  }
0xad: {  	[dreg:$0x0] =	wrdreg $0x60  }
0xae: {  	[dreg:$0x2] =	wrdreg s2  }
0xaf: {  	[dreg:$0x3] =	wrdreg s24  }
0xb0: {  	[dreg:$0x4] =	wrdreg $0x0  }
0xb1: {  	[dreg:$0x5] =	wrdreg $0x140000  }
0xb2: {  	[dreg:$0x6] =	wrdreg $0x9  }
0xb3: {  	_ =	task.clear_ibuf [dreg:s7], $0x7FFFF;
	_ =	strace $0x90000046  }
0xb4: {  	s29 =	simm.s32 $0x9;
	_ =	strace $0x80000048  }
0xb5: {  	_ =	swait.ge [sflag:s29], $0x1  }
0xb6: {  	[sflag:s29] =	ssyncadd.s32 $0xFFFFFFFF  }
0xb7: {  	_ =	strace $0x90000048  }
0xb8: {  	_ =	sfence  }
0xb9: {  	s30 =	sld [smem:$0x0];
	_ =	sdelay $0x2  }
0xba: {  	s31 =	sshll.u32 s1, $0xD;
	s1 =	sshrl.u32 s1, $0x2  }
0xbb: {  	s3 =	sand.u32 $0x4000, s31;
	s1 =	sadd.s32 s1, s30  }
0xbc: {  	s0 =	sor.u32 s3, s0;
	s1 =	sshll.u32 s1, $0x11  }
0xbd: {  	s0 =	sor.u32 s1, s0  }
0xbe: {  	s0 =	sadd.s32 $0x8F2B, s0  }
0xbf: {  	[sflag:s0] =	ssyncadd.remote.s32 $0x1  }
0xc0: {  	_ =	sfence.sel $0xFFFF  }
0xc1: {  	[dreg:$0x0] =	wrdreg $0xFFFFFFFF;
	(pc) =	sbr.abs _section_cstart, $3  }
0xc2: {  	[dreg:$0x1] =	wrdreg $0xFFFFFFFF  }
0xc3: {  	_ =	task.clear_ibuf [dreg:s7], $0x2FFFF;
	_ =	strace $0x9FFFFFFF  }
0xc4: {  	(tm) =	ssettm $0x7FFFFFFF  }
0xc5: {  	_ =	shalt  }
tec
execute0_lowered:
.L_overlay_start_1:
0x0: {  	(tag) =	ssettag $0x1  }
0x1: {  	s0 =	rddreg [dreg:$0x0]  }
0x2: {  	s1 =	rddreg [dreg:$0x1]  }
0x3: {  	s3 =	rddreg [dreg:$0x2];
	s17 =	stileid.u32  }
0x4: {  	s2 =	srdreg.scid;
	s7 =	smul.u32 $0x2710, s17  }
0x5: {  	s4 =	rddreg [dreg:$0x3];
	s11 =	smul.u32 $0x50000, s17  }
0x6: {  	s5 =	simm.s32 $0x0;
	s2 =	sand.u32 $0x1, s2;
	s15 =	smul.u32 $0x280, s17  }
0x7: {  	[smem:$0x7FF] =	sst s5;
	s10 =	sadd.s32 $0x2C200, s1;
	s30 =	smul.u32 $0xA000, s17  }
0x8: {  	s12 =	sadd.s32 $0x18200, s1;
	s6 =	smul.u32 $0x27100, s2;
	_ =	strace $0x80000047  }
0x9: {  	s25 =	sshll.u32 s2, $0x4;
	s9 =	smul.u32 $0x4E200, s2;
	s13 =	ssub.s32 $0x2, s2  }
0xa: {  	s2 =	smul.u32 $0x2800, s2;
	s14 =	sshrl.u32 s13, $0x1;
	s11 =	sshrl.u32 s11, $0x2  }
0xb: {  	s26 =	sadd.s32 $0x140, s15;
	s6 =	sadd.s32 s7, s6;
	s7 =	sor.u32 s17, s25  }
0xc: {  	s9 =	sadd.s32 s9, s1;
	s13 =	ssub.s32 s13, s14;
	s14 =	sshrl.u32 s30, $0x2  }
0xd: {  	s2 =	sadd.s32 s15, s2;
	s25 =	smul.u32 $0x4E20, s17;
	s8 =	sshrl.u32 s6, $0x3  }
0xe: {  	s6 =	sadd.s32 $0x15A00, s1;
	s7 =	smul.u32 $0x2800, s7;
	s19 =	sadd.s32 s14, s4  }
0xf: {  	s20 =	sshll.u32 s2, $0x4;
	s21 =	sadd.s32 $0x140, s2;
	s2 =	sshll.u32 s2, $0x1  }
0x10: {  	s8 =	sadd.s32 s8, s1;
	s2 =	sadd.s32 s12, s2;
	s15 =	sadd.s32 $0xA00, s19  }
0x11: {  	s17 =	sadd.s32 $0x1E00, s19;
	s7 =	sshrl.u32 s7, $0x3;
	[dreg:$0xc] =	wrdreg s2  }
0x12: {  	[dreg:$0x19] =	wrdreg s15;
	s1 =	sadd.s32 s7, s1;
	s7 =	sadd.s32 s11, s3  }
0x13: {  	[dreg:$0x1a] =	wrdreg s17;
	s11 =	sadd.s32 $0x2000, s7  }
0x14: {  	s16 =	sadd.s32 $0x4000, s7;
	[dreg:$0x5] =	wrdreg s11  }
0x15: {  	s18 =	sadd.s32 $0x6000, s7;
	[dreg:$0x6] =	wrdreg s16  }
0x16: {  	s31 =	sshll.u32 s26, $0x7;
	s30 =	sadd.s32 $0x22200, s1;
	[dreg:$0x7] =	wrdreg s18  }
0x17: {  	s22 =	sshll.u32 s21, $0x4;
	s1 =	sadd.s32 $0x226E2, s1;
	[dreg:$0x10] =	wrdreg s30  }
0x18: {  	s23 =	sshrl.u32 s20, $0x3;
	s14 =	sadd.s32 $0x12000, s7;
	[dreg:$0x11] =	wrdreg s1  }
0x19: {  	s2 =	sadd.s32 s12, s23;
	s16 =	sadd.s32 s31, s3;
	[dreg:$0x18] =	wrdreg s14  }
0x1a: {  	s18 =	sadd.s32 s10, s20;
	s10 =	sadd.s32 s10, s22;
	[dreg:$0x8] =	wrdreg s16  }
0x1b: {  	s11 =	sshll.u32 s26, $0x4;
	s26 =	sadd.s32 $0x140, s2;
	[dreg:$0xb] =	wrdreg s10  }
0x1c: {  	s28 =	simm.s32 $0x7;
	s2 =	sadd.s32 $0x3C0, s2;
	[dreg:$0xd] =	wrdreg s26  }
0x1d: {  	s31 =	sadd.s32 s25, s9;
	s9 =	smax.u32 s13, $0x1;
	[dreg:$0xf] =	wrdreg s2  }
0x1e: {  	s29 =	simm.s32 $0x0;
	s13 =	sadd.s32 $0x10000, s7;
	[dreg:$0x12] =	wrdreg s9  }
0x1f: {  	s24 =	sshll.u32 s21, $0x1;
	s15 =	simm.s32 $0x8;
	[dreg:$0x17] =	wrdreg s13  }
0x20: {  	v0 =	vlaneseq.u32;
	s17 =	simm.s32 $0x16800;
	s11 =	sadd.s32 s11, s4;
	[dreg:$0xa] =	wrdreg s18  }
0x21: {  	v0 =	vmul.u32 $0x8, v0;
	s25 =	sadd.s32 $0xBC00, s8;
	s10 =	sadd.s32 s12, s24;
	[dreg:$0x9] =	wrdreg s11  }
0x22: {  	v1 =	vimm.f32 $0.0e+00;
	s14 =	simm.s32 $0x195A0;
	s1 =	sadd.s32 $0x4F7A00, s31;
	[dreg:$0xe] =	wrdreg s10  }
0x23: {  	v2 =	vor.u32 $0x1, v0;
	v3 =	vor.u32 $0x2, v0;
	v4 =	vor.u32 $0x3, v0;
	s24 =	sadd.s32 $0x1E00, s8;
	s12 =	sadd.s32 $0xE000, s7;
	[dreg:$0x13] =	wrdreg s1  }
0x24: {  	v5 =	vor.u32 $0x4, v0;
	v6 =	vor.u32 $0x5, v0;
	v7 =	vor.u32 $0x6, v0;
	s2 =	smov.u32 s19;
	s19 =	sadd.s32 $0x400, s18;
	[dreg:$0x16] =	wrdreg s12  }
0x25: {  	v8 =	vor.u32 $0x7, v0;
	v9 =	vor.u32 $0x80, v0;
	v10 =	vor.u32 $0x81, v0;
	s20 =	sadd.s32 $0x800, s18;
	s21 =	sadd.s32 $0xC00, s18;
	[dreg:$0x1b] =	wrdreg s19  }
0x26: {  	v11 =	vor.u32 $0x82, v0;
	v12 =	vor.u32 $0x83, v0;
	v13 =	vor.u32 $0x84, v0;
	s22 =	sadd.s32 $0x1000, s18;
	s23 =	sadd.s32 $0x1800, s18;
	[dreg:$0x1c] =	wrdreg s20  }
0x27: {  	v14 =	vor.u32 $0x85, v0;
	v15 =	vor.u32 $0x86, v0;
	v16 =	vor.u32 $0x87, v0;
	s26 =	sadd.s32 $0x1C00, s18;
	s30 =	sadd.s32 $0x2000, s18;
	[dreg:$0x1d] =	wrdreg s21  }
0x28: {  	v17 =	vor.u32 $0x100, v0;
	v18 =	vor.u32 $0x101, v0;
	v19 =	vor.u32 $0x102, v0;
	s31 =	sadd.s32 $0x2400, s18;
	s16 =	simm.s32 $0x1E2A0;
	[dreg:$0x1e] =	wrdreg s22  }
0x29: {  	v20 =	vor.u32 $0x103, v0;
	v21 =	vor.u32 $0x104, v0;
	v22 =	vor.u32 $0x105, v0;
	s18 =	simm.s32 $0x16850;
	s8 =	simm.s32 $0x5;
	[dreg:$0x1f] =	wrdreg s23  }
0x2a: {  	v23 =	vor.u32 $0x106, v0;
	v24 =	vor.u32 $0x107, v0;
	v25 =	vor.u32 $0x180, v0;
	s9 =	simm.s32 $0x19820;
	s13 =	simm.s32 $0x2;
	[smem:$0x7FB] =	sst s26  }
0x2b: {  	v26 =	vor.u32 $0x181, v0;
	v27 =	vor.u32 $0x182, v0;
	v28 =	vor.u32 $0x183, v0;
	s10 =	sadd.s32 $0x8000, s7;
	s11 =	sadd.s32 $0xC000, s7;
	[smem:$0x7FC] =	sst s30  }
0x2c: {  	v29 =	vor.u32 $0x184, v0;
	v30 =	vor.u32 $0x185, v0;
	v31 =	vor.u32 $0x186, v0;
	[smem:$0x7FD] =	sst s31;
	s23 =	simm.s32 $0x1C2A0;
	s19 =	simm.s32 $0x190A0  }
0x2d: {  	v32 =	vor.u32 $0x187, v0;
	v33 =	vor.u32 $0x200, v0;
	v34 =	vor.u32 $0x201, v0;
	s20 =	simm.s32 $0x4;
	s21 =	simm.s32 $0x50;
	s22 =	simm.s32 $0x168A0  }
0x2e: {  	v35 =	vor.u32 $0x202, v0;
	v36 =	vor.u32 $0x203, v0;
	v37 =	vor.u32 $0x204, v0;
	s12 =	simm.s32 $0x3;
	s26 =	simm.s32 $0x19AA0;
	[dreg:$0x14] =	wrdreg s10  }
0x2f: {  	v38 =	vor.u32 $0x205, v0;
	v39 =	vor.u32 $0x206, v0;
	v40 =	vor.u32 $0x207, v0;
	[dreg:$0x15] =	wrdreg s11;
	s10 =	simm.s32 $0x6;
	s11 =	simm.s32 $0x1  }
.LBB2_1:
0x30: {  	s30 =	simm.s32 $0x0;
	s31 =	simm.s32 $0x200  }
.LBB2_2:
0x31: {  	p0 =	sne.s32 s31, $0x7E00;
	[tilespmem:s30+$0x1C310] =	vst v1  }
0x32: {  	[tilespmem:s30+$0x1C2A0] =	vst v1  }
0x33: {  	[tilespmem:s30+$0x1C2B0] =	vst v1  }
.Ltmp0:
0x34: {  	[tilespmem:s30+$0x1C2C0] =	vst v1;
	(pc) =	sbr.rel @p0 .LBB2_2-.Ltmp0, $4  }
0x35: {  	[tilespmem:s30+$0x1C2D0] =	vst v1  }
0x36: {  	[tilespmem:s30+$0x1C2E0] =	vst v1  }
0x37: {  	[tilespmem:s30+$0x1C2F0] =	vst v1  }
0x38: {  	[tilespmem:s30+$0x1C300] =	vst v1;
	s30 =	sshra.s32 s31, $0x2;
	s31 =	sadd.s32 $0x200, s31  }
0x39: {  	[tilespmem:s30+$0x1C310] =	vst v1  }
0x3a: {  	[tilespmem:s30+$0x1C2A0] =	vst v1  }
0x3b: {  	[tilespmem:s30+$0x1C2B0] =	vst v1  }
0x3c: {  	[tilespmem:s30+$0x1C2C0] =	vst v1  }
0x3d: {  	[tilespmem:s30+$0x1C2D0] =	vst v1  }
0x3e: {  	[tilespmem:s30+$0x1C2E0] =	vst v1  }
0x3f: {  	[tilespmem:s30+$0x1C2F0] =	vst v1  }
0x40: {  	[tilespmem:s30+$0x1C300] =	vst v1;
	s30 =	simm.s32 $0x40;
	s31 =	simm.s32 $0x0  }
.LBB2_4:
0x41: {  	p0 =	sne.s32 s30, $0x27C0;
	[tilespmem:s31+$0x1E2A0] =	vst v1;
	s31 =	smov.u32 s30;
	s30 =	sadd.s32 $0x40, s30  }
.Ltmp1:
0x42: {  	(pc) =	sbr.rel @p0 .LBB2_4-.Ltmp1, $2  }
0x43: {  	_ =	sdelay $0x2  }
0x44: {  	s31 =	sshra.s32 s31, $0x2  }
0x45: {  	[tilespmem:s31+$0x1E2A0] =	vst v1;
	s30 =	simm.s32 $0x40;
	s31 =	simm.s32 $0x0  }
.LBB2_6:
0x46: {  	p0 =	sne.s32 s30, $0x9C00;
	[tilespmem:s31+$0x19AA0] =	vst v1;
	s31 =	smov.u32 s30;
	s30 =	sadd.s32 $0x40, s30  }
.Ltmp2:
0x47: {  	(pc) =	sbr.rel @p0 .LBB2_6-.Ltmp2, $2  }
0x48: {  	_ =	sdelay $0x2  }
0x49: {  	s31 =	sshra.s32 s31, $0x2  }
0x4a: {  	[tilespmem:s31+$0x19AA0] =	vst v1  }
0x4b: {  	[tilespmem:$0x1C1B0] =	vst v1  }
0x4c: {  	[tilespmem:$0x1C1C0] =	vst v1  }
0x4d: {  	[tilespmem:$0x1C1D0] =	vst v1  }
0x4e: {  	[tilespmem:$0x1C1E0] =	vst v1  }
0x4f: {  	[tilespmem:$0x1C1F0] =	vst v1  }
0x50: {  	[tilespmem:$0x1C200] =	vst v1  }
0x51: {  	[tilespmem:$0x1C210] =	vst v1  }
0x52: {  	[tilespmem:$0x1C220] =	vst v1  }
0x53: {  	[tilespmem:$0x1C230] =	vst v1  }
0x54: {  	[tilespmem:$0x1C240] =	vst v1  }
0x55: {  	[tilespmem:$0x1C250] =	vst v1  }
0x56: {  	[tilespmem:$0x1C260] =	vst v1  }
0x57: {  	[tilespmem:$0x1C270] =	vst v1  }
0x58: {  	[tilespmem:$0x1C280] =	vst v1  }
0x59: {  	[tilespmem:$0x1C290] =	vst v1  }
0x5a: {  	[spmem:s7] =	stream.linear.scatter [tilespmem:s23], [sflag:$0x8], $0x2000, $0x38;
	[tilespmem:$0x1ECA0] =	vst v63  }
0x5b: {  	_ =	swait.ge [sflag:s15], $0x2000  }
0x5c: {  	[sflag:s15] =	ssyncset.done $0x0  }
0x5d: {  	s1 =	rddreg [dreg:$0x5];
	[sflag:s15] =	ssyncadd.s32 $0xFFFFE000  }
0x5e: {  	[spmem:s1] =	stream.linear.scatter [tilespmem:s23], [sflag:$0x8], $0x2000, $0x38;
	[tilespmem:$0x1ECA0] =	vst v63  }
0x5f: {  	_ =	swait.ge [sflag:s15], $0x2000  }
0x60: {  	[sflag:s15] =	ssyncset.done $0x0  }
0x61: {  	s1 =	rddreg [dreg:$0x6];
	[sflag:s15] =	ssyncadd.s32 $0xFFFFE000  }
0x62: {  	[spmem:s1] =	stream.linear.scatter [tilespmem:s23], [sflag:$0x8], $0x2000, $0x38;
	[tilespmem:$0x1ECA0] =	vst v63  }
0x63: {  	_ =	swait.ge [sflag:s15], $0x2000  }
0x64: {  	[sflag:s15] =	ssyncset.done $0x0  }
0x65: {  	s1 =	rddreg [dreg:$0x7];
	[sflag:s15] =	ssyncadd.s32 $0xFFFFE000  }
0x66: {  	[spmem:s1] =	stream.linear.scatter [tilespmem:s23], [sflag:$0x8], $0x2000, $0x38;
	[tilespmem:$0x1ECA0] =	vst v63  }
0x67: {  	_ =	swait.ge [sflag:s15], $0x2000  }
0x68: {  	[sflag:s15] =	ssyncset.done $0x0  }
0x69: {  	s1 =	rddreg [dreg:$0x14];
	[sflag:s15] =	ssyncadd.s32 $0xFFFFE000  }
0x6a: {  	[spmem:s1] =	stream.linear.scatter [tilespmem:s23], [sflag:$0x8], $0x2000, $0x38;
	[tilespmem:$0x1ECA0] =	vst v63  }
0x6b: {  	_ =	swait.ge [sflag:s15], $0x2000  }
0x6c: {  	[sflag:s15] =	ssyncset.done $0x0  }
0x6d: {  	s1 =	rddreg [dreg:$0x8];
	[sflag:s15] =	ssyncadd.s32 $0xFFFFE000  }
0x6e: {  	[spmem:s1] =	stream.linear.scatter [tilespmem:s23], [sflag:$0x8], $0x2000, $0x38;
	[tilespmem:$0x1ECA0] =	vst v63  }
0x6f: {  	_ =	swait.ge [sflag:s15], $0x2000  }
0x70: {  	[sflag:s15] =	ssyncset.done $0x0  }
0x71: {  	s1 =	rddreg [dreg:$0x15];
	[sflag:s15] =	ssyncadd.s32 $0xFFFFE000  }
0x72: {  	[spmem:s1] =	stream.linear.scatter [tilespmem:s23], [sflag:$0x8], $0x2000, $0x38;
	[tilespmem:$0x1ECA0] =	vst v63  }
0x73: {  	_ =	swait.ge [sflag:s15], $0x2000  }
0x74: {  	[sflag:s15] =	ssyncset.done $0x0  }
0x75: {  	s1 =	rddreg [dreg:$0x16];
	[sflag:s15] =	ssyncadd.s32 $0xFFFFE000  }
0x76: {  	[spmem:s1] =	stream.linear.scatter [tilespmem:s23], [sflag:$0x8], $0x2000, $0x38;
	[tilespmem:$0x1ECA0] =	vst v63  }
0x77: {  	_ =	swait.ge [sflag:s15], $0x2000  }
0x78: {  	[sflag:s15] =	ssyncset.done $0x0  }
0x79: {  	s1 =	rddreg [dreg:$0x17];
	[sflag:s15] =	ssyncadd.s32 $0xFFFFE000  }
0x7a: {  	[spmem:s1] =	stream.linear.scatter [tilespmem:s23], [sflag:$0x8], $0x2000, $0x38;
	[tilespmem:$0x1ECA0] =	vst v63  }
0x7b: {  	_ =	swait.ge [sflag:s15], $0x2000  }
0x7c: {  	[sflag:s15] =	ssyncset.done $0x0  }
0x7d: {  	s1 =	rddreg [dreg:$0x18];
	[sflag:s15] =	ssyncadd.s32 $0xFFFFE000  }
0x7e: {  	[spmem:s1] =	stream.linear.scatter [tilespmem:s23], [sflag:$0x8], $0x2000, $0x38;
	[tilespmem:$0x1ECA0] =	vst v63  }
0x7f: {  	_ =	swait.ge [sflag:s15], $0x2000  }
0x80: {  	[sflag:s15] =	ssyncset.done $0x0  }
0x81: {  	[sflag:s15] =	ssyncadd.s32 $0xFFFFE000  }
0x82: {  	[spmem:s2] =	stream.linear.scatter [tilespmem:s16], [sflag:$0x8], $0xA00, $0x38;
	[tilespmem:$0x1ECA0] =	vst v63  }
0x83: {  	_ =	swait.ge [sflag:s15], $0xA00  }
0x84: {  	[sflag:s15] =	ssyncset.done $0x0  }
0x85: {  	s1 =	rddreg [dreg:$0x19];
	[sflag:s15] =	ssyncadd.s32 $0xFFFFF600  }
0x86: {  	[spmem:s1] =	stream.linear.scatter [tilespmem:s16], [sflag:$0x8], $0xA00, $0x38;
	[tilespmem:$0x1ECA0] =	vst v63  }
0x87: {  	_ =	swait.ge [sflag:s15], $0xA00  }
0x88: {  	[sflag:s15] =	ssyncset.done $0x0  }
0x89: {  	s1 =	rddreg [dreg:$0x9];
	[sflag:s15] =	ssyncadd.s32 $0xFFFFF600  }
0x8a: {  	[spmem:s1] =	stream.linear.scatter [tilespmem:s16], [sflag:$0x8], $0xA00, $0x38;
	[tilespmem:$0x1ECA0] =	vst v63  }
0x8b: {  	_ =	swait.ge [sflag:s15], $0xA00  }
0x8c: {  	[sflag:s15] =	ssyncset.done $0x0  }
0x8d: {  	s1 =	rddreg [dreg:$0x1a];
	[sflag:s15] =	ssyncadd.s32 $0xFFFFF600  }
0x8e: {  	[spmem:s1] =	stream.linear.scatter [tilespmem:s16], [sflag:$0x8], $0xA00, $0x38;
	[tilespmem:$0x1ECA0] =	vst v63  }
0x8f: {  	_ =	swait.ge [sflag:s15], $0xA00  }
0x90: {  	[sflag:s15] =	ssyncset.done $0x0  }
0x91: {  	[sflag:s15] =	ssyncadd.s32 $0xFFFFF600  }
0x92: {  	[bflag:$0x0] =	sbarrier.arrive $0xFFFF  }
0x93: {  	s30 =	simm.s32 $0x0;
	s31 =	rddreg [dreg:$0x13]  }
.LBB2_8:
0x94: {  	s1 =	sadd.s32 s30, s25  }
0x95: {  	[tilespmem:s17], [sflag:$0x4] =	stream.linear.gather [hbm4b:s1+s5], $0x50, $0x38;
	[tilespmem:$0x1ECA0] =	vst v63  }
0x96: {  	s1 =	sadd.s32 s30, s24  }
0x97: {  	[tilespmem:s18], [sflag:$0x5] =	stream.linear.gather [hbm4b:s1+s5], $0x50, $0x38;
	[tilespmem:$0x1ECA0] =	vst v63  }
0x98: {  	_ = 	snop  }
0x99: {  	[tilespmem:s19], [sflag:$0x6] =	stream.linear.gather [hbm4b:s31+s5], $0x500, $0x38;
	[tilespmem:$0x1ECA0] =	vst v63  }
0x9a: {  	_ =	swait.ge [sflag:s20], $0x50  }
0x9b: {  	[sflag:s20] =	ssyncset.done $0x0  }
0x9c: {  	[sflag:s20] =	ssyncadd.s32 $0xFFFFFFB0  }
0x9d: {  	[tilespmem:s22], [sflag:$0x1] =	stream.indirect.gather [hbm4b:s0+s21], $0x80, s17, s21, $0xb8;
	[tilespmem:$0x1ECA0] =	vst v63  }
0x9e: {  	_ = 	snop  }
0x9f: {  	[tilespmem:s14], [sflag:$0x2] =	stream.indirect.gather [hbm4b:s6+s21], $0x8, s17, s21, $0xb8;
	[tilespmem:$0x1ECA0] =	vst v63  }
0xa0: {  	_ =	swait.ge [sflag:s8], $0x50  }
0xa1: {  	[sflag:s8] =	ssyncset.done $0x0  }
0xa2: {  	[sflag:s8] =	ssyncadd.s32 $0xFFFFFFB0  }
0xa3: {  	[tilespmem:s9], [sflag:$0x3] =	stream.indirect.gather [hbm4b:s6+s21], $0x8, s18, s21, $0xb8;
	[tilespmem:$0x1ECA0] =	vst v63  }
0xa4: {  	_ =	swait.ge [sflag:s10], $0x500  }
0xa5: {  	[sflag:s10] =	ssyncset.done $0x0  }
0xa6: {  	[sflag:s10] =	ssyncadd.s32 $0xFFFFFB00  }
0xa7: {  	[spmem:s4] =	stream.indirect.scatter.add.f32 [tilespmem:s19], [sflag:$0x7], $0x10, s18, s21, $0xb8;
	[tilespmem:$0x1ECA0] =	vst v63  }
0xa8: {  	_ =	swait.ge [sflag:s11], $0x2800  }
0xa9: {  	[sflag:s11] =	ssyncset.done $0x0  }
0xaa: {  	[sflag:s11] =	ssyncadd.s32 $0xFFFFD800  }
0xab: {  	[spmem:s3] =	stream.indirect.scatter.add.f32 [tilespmem:s22], [sflag:$0x1], $0x80, s18, s21, $0xb8;
	[tilespmem:$0x1ECA0] =	vst v63  }
0xac: {  	_ =	swait.ge [sflag:s13], $0x280  }
0xad: {  	[sflag:s13] =	ssyncset.done $0x0  }
0xae: {  	[sflag:s13] =	ssyncadd.s32 $0xFFFFFD80  }
0xaf: {  	_ =	swait.ge [sflag:s12], $0x280  }
0xb0: {  	[sflag:s12] =	ssyncset.done $0x0  }
0xb1: {  	[sflag:s12] =	ssyncadd.s32 $0xFFFFFD80  }
0xb2: {  	v41 =	vld.idx.msk [tilespmem:v0+s14+$0x0], $0xffff  }
0xb3: {  	v42 =	vld.idx.msk [tilespmem:v0+s9+$0x0], $0xffff  }
0xb4: {  	v43 =	vld.idx.msk [tilespmem:v2+s14+$0x0], $0xffff  }
0xb5: {  	v44 =	vld.idx.msk [tilespmem:v2+s9+$0x0], $0xffff  }
0xb6: {  	v45 =	vld.idx.msk [tilespmem:v3+s14+$0x0], $0xffff  }
0xb7: {  	v46 =	vld.idx.msk [tilespmem:v3+s9+$0x0], $0xffff  }
0xb8: {  	v47 =	vld.idx.msk [tilespmem:v4+s14+$0x0], $0xffff  }
0xb9: {  	v48 =	vld.idx.msk [tilespmem:v4+s9+$0x0], $0xffff  }
0xba: {  	v53 =	vld.idx.msk [tilespmem:v5+s14+$0x0], $0xffff;
	v41 =	vsub.f32 v41, v42;
	v52 =	vsub.f32 v43, v44  }
0xbb: {  	v54 =	vld.idx.msk [tilespmem:v5+s9+$0x0], $0xffff  }
0xbc: {  	v55 =	vld.idx.msk [tilespmem:v6+s14+$0x0], $0xffff;
	v45 =	vsub.f32 v45, v46;
	v41 =	vmul.f32 v41, v41;
	v42 =	vmul.f32 v52, v52  }
0xbd: {  	v49 =	vld.idx.msk [tilespmem:v6+s9+$0x0], $0xffff  }
0xbe: {  	v58 =	vld.idx.msk [tilespmem:v7+s14+$0x0], $0xffff;
	v57 =	vsub.f32 v47, v48;
	v56 =	vmul.f32 v45, v45;
	v41 =	vadd.f32 v42, v41  }
0xbf: {  	v59 =	vld.idx.msk [tilespmem:v7+s9+$0x0], $0xffff  }
0xc0: {  	v61 =	vld.idx.msk [tilespmem:v8+s14+$0x0], $0xffff;
	v43 =	vsub.f32 v53, v54;
	v60 =	vmul.f32 v57, v57;
	v41 =	vadd.f32 v56, v41  }
0xc1: {  	v62 =	vld.idx.msk [tilespmem:v8+s9+$0x0], $0xffff  }
0xc2: {  	v46 =	vsub.f32 v55, v49;
	v63 =	vmul.f32 v43, v43;
	v41 =	vadd.f32 v60, v41;
	_ =	sdelay $0x1  }
0xc3: {  	v50 =	vsub.f32 v58, v59;
	v49 =	vmul.f32 v46, v46;
	v41 =	vadd.f32 v63, v41;
	_ =	sdelay $0x1  }
0xc4: {  	v51 =	vmul.f32 v50, v50;
	v52 =	vsub.f32 v61, v62;
	v41 =	vadd.f32 v49, v41;
	_ =	sdelay $0x1  }
0xc5: {  	v53 =	vmul.f32 v52, v52;
	v41 =	vadd.f32 v51, v41;
	_ =	sdelay $0x1  }
0xc6: {  	v41 =	vadd.f32 v53, v41;
	_ =	sdelay $0x1  }
0xc7: {  	v41 =	vadd.f32 $9.999999960e-13, v41;
	_ =	sdelay $0x1  }
0xc8: {  	v54 =	vshra.s32 v41, $0x1;
	v55 =	vmul.f32 $5.000000000e-01, v41  }
0xc9: {  	v42 =	vsub.s32 $0x5F3759DF, v54  }
0xca: {  	v56 =	vmul.f32 v42, v55;
	_ =	sdelay $0x1  }
0xcb: {  	v44 =	vmul.f32 v42, v56;
	_ =	sdelay $0x1  }
0xcc: {  	v44 =	vsub.f32 $1.500000000e+00, v44;
	_ =	sdelay $0x1  }
0xcd: {  	v42 =	vmul.f32 v42, v44;
	_ =	sdelay $0x1  }
0xce: {  	v44 =	vmul.f32 v42, v55;
	_ =	sdelay $0x1  }
0xcf: {  	v44 =	vmul.f32 v44, v42;
	_ =	sdelay $0x1  }
0xd0: {  	v44 =	vsub.f32 $1.500000000e+00, v44;
	_ =	sdelay $0x1  }
0xd1: {  	v42 =	vmul.f32 v44, v42;
	_ =	sdelay $0x1  }
0xd2: {  	v43 =	vmul.f32 v42, v55;
	_ =	sdelay $0x1  }
0xd3: {  	v57 =	vld [tilespmem:$0x16850];
	v43 =	vmul.f32 v43, v42;
	_ =	sdelay $0x1  }
0xd4: {  	v43 =	vsub.f32 $1.500000000e+00, v43;
	_ =	sdelay $0x1  }
0xd5: {  	v42 =	vmul.f32 v43, v42;
	_ =	sdelay $0x1  }
0xd6: {  	v41 =	vmul.f32 v42, v41;
	_ =	sdelay $0x1  }
0xd7: {  	[tilespmem:v57+s26+$0x0] =	vst.idx.add.f32.msk $0xffff, v41  }
0xd8: {  	v41 =	vld.idx.msk [tilespmem:v9+s14+$0x0], $0xffff  }
0xd9: {  	v58 =	vld.idx.msk [tilespmem:v9+s9+$0x0], $0xffff  }
0xda: {  	v59 =	vld.idx.msk [tilespmem:v10+s14+$0x0], $0xffff  }
0xdb: {  	v44 =	vld.idx.msk [tilespmem:v10+s9+$0x0], $0xffff  }
0xdc: {  	v60 =	vld.idx.msk [tilespmem:v11+s14+$0x0], $0xffff  }
0xdd: {  	v61 =	vld.idx.msk [tilespmem:v11+s9+$0x0], $0xffff  }
0xde: {  	v62 =	vld.idx.msk [tilespmem:v12+s14+$0x0], $0xffff  }
0xdf: {  	v63 =	vld.idx.msk [tilespmem:v12+s9+$0x0], $0xffff  }
0xe0: {  	v52 =	vld.idx.msk [tilespmem:v13+s14+$0x0], $0xffff;
	v41 =	vsub.f32 v41, v58;
	v51 =	vsub.f32 v59, v44  }
0xe1: {  	v53 =	vld.idx.msk [tilespmem:v13+s9+$0x0], $0xffff  }
0xe2: {  	v54 =	vld.idx.msk [tilespmem:v14+s14+$0x0], $0xffff;
	v45 =	vsub.f32 v60, v61;
	v41 =	vmul.f32 v41, v41;
	v42 =	vmul.f32 v51, v51  }
0xe3: {  	v55 =	vld.idx.msk [tilespmem:v14+s9+$0x0], $0xffff  }
0xe4: {  	v57 =	vsub.f32 v62, v63;
	v58 =	vld.idx.msk [tilespmem:v15+s14+$0x0], $0xffff;
	v56 =	vmul.f32 v45, v45;
	v41 =	vadd.f32 v42, v41  }
0xe5: {  	v59 =	vld.idx.msk [tilespmem:v15+s9+$0x0], $0xffff  }
0xe6: {  	v43 =	vsub.f32 v52, v53;
	v61 =	vld.idx.msk [tilespmem:v16+s14+$0x0], $0xffff;
	v60 =	vmul.f32 v57, v57;
	v41 =	vadd.f32 v56, v41  }
0xe7: {  	v62 =	vld.idx.msk [tilespmem:v16+s9+$0x0], $0xffff  }
0xe8: {  	v46 =	vsub.f32 v54, v55;
	v63 =	vmul.f32 v43, v43;
	v41 =	vadd.f32 v60, v41;
	_ =	sdelay $0x1  }
0xe9: {  	v49 =	vmul.f32 v46, v46;
	v50 =	vsub.f32 v58, v59;
	v41 =	vadd.f32 v63, v41;
	_ =	sdelay $0x1  }
0xea: {  	v52 =	vsub.f32 v61, v62;
	v51 =	vmul.f32 v50, v50;
	v41 =	vadd.f32 v49, v41;
	_ =	sdelay $0x1  }
0xeb: {  	v53 =	vmul.f32 v52, v52;
	v41 =	vadd.f32 v51, v41;
	_ =	sdelay $0x1  }
0xec: {  	v41 =	vadd.f32 v53, v41;
	_ =	sdelay $0x1  }
0xed: {  	v41 =	vadd.f32 $9.999999960e-13, v41;
	_ =	sdelay $0x1  }
0xee: {  	v54 =	vshra.s32 v41, $0x1;
	v55 =	vmul.f32 $5.000000000e-01, v41  }
0xef: {  	v42 =	vsub.s32 $0x5F3759DF, v54  }
0xf0: {  	v56 =	vmul.f32 v42, v55;
	_ =	sdelay $0x1  }
0xf1: {  	v44 =	vmul.f32 v42, v56;
	_ =	sdelay $0x1  }
0xf2: {  	v44 =	vsub.f32 $1.500000000e+00, v44;
	_ =	sdelay $0x1  }
0xf3: {  	v42 =	vmul.f32 v42, v44;
	_ =	sdelay $0x1  }
0xf4: {  	v44 =	vmul.f32 v42, v55;
	_ =	sdelay $0x1  }
0xf5: {  	v44 =	vmul.f32 v44, v42;
	_ =	sdelay $0x1  }
0xf6: {  	v44 =	vsub.f32 $1.500000000e+00, v44;
	_ =	sdelay $0x1  }
0xf7: {  	v42 =	vmul.f32 v44, v42;
	_ =	sdelay $0x1  }
0xf8: {  	v43 =	vmul.f32 v42, v55;
	_ =	sdelay $0x1  }
0xf9: {  	v57 =	vld [tilespmem:$0x16860];
	v43 =	vmul.f32 v43, v42;
	_ =	sdelay $0x1  }
0xfa: {  	v43 =	vsub.f32 $1.500000000e+00, v43;
	_ =	sdelay $0x1  }
0xfb: {  	v42 =	vmul.f32 v43, v42;
	_ =	sdelay $0x1  }
0xfc: {  	v41 =	vmul.f32 v42, v41;
	_ =	sdelay $0x1  }
0xfd: {  	[tilespmem:v57+s26+$0x0] =	vst.idx.add.f32.msk $0xffff, v41  }
0xfe: {  	v41 =	vld.idx.msk [tilespmem:v17+s14+$0x0], $0xffff  }
0xff: {  	v58 =	vld.idx.msk [tilespmem:v17+s9+$0x0], $0xffff  }
0x100: {  	v59 =	vld.idx.msk [tilespmem:v18+s14+$0x0], $0xffff  }
0x101: {  	v44 =	vld.idx.msk [tilespmem:v18+s9+$0x0], $0xffff  }
0x102: {  	v60 =	vld.idx.msk [tilespmem:v19+s14+$0x0], $0xffff  }
0x103: {  	v61 =	vld.idx.msk [tilespmem:v19+s9+$0x0], $0xffff  }
0x104: {  	v62 =	vld.idx.msk [tilespmem:v20+s14+$0x0], $0xffff  }
0x105: {  	v63 =	vld.idx.msk [tilespmem:v20+s9+$0x0], $0xffff  }
0x106: {  	v52 =	vld.idx.msk [tilespmem:v21+s14+$0x0], $0xffff;
	v41 =	vsub.f32 v41, v58;
	v51 =	vsub.f32 v59, v44  }
0x107: {  	v53 =	vld.idx.msk [tilespmem:v21+s9+$0x0], $0xffff  }
0x108: {  	v54 =	vld.idx.msk [tilespmem:v22+s14+$0x0], $0xffff;
	v45 =	vsub.f32 v60, v61;
	v41 =	vmul.f32 v41, v41;
	v42 =	vmul.f32 v51, v51  }
0x109: {  	v55 =	vld.idx.msk [tilespmem:v22+s9+$0x0], $0xffff  }
0x10a: {  	v57 =	vsub.f32 v62, v63;
	v58 =	vld.idx.msk [tilespmem:v23+s14+$0x0], $0xffff;
	v56 =	vmul.f32 v45, v45;
	v41 =	vadd.f32 v42, v41  }
0x10b: {  	v59 =	vld.idx.msk [tilespmem:v23+s9+$0x0], $0xffff  }
0x10c: {  	v43 =	vsub.f32 v52, v53;
	v61 =	vld.idx.msk [tilespmem:v24+s14+$0x0], $0xffff;
	v60 =	vmul.f32 v57, v57;
	v41 =	vadd.f32 v56, v41  }
0x10d: {  	v62 =	vld.idx.msk [tilespmem:v24+s9+$0x0], $0xffff  }
0x10e: {  	v46 =	vsub.f32 v54, v55;
	v63 =	vmul.f32 v43, v43;
	v41 =	vadd.f32 v60, v41;
	_ =	sdelay $0x1  }
0x10f: {  	v49 =	vmul.f32 v46, v46;
	v50 =	vsub.f32 v58, v59;
	v41 =	vadd.f32 v63, v41;
	_ =	sdelay $0x1  }
0x110: {  	v52 =	vsub.f32 v61, v62;
	v51 =	vmul.f32 v50, v50;
	v41 =	vadd.f32 v49, v41;
	_ =	sdelay $0x1  }
0x111: {  	v53 =	vmul.f32 v52, v52;
	v41 =	vadd.f32 v51, v41;
	_ =	sdelay $0x1  }
0x112: {  	v41 =	vadd.f32 v53, v41;
	_ =	sdelay $0x1  }
0x113: {  	v41 =	vadd.f32 $9.999999960e-13, v41;
	_ =	sdelay $0x1  }
0x114: {  	v54 =	vshra.s32 v41, $0x1;
	v55 =	vmul.f32 $5.000000000e-01, v41  }
0x115: {  	v42 =	vsub.s32 $0x5F3759DF, v54  }
0x116: {  	v56 =	vmul.f32 v42, v55;
	_ =	sdelay $0x1  }
0x117: {  	v44 =	vmul.f32 v42, v56;
	_ =	sdelay $0x1  }
0x118: {  	v44 =	vsub.f32 $1.500000000e+00, v44;
	_ =	sdelay $0x1  }
0x119: {  	v42 =	vmul.f32 v42, v44;
	_ =	sdelay $0x1  }
0x11a: {  	v44 =	vmul.f32 v42, v55;
	_ =	sdelay $0x1  }
0x11b: {  	v44 =	vmul.f32 v44, v42;
	_ =	sdelay $0x1  }
0x11c: {  	v44 =	vsub.f32 $1.500000000e+00, v44;
	_ =	sdelay $0x1  }
0x11d: {  	v42 =	vmul.f32 v44, v42;
	_ =	sdelay $0x1  }
0x11e: {  	v43 =	vmul.f32 v42, v55;
	_ =	sdelay $0x1  }
0x11f: {  	v57 =	vld [tilespmem:$0x16870];
	v43 =	vmul.f32 v43, v42;
	_ =	sdelay $0x1  }
0x120: {  	v43 =	vsub.f32 $1.500000000e+00, v43;
	_ =	sdelay $0x1  }
0x121: {  	v42 =	vmul.f32 v43, v42;
	_ =	sdelay $0x1  }
0x122: {  	v41 =	vmul.f32 v42, v41;
	_ =	sdelay $0x1  }
0x123: {  	[tilespmem:v57+s26+$0x0] =	vst.idx.add.f32.msk $0xffff, v41  }
0x124: {  	v41 =	vld.idx.msk [tilespmem:v25+s14+$0x0], $0xffff  }
0x125: {  	v58 =	vld.idx.msk [tilespmem:v25+s9+$0x0], $0xffff  }
0x126: {  	v59 =	vld.idx.msk [tilespmem:v26+s14+$0x0], $0xffff  }
0x127: {  	v44 =	vld.idx.msk [tilespmem:v26+s9+$0x0], $0xffff  }
0x128: {  	v60 =	vld.idx.msk [tilespmem:v27+s14+$0x0], $0xffff  }
0x129: {  	v61 =	vld.idx.msk [tilespmem:v27+s9+$0x0], $0xffff  }
0x12a: {  	v62 =	vld.idx.msk [tilespmem:v28+s14+$0x0], $0xffff  }
0x12b: {  	v63 =	vld.idx.msk [tilespmem:v28+s9+$0x0], $0xffff  }
0x12c: {  	v53 =	vld.idx.msk [tilespmem:v29+s14+$0x0], $0xffff;
	v41 =	vsub.f32 v41, v58;
	v52 =	vsub.f32 v59, v44  }
0x12d: {  	v54 =	vld.idx.msk [tilespmem:v29+s9+$0x0], $0xffff  }
0x12e: {  	v55 =	vld.idx.msk [tilespmem:v30+s14+$0x0], $0xffff;
	v45 =	vsub.f32 v60, v61;
	v41 =	vmul.f32 v41, v41;
	v42 =	vmul.f32 v52, v52  }
0x12f: {  	v56 =	vld.idx.msk [tilespmem:v30+s9+$0x0], $0xffff  }
0x130: {  	v58 =	vsub.f32 v62, v63;
	v59 =	vld.idx.msk [tilespmem:v31+s14+$0x0], $0xffff;
	v57 =	vmul.f32 v45, v45;
	v41 =	vadd.f32 v42, v41  }
0x131: {  	v60 =	vld.idx.msk [tilespmem:v31+s9+$0x0], $0xffff  }
0x132: {  	v43 =	vsub.f32 v53, v54;
	v62 =	vld.idx.msk [tilespmem:v32+s14+$0x0], $0xffff;
	v61 =	vmul.f32 v58, v58;
	v41 =	vadd.f32 v57, v41  }
0x133: {  	v63 =	vld.idx.msk [tilespmem:v32+s9+$0x0], $0xffff  }
0x134: {  	v51 =	vsub.f32 v55, v56;
	v50 =	vmul.f32 v43, v43;
	v41 =	vadd.f32 v61, v41;
	_ =	sdelay $0x1  }
0x135: {  	v52 =	vmul.f32 v51, v51;
	v53 =	vsub.f32 v59, v60;
	v41 =	vadd.f32 v50, v41;
	_ =	sdelay $0x1  }
0x136: {  	v55 =	vsub.f32 v62, v63;
	v54 =	vmul.f32 v53, v53;
	v41 =	vadd.f32 v52, v41;
	_ =	sdelay $0x1  }
0x137: {  	v56 =	vmul.f32 v55, v55;
	v41 =	vadd.f32 v54, v41;
	_ =	sdelay $0x1  }
0x138: {  	v41 =	vadd.f32 v56, v41;
	_ =	sdelay $0x1  }
0x139: {  	v41 =	vadd.f32 $9.999999960e-13, v41;
	_ =	sdelay $0x1  }
0x13a: {  	v57 =	vshra.s32 v41, $0x1;
	v58 =	vmul.f32 $5.000000000e-01, v41  }
0x13b: {  	v42 =	vsub.s32 $0x5F3759DF, v57  }
0x13c: {  	v59 =	vmul.f32 v42, v58;
	_ =	sdelay $0x1  }
0x13d: {  	v44 =	vmul.f32 v42, v59;
	_ =	sdelay $0x1  }
0x13e: {  	v44 =	vsub.f32 $1.500000000e+00, v44;
	_ =	sdelay $0x1  }
0x13f: {  	v42 =	vmul.f32 v42, v44;
	_ =	sdelay $0x1  }
0x140: {  	v44 =	vmul.f32 v42, v58;
	_ =	sdelay $0x1  }
0x141: {  	v44 =	vmul.f32 v44, v42;
	_ =	sdelay $0x1  }
0x142: {  	v44 =	vsub.f32 $1.500000000e+00, v44;
	_ =	sdelay $0x1  }
0x143: {  	v42 =	vmul.f32 v44, v42;
	_ =	sdelay $0x1  }
0x144: {  	v43 =	vmul.f32 v42, v58;
	_ =	sdelay $0x1  }
0x145: {  	v60 =	vld [tilespmem:$0x16880];
	v43 =	vmul.f32 v43, v42;
	_ =	sdelay $0x1  }
0x146: {  	v43 =	vsub.f32 $1.500000000e+00, v43;
	_ =	sdelay $0x1  }
0x147: {  	v42 =	vmul.f32 v43, v42;
	_ =	sdelay $0x1  }
0x148: {  	v41 =	vmul.f32 v42, v41;
	_ =	sdelay $0x1  }
0x149: {  	[tilespmem:v60+s26+$0x0] =	vst.idx.add.f32.msk $0xffff, v41  }
0x14a: {  	v41 =	vld.idx.msk [tilespmem:v33+s14+$0x0], $0xffff  }
0x14b: {  	v61 =	vld.idx.msk [tilespmem:v33+s9+$0x0], $0xffff  }
0x14c: {  	v62 =	vld.idx.msk [tilespmem:v34+s14+$0x0], $0xffff  }
0x14d: {  	v44 =	vld.idx.msk [tilespmem:v34+s9+$0x0], $0xffff  }
0x14e: {  	v63 =	vld.idx.msk [tilespmem:v35+s14+$0x0], $0xffff  }
0x14f: {  	v52 =	vld.idx.msk [tilespmem:v35+s9+$0x0], $0xffff  }
0x150: {  	v53 =	vld.idx.msk [tilespmem:v36+s14+$0x0], $0xffff  }
0x151: {  	v54 =	vld.idx.msk [tilespmem:v36+s9+$0x0], $0xffff  }
0x152: {  	v56 =	vld.idx.msk [tilespmem:v37+s14+$0x0], $0xffff;
	v41 =	vsub.f32 v41, v61;
	v55 =	vsub.f32 v62, v44  }
0x153: {  	v57 =	vld.idx.msk [tilespmem:v37+s9+$0x0], $0xffff  }
0x154: {  	v58 =	vld.idx.msk [tilespmem:v38+s14+$0x0], $0xffff;
	v45 =	vsub.f32 v63, v52;
	v41 =	vmul.f32 v41, v41;
	v42 =	vmul.f32 v55, v55  }
0x155: {  	v59 =	vld.idx.msk [tilespmem:v38+s9+$0x0], $0xffff  }
0x156: {  	v61 =	vsub.f32 v53, v54;
	v62 =	vld.idx.msk [tilespmem:v39+s14+$0x0], $0xffff;
	v60 =	vmul.f32 v45, v45;
	v41 =	vadd.f32 v42, v41  }
0x157: {  	v63 =	vld.idx.msk [tilespmem:v39+s9+$0x0], $0xffff  }
0x158: {  	v43 =	vsub.f32 v56, v57;
	v53 =	vld.idx.msk [tilespmem:v40+s14+$0x0], $0xffff;
	v52 =	vmul.f32 v61, v61;
	v41 =	vadd.f32 v60, v41  }
0x159: {  	v54 =	vld.idx.msk [tilespmem:v40+s9+$0x0], $0xffff  }
0x15a: {  	v55 =	vsub.f32 v58, v59;
	v43 =	vmul.f32 v43, v43;
	v41 =	vadd.f32 v52, v41;
	_ =	sdelay $0x1  }
0x15b: {  	v42 =	vmul.f32 v55, v55;
	v56 =	vsub.f32 v62, v63;
	v41 =	vadd.f32 v43, v41;
	_ =	sdelay $0x1  }
0x15c: {  	v58 =	vsub.f32 v53, v54;
	v57 =	vmul.f32 v56, v56;
	v41 =	vadd.f32 v42, v41;
	_ =	sdelay $0x1  }
0x15d: {  	v59 =	vmul.f32 v58, v58;
	v41 =	vadd.f32 v57, v41;
	_ =	sdelay $0x1  }
0x15e: {  	v41 =	vadd.f32 v59, v41;
	_ =	sdelay $0x1  }
0x15f: {  	v41 =	vadd.f32 $9.999999960e-13, v41;
	_ =	sdelay $0x1  }
0x160: {  	v60 =	vshra.s32 v41, $0x1;
	v61 =	vmul.f32 $5.000000000e-01, v41  }
0x161: {  	v42 =	vsub.s32 $0x5F3759DF, v60  }
0x162: {  	v62 =	vmul.f32 v42, v61;
	_ =	sdelay $0x1  }
0x163: {  	v44 =	vmul.f32 v42, v62;
	_ =	sdelay $0x1  }
0x164: {  	v44 =	vsub.f32 $1.500000000e+00, v44;
	_ =	sdelay $0x1  }
0x165: {  	v42 =	vmul.f32 v42, v44;
	_ =	sdelay $0x1  }
0x166: {  	v44 =	vmul.f32 v42, v61;
	_ =	sdelay $0x1  }
0x167: {  	v44 =	vmul.f32 v44, v42;
	_ =	sdelay $0x1  }
0x168: {  	v44 =	vsub.f32 $1.500000000e+00, v44;
	_ =	sdelay $0x1  }
0x169: {  	v42 =	vmul.f32 v44, v42;
	_ =	sdelay $0x1  }
0x16a: {  	v43 =	vmul.f32 v42, v61;
	_ =	sdelay $0x1  }
0x16b: {  	v63 =	vld [tilespmem:$0x16890];
	v43 =	vmul.f32 v43, v42;
	_ =	sdelay $0x1  }
0x16c: {  	v43 =	vsub.f32 $1.500000000e+00, v43;
	_ =	sdelay $0x1  }
0x16d: {  	v42 =	vmul.f32 v43, v42;
	_ =	sdelay $0x1  }
0x16e: {  	v41 =	vmul.f32 v42, v41;
	_ =	sdelay $0x1  }
0x16f: {  	[tilespmem:v63+s26+$0x0] =	vst.idx.add.f32.msk $0xffff, v41  }
0x170: {  	p0 =	sne.s32 s30, $0x4D8;
	_ =	swait.ge [sflag:s11], $0x2800  }
.Ltmp3:
0x171: {  	[sflag:s11] =	ssyncset.done $0x0;
	(pc) =	sbr.rel @p0 .LBB2_8-.Ltmp3, $4  }
0x172: {  	[sflag:s11] =	ssyncadd.s32 $0xFFFFD800  }
0x173: {  	_ =	swait.ge [sflag:s28], $0x500  }
0x174: {  	[sflag:s28] =	ssyncset.done $0x0  }
0x175: {  	s30 =	sadd.s32 $0xA, s30;
	s31 =	sadd.s32 $0xA0, s31;
	[sflag:s28] =	ssyncadd.s32 $0xFFFFFB00  }
0x176: {  	[bflag:$0x0] =	sbarrier.arrive $0xFFFF  }
0x177: {  	[tilespmem:s23], [sflag:$0x8] =	stream.linear.gather [spmem:s7], $0x2000, $0x38;
	[tilespmem:$0x1ECA0] =	vst v63  }
0x178: {  	_ =	swait.ge [sflag:s15], $0x2000  }
0x179: {  	[sflag:s15] =	ssyncset.done $0x0  }
0x17a: {  	s1 =	rddreg [dreg:$0xa];
	[sflag:s15] =	ssyncadd.s32 $0xFFFFE000  }
0x17b: {  	[hbm4b:s1+s5] =	stream.linear.scatter [tilespmem:s23], [sflag:$0x8], $0x2000, $0x38;
	[tilespmem:$0x1ECA0] =	vst v63  }
0x17c: {  	_ =	swait.ge [sflag:s15], $0x2000  }
0x17d: {  	[sflag:s15] =	ssyncset.done $0x0  }
0x17e: {  	s31 =	rddreg [dreg:$0x5];
	[sflag:s15] =	ssyncadd.s32 $0xFFFFE000  }
0x17f: {  	[tilespmem:s23], [sflag:$0x8] =	stream.linear.gather [spmem:s31], $0x2000, $0x38;
	[tilespmem:$0x1ECA0] =	vst v63  }
0x180: {  	_ =	swait.ge [sflag:s15], $0x2000  }
0x181: {  	[sflag:s15] =	ssyncset.done $0x0  }
0x182: {  	s30 =	rddreg [dreg:$0x1b];
	[sflag:s15] =	ssyncadd.s32 $0xFFFFE000  }
0x183: {  	[hbm4b:s30+s5] =	stream.linear.scatter [tilespmem:s23], [sflag:$0x8], $0x2000, $0x38;
	[tilespmem:$0x1ECA0] =	vst v63  }
0x184: {  	_ =	swait.ge [sflag:s15], $0x2000  }
0x185: {  	[sflag:s15] =	ssyncset.done $0x0  }
0x186: {  	s31 =	rddreg [dreg:$0x6];
	[sflag:s15] =	ssyncadd.s32 $0xFFFFE000  }
0x187: {  	[tilespmem:s23], [sflag:$0x8] =	stream.linear.gather [spmem:s31], $0x2000, $0x38;
	[tilespmem:$0x1ECA0] =	vst v63  }
0x188: {  	_ =	swait.ge [sflag:s15], $0x2000  }
0x189: {  	[sflag:s15] =	ssyncset.done $0x0  }
0x18a: {  	s30 =	rddreg [dreg:$0x1c];
	[sflag:s15] =	ssyncadd.s32 $0xFFFFE000  }
0x18b: {  	[hbm4b:s30+s5] =	stream.linear.scatter [tilespmem:s23], [sflag:$0x8], $0x2000, $0x38;
	[tilespmem:$0x1ECA0] =	vst v63  }
0x18c: {  	_ =	swait.ge [sflag:s15], $0x2000  }
0x18d: {  	[sflag:s15] =	ssyncset.done $0x0  }
0x18e: {  	s31 =	rddreg [dreg:$0x7];
	[sflag:s15] =	ssyncadd.s32 $0xFFFFE000  }
0x18f: {  	[tilespmem:s23], [sflag:$0x8] =	stream.linear.gather [spmem:s31], $0x2000, $0x38;
	[tilespmem:$0x1ECA0] =	vst v63  }
0x190: {  	_ =	swait.ge [sflag:s15], $0x2000  }
0x191: {  	[sflag:s15] =	ssyncset.done $0x0  }
0x192: {  	s30 =	rddreg [dreg:$0x1d];
	[sflag:s15] =	ssyncadd.s32 $0xFFFFE000  }
0x193: {  	[hbm4b:s30+s5] =	stream.linear.scatter [tilespmem:s23], [sflag:$0x8], $0x2000, $0x38;
	[tilespmem:$0x1ECA0] =	vst v63  }
0x194: {  	_ =	swait.ge [sflag:s15], $0x2000  }
0x195: {  	[sflag:s15] =	ssyncset.done $0x0  }
0x196: {  	s31 =	rddreg [dreg:$0x14];
	[sflag:s15] =	ssyncadd.s32 $0xFFFFE000  }
0x197: {  	[tilespmem:s23], [sflag:$0x8] =	stream.linear.gather [spmem:s31], $0x2000, $0x38;
	[tilespmem:$0x1ECA0] =	vst v63  }
0x198: {  	_ =	swait.ge [sflag:s15], $0x2000  }
0x199: {  	[sflag:s15] =	ssyncset.done $0x0  }
0x19a: {  	s30 =	rddreg [dreg:$0x1e];
	[sflag:s15] =	ssyncadd.s32 $0xFFFFE000  }
0x19b: {  	[hbm4b:s30+s5] =	stream.linear.scatter [tilespmem:s23], [sflag:$0x8], $0x2000, $0x38;
	[tilespmem:$0x1ECA0] =	vst v63  }
0x19c: {  	_ =	swait.ge [sflag:s15], $0x2000  }
0x19d: {  	[sflag:s15] =	ssyncset.done $0x0  }
0x19e: {  	s31 =	rddreg [dreg:$0x8];
	[sflag:s15] =	ssyncadd.s32 $0xFFFFE000  }
0x19f: {  	[tilespmem:s23], [sflag:$0x8] =	stream.linear.gather [spmem:s31], $0x2000, $0x38;
	[tilespmem:$0x1ECA0] =	vst v63  }
0x1a0: {  	_ =	swait.ge [sflag:s15], $0x2000  }
0x1a1: {  	[sflag:s15] =	ssyncset.done $0x0  }
0x1a2: {  	s30 =	rddreg [dreg:$0xb];
	[sflag:s15] =	ssyncadd.s32 $0xFFFFE000  }
0x1a3: {  	[hbm4b:s30+s5] =	stream.linear.scatter [tilespmem:s23], [sflag:$0x8], $0x2000, $0x38;
	[tilespmem:$0x1ECA0] =	vst v63  }
0x1a4: {  	_ =	swait.ge [sflag:s15], $0x2000  }
0x1a5: {  	[sflag:s15] =	ssyncset.done $0x0  }
0x1a6: {  	s31 =	rddreg [dreg:$0x15];
	[sflag:s15] =	ssyncadd.s32 $0xFFFFE000  }
0x1a7: {  	[tilespmem:s23], [sflag:$0x8] =	stream.linear.gather [spmem:s31], $0x2000, $0x38;
	[tilespmem:$0x1ECA0] =	vst v63  }
0x1a8: {  	_ =	swait.ge [sflag:s15], $0x2000  }
0x1a9: {  	[sflag:s15] =	ssyncset.done $0x0  }
0x1aa: {  	s30 =	rddreg [dreg:$0x1f];
	[sflag:s15] =	ssyncadd.s32 $0xFFFFE000  }
0x1ab: {  	[hbm4b:s30+s5] =	stream.linear.scatter [tilespmem:s23], [sflag:$0x8], $0x2000, $0x38;
	[tilespmem:$0x1ECA0] =	vst v63  }
0x1ac: {  	_ =	swait.ge [sflag:s15], $0x2000  }
0x1ad: {  	[sflag:s15] =	ssyncset.done $0x0  }
0x1ae: {  	s31 =	rddreg [dreg:$0x16];
	[sflag:s15] =	ssyncadd.s32 $0xFFFFE000  }
0x1af: {  	[tilespmem:s23], [sflag:$0x8] =	stream.linear.gather [spmem:s31], $0x2000, $0x38;
	[tilespmem:$0x1ECA0] =	vst v63  }
0x1b0: {  	_ =	swait.ge [sflag:s15], $0x2000  }
0x1b1: {  	s30 =	sld [smem:$0x7FB]  }
0x1b2: {  	[sflag:s15] =	ssyncset.done $0x0  }
0x1b3: {  	[sflag:s15] =	ssyncadd.s32 $0xFFFFE000  }
0x1b4: {  	[hbm4b:s30+s5] =	stream.linear.scatter [tilespmem:s23], [sflag:$0x8], $0x2000, $0x38;
	[tilespmem:$0x1ECA0] =	vst v63  }
0x1b5: {  	_ =	swait.ge [sflag:s15], $0x2000  }
0x1b6: {  	[sflag:s15] =	ssyncset.done $0x0  }
0x1b7: {  	s31 =	rddreg [dreg:$0x17];
	[sflag:s15] =	ssyncadd.s32 $0xFFFFE000  }
0x1b8: {  	[tilespmem:s23], [sflag:$0x8] =	stream.linear.gather [spmem:s31], $0x2000, $0x38;
	[tilespmem:$0x1ECA0] =	vst v63  }
0x1b9: {  	_ =	swait.ge [sflag:s15], $0x2000  }
0x1ba: {  	s30 =	sld [smem:$0x7FC]  }
0x1bb: {  	[sflag:s15] =	ssyncset.done $0x0  }
0x1bc: {  	[sflag:s15] =	ssyncadd.s32 $0xFFFFE000  }
0x1bd: {  	[hbm4b:s30+s5] =	stream.linear.scatter [tilespmem:s23], [sflag:$0x8], $0x2000, $0x38;
	[tilespmem:$0x1ECA0] =	vst v63  }
0x1be: {  	_ =	swait.ge [sflag:s15], $0x2000  }
0x1bf: {  	[sflag:s15] =	ssyncset.done $0x0  }
0x1c0: {  	s31 =	rddreg [dreg:$0x18];
	[sflag:s15] =	ssyncadd.s32 $0xFFFFE000  }
0x1c1: {  	[tilespmem:s23], [sflag:$0x8] =	stream.linear.gather [spmem:s31], $0x2000, $0x38;
	[tilespmem:$0x1ECA0] =	vst v63  }
0x1c2: {  	_ =	swait.ge [sflag:s15], $0x2000  }
0x1c3: {  	s30 =	sld [smem:$0x7FD]  }
0x1c4: {  	[sflag:s15] =	ssyncset.done $0x0  }
0x1c5: {  	[sflag:s15] =	ssyncadd.s32 $0xFFFFE000  }
0x1c6: {  	[hbm4b:s30+s5] =	stream.linear.scatter [tilespmem:s23], [sflag:$0x8], $0x2000, $0x38;
	[tilespmem:$0x1ECA0] =	vst v63  }
0x1c7: {  	_ =	swait.ge [sflag:s15], $0x2000  }
0x1c8: {  	[sflag:s15] =	ssyncset.done $0x0  }
0x1c9: {  	[sflag:s15] =	ssyncadd.s32 $0xFFFFE000  }
0x1ca: {  	[tilespmem:s16], [sflag:$0x8] =	stream.linear.gather [spmem:s2], $0xA00, $0x38;
	[tilespmem:$0x1ECA0] =	vst v63  }
0x1cb: {  	_ =	swait.ge [sflag:s15], $0xA00  }
0x1cc: {  	[sflag:s15] =	ssyncset.done $0x0  }
0x1cd: {  	s31 =	rddreg [dreg:$0xc];
	[sflag:s15] =	ssyncadd.s32 $0xFFFFF600  }
0x1ce: {  	[hbm4b:s31+s5] =	stream.linear.scatter [tilespmem:s16], [sflag:$0x8], $0xA00, $0x38;
	[tilespmem:$0x1ECA0] =	vst v63  }
0x1cf: {  	_ =	swait.ge [sflag:s15], $0xA00  }
0x1d0: {  	[sflag:s15] =	ssyncset.done $0x0  }
0x1d1: {  	s30 =	rddreg [dreg:$0x19];
	[sflag:s15] =	ssyncadd.s32 $0xFFFFF600  }
0x1d2: {  	[tilespmem:s16], [sflag:$0x8] =	stream.linear.gather [spmem:s30], $0xA00, $0x38;
	[tilespmem:$0x1ECA0] =	vst v63  }
0x1d3: {  	_ =	swait.ge [sflag:s15], $0xA00  }
0x1d4: {  	[sflag:s15] =	ssyncset.done $0x0  }
0x1d5: {  	s31 =	rddreg [dreg:$0xd];
	[sflag:s15] =	ssyncadd.s32 $0xFFFFF600  }
0x1d6: {  	[hbm4b:s31+s5] =	stream.linear.scatter [tilespmem:s16], [sflag:$0x8], $0xA00, $0x38;
	[tilespmem:$0x1ECA0] =	vst v63  }
0x1d7: {  	_ =	swait.ge [sflag:s15], $0xA00  }
0x1d8: {  	[sflag:s15] =	ssyncset.done $0x0  }
0x1d9: {  	s30 =	rddreg [dreg:$0x9];
	[sflag:s15] =	ssyncadd.s32 $0xFFFFF600  }
0x1da: {  	[tilespmem:s16], [sflag:$0x8] =	stream.linear.gather [spmem:s30], $0xA00, $0x38;
	[tilespmem:$0x1ECA0] =	vst v63  }
0x1db: {  	_ =	swait.ge [sflag:s15], $0xA00  }
0x1dc: {  	[sflag:s15] =	ssyncset.done $0x0  }
0x1dd: {  	s31 =	rddreg [dreg:$0xe];
	[sflag:s15] =	ssyncadd.s32 $0xFFFFF600  }
0x1de: {  	[hbm4b:s31+s5] =	stream.linear.scatter [tilespmem:s16], [sflag:$0x8], $0xA00, $0x38;
	[tilespmem:$0x1ECA0] =	vst v63  }
0x1df: {  	_ =	swait.ge [sflag:s15], $0xA00  }
0x1e0: {  	[sflag:s15] =	ssyncset.done $0x0  }
0x1e1: {  	s30 =	rddreg [dreg:$0x1a];
	[sflag:s15] =	ssyncadd.s32 $0xFFFFF600  }
0x1e2: {  	[tilespmem:s16], [sflag:$0x8] =	stream.linear.gather [spmem:s30], $0xA00, $0x38;
	[tilespmem:$0x1ECA0] =	vst v63  }
0x1e3: {  	_ =	swait.ge [sflag:s15], $0xA00  }
0x1e4: {  	[sflag:s15] =	ssyncset.done $0x0  }
0x1e5: {  	s31 =	rddreg [dreg:$0xf];
	[sflag:s15] =	ssyncadd.s32 $0xFFFFF600  }
0x1e6: {  	[hbm4b:s31+s5] =	stream.linear.scatter [tilespmem:s16], [sflag:$0x8], $0xA00, $0x38;
	[tilespmem:$0x1ECA0] =	vst v63  }
0x1e7: {  	_ =	swait.ge [sflag:s15], $0xA00  }
0x1e8: {  	[sflag:s15] =	ssyncset.done $0x0  }
0x1e9: {  	s30 =	rddreg [dreg:$0x10];
	[sflag:s15] =	ssyncadd.s32 $0xFFFFF600  }
0x1ea: {  	[hbm4b:s30+s5] =	stream.linear.scatter [tilespmem:s26], [sflag:$0x8], $0x2710, $0x38;
	[tilespmem:$0x1ECA0] =	vst v63  }
0x1eb: {  	_ =	swait.ge [sflag:s15], $0x2710  }
0x1ec: {  	[sflag:s15] =	ssyncset.done $0x0  }
0x1ed: {  	s30 =	simm.s32 $0x1C1B0;
	s31 =	rddreg [dreg:$0x11];
	[sflag:s15] =	ssyncadd.s32 $0xFFFFD8F0  }
0x1ee: {  	[hbm4b:s31+s5] =	stream.linear.scatter [tilespmem:s30], [sflag:$0x8], $0xF0, $0x38;
	[tilespmem:$0x1ECA0] =	vst v63  }
0x1ef: {  	_ =	swait.ge [sflag:s15], $0xF0  }
0x1f0: {  	s29 =	sadd.s32 $0x1, s29;
	s31 =	rddreg [dreg:$0x12]  }
0x1f1: {  	p0 =	sne.s32 s29, s31  }
.Ltmp4:
0x1f2: {  	_ = 	snop;
	(pc) =	sbr.rel @p0 .LBB2_1-.Ltmp4, $3  }
0x1f3: {  	_ =	sdelay $0x1  }
0x1f4: {  	[sflag:s15] =	ssyncset.done $0x0  }
0x1f5: {  	[sflag:s15] =	ssyncadd.s32 $0xFFFFFF10  }
0x1f6: {  	_ =	sfence.sel $0x180000  }
0x1f7: {  	[bflag:$0x0] =	sbarrier.arrive $0xFFFF  }
0x1f8: {  	_ =	strace $0x90000047  }
0x1f9: {  	s0 =	stileid.u32;
	[bflag:$0x2] =	sbarrier.arrive $0xFFFF  }
0x1fa: {  	p0 =	sne.s32 s0, $0x0;
	s0 =	rddreg [dreg:$0x4]  }
0x1fb: {  	s0 =	sadd.s32 @!p0 $0x100000, s0  }
0x1fc: {  	[sflag:s0] =	ssyncadd.tile.s32 @!p0 $0x1;
	_ =	shalt  }
.Lfunc_end2:
_tile_overlayer_lowered:
.L_overlay_start_2:
0x1fd: {  	(tag) =	ssettag $0x2  }
0x1fe: {  	s0 =	rddreg [dreg:$0x0];
	s2 =	stileid.u32  }
0x1ff: {  	s1 =	rddreg [dreg:$0x1];
	p0 =	sne.s32 s2, $0x0  }
0x200: {  	s3 =	rddreg [dreg:$0x2];
	[bflag:$0x3] =	sbarrier.arrive $0xFFFF;
	s2 =	simm.s32 @!p0 $0x1C08  }
0x201: {  	[timem:s3], [sflag:s2] =	dma.local @!p0 [hbm:s0], s1  }
0x202: {  	s0 =	simm.s32 @!p0 $0x8  }
0x203: {  	_ =	swait.ge @!p0 [sflag:s0], s1  }
0x204: {  	s1 =	ssub.s32 @!p0 $0x0, s1;
	[sflag:s0] =	ssyncset.done @!p0 $0x0  }
0x205: {  	[sflag:s0] =	ssyncadd.s32 @!p0 s1  }
0x206: {  	[bflag:$0x3] =	sbarrier.arrive $0xFFFF  }
0x207: {  	_ =	shalt  }

</sc_bundles>
